<compile_context>
chip_gen: v7x
topology: tpu7x:2x2x1
jax: 0.10.2.dev20260603
libtpu: 0.0.44.dev20260713+nightly
codegen_flags: <defaults>
</compile_context>

<pallas_src>
import functools

import jax
import jax.numpy as jnp
from jax import lax
from jax.experimental import pallas as pl
from jax.experimental.pallas import tpu as pltpu
from jax.experimental.pallas import tpu_sc as plsc

B, E, N, D = 16, 32000, 1000, 64
E2 = E // 2
NP = 1024
NH = NP // 2
L = 16
CH = 3200
NCH = E2 // CH
MCAP = 2048
GW = B * NH

_sc_mesh = plsc.VectorSubcoreMesh(core_axis_name="c", subcore_axis_name="s")


def _sc_body(ei_hbm, act_hbm, ea_hbm, gath_out, win_out,
             rc_v, win_v, wsp_v, mev_v, mcol_v, tbuf, rows_v, act_v,
             nwin_v, nmc_v, ncv_v, grp_v,
             sh_rows, sh_win, sh_mc, sh_cnt, sem):
    cc_ax = lax.axis_index("c")
    s = lax.axis_index("s")
    b = cc_ax * 8 + s // 2
    h = s % 2
    lanes = lax.iota(jnp.int32, L)
    pltpu.sync_copy(act_hbm, act_v)
    a = plsc.load_gather(act_v, [jnp.full((L,), b, jnp.int32)])
    e0 = h * E2

    def init_body(i, _):
        win_v[pl.ds(i * L, L)] = jnp.full((L,), -1, jnp.int32)
        return 0
    lax.fori_loop(0, NP // L, init_body, 0)

    cnt = jnp.int32(0)
    for g in range(NCH):
        pltpu.sync_copy(ei_hbm.at[b, :, pl.ds(e0 + g * CH, CH)], rc_v)

        def scan_body(i, cnt, g=g):
            r = rc_v[0, pl.ds(i * L, L)]
            cidx = rc_v[1, pl.ds(i * L, L)]
            ev = e0 + jnp.int32(g * CH) + i * L + lanes
            m = r == a
            cl = jnp.minimum(cnt, MCAP)
            plsc.store_scatter(win_v, [cidx], ev, mask=m)
            plsc.store_compressed(mev_v.at[pl.ds(cl, L)], ev, mask=m)
            plsc.store_compressed(mcol_v.at[pl.ds(cl, L)], cidx, mask=m)
            return cnt + plsc.all_reduce_population_count(m)[0]
        cnt = lax.fori_loop(0, CH // L, scan_body, cnt)
    cnt = jnp.minimum(cnt, MCAP)

    def fetch_body(i, _):
        w = mev_v[pl.ds(i, L)][0]
        cc = mcol_v[pl.ds(i, L)][0]
        w128 = pl.multiple_of((w // 128) * 128, 128)
        pltpu.sync_copy(ea_hbm.at[b, :, pl.ds(w128, 128)], tbuf)
        wsub = jnp.full((L,), w - w128, jnp.int32)
        half = (cc % 2) * D
        for k in range(D // L):
            rows_v[cc // 2, pl.ds(half + k * L, L)] = \
                plsc.load_gather(tbuf, [lanes + k * L, wsub])
        return 0
    lax.fori_loop(0, cnt, fetch_body, 0)

    p = s // 2

    @pl.when(h == 1)
    def _():
        ncv_v[...] = jnp.full((L,), cnt, jnp.int32)
        pltpu.sync_copy(rows_v, sh_rows.at[pl.ds(p * NH, NH)])
        pltpu.sync_copy(win_v, sh_win.at[pl.ds(p * NP, NP)])
        pltpu.sync_copy(mcol_v, sh_mc.at[pl.ds(p * (MCAP + L), MCAP + L)])
        pltpu.sync_copy(ncv_v, sh_cnt.at[pl.ds(p * L, L)])

    plsc.subcore_barrier()

    @pl.when(h == 0)
    def _():
        pltpu.sync_copy(sh_win.at[pl.ds(p * NP, NP)], nwin_v)
        pltpu.sync_copy(sh_mc.at[pl.ds(p * (MCAP + L), MCAP + L)], nmc_v)
        pltpu.sync_copy(sh_cnt.at[pl.ds(p * L, L)], ncv_v)
        ncnt = jnp.minimum(ncv_v[...][0], MCAP)

        def merge_body(i, _):
            mc = nmc_v[pl.ds(i, L)][0]
            pr = mc // 2
            g8 = pl.multiple_of((pr // 8) * 8, 8)
            pltpu.sync_copy(sh_rows.at[pl.ds(p * NH + g8, 8)], grp_v)
            half = (mc % 2) * D
            for k in range(D // L):
                rows_v[pr, pl.ds(half + k * L, L)] = \
                    grp_v[pr - g8, pl.ds(half + k * L, L)]
            return 0
        lax.fori_loop(0, ncnt, merge_body, 0)

        def wmerge_body(i, _):
            win_v[pl.ds(i * L, L)] = jnp.maximum(
                win_v[pl.ds(i * L, L)], nwin_v[pl.ds(i * L, L)])
            return 0
        lax.fori_loop(0, NP // L, wmerge_body, 0)

        for j in range(NH // L):
            idx2 = (j * L + lanes) * 2
            wsp_v[pl.ds(j * L, L)] = plsc.load_gather(win_v, [idx2])
            wsp_v[pl.ds(NH + j * L, L)] = \
                plsc.load_gather(win_v, [idx2 + 1])

        pltpu.sync_copy(rows_v, gath_out.at[pl.ds(b * NH, NH)])
        pltpu.sync_copy(wsp_v.at[pl.ds(0, NH)],
                        win_out.at[pl.ds(b * NH, NH)])
        pltpu.sync_copy(wsp_v.at[pl.ds(NH, NH)],
                        win_out.at[pl.ds(GW + b * NH, NH)])


_sc_select = pl.kernel(
    _sc_body,
    out_type=(
        jax.ShapeDtypeStruct((GW, 2 * D), jnp.float32),
        jax.ShapeDtypeStruct((2 * GW,), jnp.int32),
    ),
    mesh=_sc_mesh,
    compiler_params=pltpu.CompilerParams(needs_layout_passes=False),
    scratch_types=[
        pltpu.VMEM((2, CH), jnp.int32),
        pltpu.VMEM((NP,), jnp.int32),
        pltpu.VMEM((NP,), jnp.int32),
        pltpu.VMEM((MCAP + L,), jnp.int32),
        pltpu.VMEM((MCAP + L,), jnp.int32),
        pltpu.VMEM((D, 128), jnp.float32),
        pltpu.VMEM((NH, 2 * D), jnp.float32),
        pltpu.VMEM((L,), jnp.int32),
        pltpu.VMEM((NP,), jnp.int32),
        pltpu.VMEM((MCAP + L,), jnp.int32),
        pltpu.VMEM((L,), jnp.int32),
        pltpu.VMEM((8, 2 * D), jnp.float32),
        pltpu.VMEM_SHARED((8 * NH, 2 * D), jnp.float32),
        pltpu.VMEM_SHARED((8 * NP,), jnp.int32),
        pltpu.VMEM_SHARED((8 * (MCAP + L),), jnp.int32),
        pltpu.VMEM_SHARED((8 * L,), jnp.int32),
        pltpu.SemaphoreType.DMA,
    ],
)


def _mlp_body(g_ref, wn_ref, am_ref, w0_ref, b0_ref, w1_ref, b1_ref,
              w2_ref, b2_ref, wo_ref, bo_ref, lp_ref, mk_ref):
    g = g_ref[...]
    wn = wn_ref[...]
    am = am_ref[...]
    wvec = wo_ref[...][0]
    bo = bo_ref[0]
    outs = []
    for x in (g[:, :D], g[:, D:]):
        for w_r, b_r in ((w0_ref, b0_ref), (w1_ref, b1_ref),
                         (w2_ref, b2_ref)):
            y = lax.dot_general(x, w_r[...], (((1,), (1,)), ((), ())),
                                preferred_element_type=jnp.float32)
            y = y + b_r[...][None, :]
            x = y * jax.nn.sigmoid(y)
        outs.append(jnp.sum(x * wvec[None, :], axis=1) + bo)
    logits = jnp.concatenate(outs)
    lp = jnp.where(wn >= 0, logits, jnp.float32(-1e9))
    lp_ref[...] = jnp.where(am == 0, jnp.float32(-jnp.inf), lp)
    mk_ref[...] = (am == 0).astype(jnp.int8)


_mlp_call = pl.pallas_call(
    _mlp_body,
    out_shape=[
        jax.ShapeDtypeStruct((B * NP,), jnp.float32),
        jax.ShapeDtypeStruct((B * NP,), jnp.int8),
    ],
)


def kernel(edge_attr, edge_index, action, action_mask,
           W0, b0, W1, b1, W2, b2, Wout, bout):
    act = action.astype(jnp.int32)
    gath, win = _sc_select(edge_index.astype(jnp.int32), act,
                           edge_attr.transpose(0, 2, 1))
    am_pad = jnp.pad(action_mask, ((0, 0), (0, NP - N))).astype(jnp.int32)
    am2 = am_pad.reshape(GW, 2)
    am_cat = jnp.concatenate([am2[:, 0], am2[:, 1]])
    lp_flat, mk_flat = _mlp_call(
        gath, win, am_cat, W0, b0, W1, b1, W2, b2, Wout, bout)
    lp2 = jnp.stack([lp_flat[:GW].reshape(B, NH),
                     lp_flat[GW:].reshape(B, NH)], axis=-1)
    mk2 = jnp.stack([mk_flat[:GW].reshape(B, NH),
                     mk_flat[GW:].reshape(B, NH)], axis=-1)
    log_p = lp2.reshape(B, NP)[:, :N]
    mask = mk2.reshape(B, NP)[:, :N].astype(bool)
    return log_p, mask

# --- scband reference (transcript-rebuilt; emitter-appended) ---
"""Pipeline reference for scband-non-autoregressive-decoder-48120813584451 (READ-ONLY COPY).

The authoritative reference and input builder live on the scoring server;
editing this copy changes nothing except your own understanding.
"""

import jax, jax.numpy as jnp
import numpy as np

B, E, N, D = 16, 32000, 1000, 64

def setup_inputs(seed: int = 0) -> dict:
    key = jax.random.key(seed)
    ks = jax.random.split(key, 12)
    inp = {
        "edge_attr": jax.random.normal(ks[0], (B, E, D), dtype=jnp.float32),
        "edge_index": jax.random.randint(ks[1], (B, 2, E), 0, N),
        "action": jax.random.randint(ks[2], (B,), 0, N),
        "action_mask": jax.random.randint(ks[3], (B, N), 0, 2).astype(jnp.bool_),
    }
    s = 1.0 / np.sqrt(D)
    for i in range(3):
        inp[f"W{i}"] = jax.random.uniform(ks[4 + i], (D, D), minval=-s, maxval=s, dtype=jnp.float32)
        inp[f"b{i}"] = jax.random.uniform(ks[7 + i], (D,), minval=-s, maxval=s, dtype=jnp.float32)
    inp["Wout"] = jax.random.uniform(ks[10], (1, D), minval=-s, maxval=s, dtype=jnp.float32)
    inp["bout"] = jax.random.uniform(ks[11], (1,), minval=-s, maxval=s, dtype=jnp.float32)
    return inp

def reference(edge_attr, edge_index, action, action_mask, W0, b0, W1, b1, W2, b2, Wout, bout):
    # _mlp_decode: per-edge MLP with silu activations
    x = edge_attr
    for W, b in ((W0, b0), (W1, b1), (W2, b2)):
        x = jax.nn.silu(x @ W.T + b)
    logits = (x @ Wout.T + bout)[..., 0]  # [B, E]
    # _make_heatmaps: scatter-overwrite edge logits into dense [B, N, N] heatmap initialized to -1e9
    heat = jnp.full((B, N, N), -1e9, dtype=jnp.float32)
    bidx = jnp.arange(B)[:, None]
    heat = heat.at[bidx, edge_index[:, 0, :], edge_index[:, 1, :]].set(logits)
    # _get_log_p: gather rows for current action, mask infeasible actions
    mask = ~action_mask
    log_p = heat[jnp.arange(B), action, :]  # [B, N]
    log_p = jnp.where(mask, -jnp.inf, log_p)
    return log_p, mask

if __name__ == "__main__":
    import jax
    _d = setup_inputs()
    print(jax.jit(kernel)(*tuple(_d.values())))

</pallas_src>

<mosaic_0001>
#map = affine_map<(d0, d1) -> (0, 0, 0)>
#map1 = affine_map<(d0, d1) -> (0)>
#map2 = affine_map<(d0, d1) -> (0, 0)>
module attributes {stable_mosaic.version = 14 : i64} {
  func.func @_sc_body(%arg0: i32, %arg1: i32, %arg2: memref<16x2x32000xi32, #tpu.memory_space<hbm>>, %arg3: memref<16xi32, #tpu.memory_space<hbm>>, %arg4: memref<16x64x32000xf32, #tpu.memory_space<hbm>>, %arg5: memref<8192x128xf32, #tpu.memory_space<hbm>>, %arg6: memref<16384xi32, #tpu.memory_space<hbm>>, %arg7: memref<2x3200xi32, #tpu.memory_space<vmem>>, %arg8: memref<1024xi32, #tpu.memory_space<vmem>>, %arg9: memref<1024xi32, #tpu.memory_space<vmem>>, %arg10: memref<2064xi32, #tpu.memory_space<vmem>>, %arg11: memref<2064xi32, #tpu.memory_space<vmem>>, %arg12: memref<64x128xf32, #tpu.memory_space<vmem>>, %arg13: memref<512x128xf32, #tpu.memory_space<vmem>>, %arg14: memref<16xi32, #tpu.memory_space<vmem>>, %arg15: memref<1024xi32, #tpu.memory_space<vmem>>, %arg16: memref<2064xi32, #tpu.memory_space<vmem>>, %arg17: memref<16xi32, #tpu.memory_space<vmem>>, %arg18: memref<8x128xf32, #tpu.memory_space<vmem>>, %arg19: memref<4096x128xf32, #tpu.memory_space<vmem_shared>>, %arg20: memref<8192xi32, #tpu.memory_space<vmem_shared>>, %arg21: memref<16512xi32, #tpu.memory_space<vmem_shared>>, %arg22: memref<128xi32, #tpu.memory_space<vmem_shared>>, %arg23: memref<!tpu.dma_semaphore, #tpu.memory_space<semaphore_mem>>) attributes {dimension_semantics = [#tpu.dimension_semantics<core_parallel>, #tpu.dimension_semantics<subcore_parallel>], iteration_bounds = array<i64: 2, 16>, scalar_prefetch = 0 : i64, scratch_operands = 17 : i64, tpu.core_type = #tpu.core_type<sc_vector_subcore>, window_params = [{transform_indices = #map}, {transform_indices = #map1}, {transform_indices = #map}, {transform_indices = #map2}, {transform_indices = #map1}]} {
    %mul3A = arith.constant 8 : i32
    %mul3A_0 = arith.muli %arg0, %mul3A : i32
    %jit3A = arith.constant 2 : i32
    %div3A = arith.divsi %arg1, %jit3A : i32
    %sign3A = arith.constant 0 : i32
    %sign3A_1 = arith.cmpi sgt, %arg1, %sign3A : i32
    %sign3A_2 = arith.extui %sign3A_1 : i1 to i32
    %sign3A_3 = arith.constant 0 : i32
    %sign3A_4 = arith.cmpi slt, %arg1, %sign3A_3 : i32
    %sign3A_5 = arith.extui %sign3A_4 : i1 to i32
    %sign3A_6 = arith.subi %sign3A_2, %sign3A_5 : i32
    %sign3A_7 = arith.constant 0 : i32
    %sign3A_8 = arith.cmpi sgt, %jit3A, %sign3A_7 : i32
    %sign3A_9 = arith.extui %sign3A_8 : i1 to i32
    %sign3A_10 = arith.constant 0 : i32
    %sign3A_11 = arith.cmpi slt, %jit3A, %sign3A_10 : i32
    %sign3A_12 = arith.extui %sign3A_11 : i1 to i32
    %sign3A_13 = arith.subi %sign3A_9, %sign3A_12 : i32
    %ne3A = arith.cmpi ne, %sign3A_6, %sign3A_13 : i32
    %rem3A = arith.remsi %arg1, %jit3A : i32
    %ne3A_14 = arith.constant 0 : i32
    %ne3A_15 = arith.cmpi ne, %rem3A, %ne3A_14 : i32
    %and3A = arith.andi %ne3A, %ne3A_15 : i1
    %sub3A = arith.constant 1 : i32
    %sub3A_16 = arith.subi %div3A, %sub3A : i32
    %select_n3A = arith.select %and3A, %sub3A_16, %div3A : i32
    %add3A = arith.addi %mul3A_0, %select_n3A : i32
    %jit3A_17 = arith.constant 2 : i32
    %eq3A = arith.constant 0 : i32
    %eq3A_18 = arith.cmpi eq, %jit3A_17, %eq3A : i32
    %jit3A_19 = arith.constant 1 : i32
    %select_n3A_20 = arith.select %eq3A_18, %jit3A_19, %jit3A_17 : i32
    %rem3A_21 = arith.remsi %arg1, %select_n3A_20 : i32
    %ne3A_22 = arith.constant 0 : i32
    %ne3A_23 = arith.cmpi ne, %rem3A_21, %ne3A_22 : i32
    %lt3A = arith.constant 0 : i32
    %lt3A_24 = arith.cmpi slt, %rem3A_21, %lt3A : i32
    %lt3A_25 = arith.constant 0 : i32
    %lt3A_26 = arith.cmpi slt, %select_n3A_20, %lt3A_25 : i32
    %ne3A_27 = arith.xori %lt3A_24, %lt3A_26 : i1
    %and3A_28 = arith.andi %ne3A_27, %ne3A_23 : i1
    %add3A_29 = arith.addi %rem3A_21, %select_n3A_20 : i32
    %select_n3A_30 = arith.select %and3A_28, %add3A_29, %rem3A_21 : i32
    %iota3A = tpu.iota {dimensions = array<i32: 0>} : vector<16xi32>
    "tpu.region"() ({
      %run_scoped3A = tpu.sem_alloc : memref<!tpu.dma_semaphore, #tpu.memory_space<semaphore_mem>>
      tpu.enqueue_dma source(%arg3 : memref<16xi32, #tpu.memory_space<hbm>>) target(%arg14 : memref<16xi32, #tpu.memory_space<vmem>>) target_semaphore(%run_scoped3A : memref<!tpu.dma_semaphore, #tpu.memory_space<semaphore_mem>>)
      tpu.wait_dma2 semaphore(%run_scoped3A : memref<!tpu.dma_semaphore, #tpu.memory_space<semaphore_mem>>) src(%arg3 : memref<16xi32, #tpu.memory_space<hbm>>) dst(%arg14 : memref<16xi32, #tpu.memory_space<vmem>>)
      tpu.yield
    }) : () -> ()
    %broadcast_in_dim3A = vector.broadcast %add3A : i32 to vector<16xi32>
    %gather3A = tpu.vector_load_idx %arg14[%broadcast_in_dim3A] : memref<16xi32, #tpu.memory_space<vmem>>[vector<16xi32>], vector<16xi32>,
    %mul3A_31 = arith.constant 16000 : i32
    %mul3A_32 = arith.muli %select_n3A_30, %mul3A_31 : i32
    %scan3A = arith.constant 0 : i32
    %scan3A_33 = arith.constant 0 : i32
    %scan3A_34 = arith.constant 64 : i32
    %scan3A_35 = arith.addi %scan3A_33, %scan3A_34 : i32
    %scan3A_36 = arith.constant 1 : i32
    %scan3A_37 = scf.for %scan3A_124 = %scan3A_33 to %scan3A_35 step %scan3A_36 iter_args(%scan3A_125 = %scan3A) -> (i32)  : i32 {
      %broadcast_in_dim3A_126 = arith.constant -1 : i32
      %broadcast_in_dim3A_127 = vector.broadcast %broadcast_in_dim3A_126 : i32 to vector<16xi32>
      %mul3A_128 = arith.constant 16 : i32
      %mul3A_129 = arith.muli %scan3A_124, %mul3A_128 : i32
      %swap3A = arith.index_cast %mul3A_129 : i32 to index
      %swap3A_130 = tpu.vector_load %arg8[%swap3A] {strides = array<i32>} : memref<1024xi32, #tpu.memory_space<vmem>>, vector<16xi32>,
      tpu.vector_store %arg8[%swap3A], %broadcast_in_dim3A_127 {strides = array<i32>} : memref<1024xi32, #tpu.memory_space<vmem>>, vector<16xi32>,
      %scan3A_131 = arith.constant 0 : i32
      scf.yield %scan3A_131 : i32
    }
    %scan3A_38 = arith.constant 64 : i32
    %add3A_39 = arith.constant 0 : i32
    %add3A_40 = arith.addi %mul3A_32, %add3A_39 : i32
    "tpu.region"() ({
      %run_scoped3A = tpu.sem_alloc : memref<!tpu.dma_semaphore, #tpu.memory_space<semaphore_mem>>
      %dma_start3A = arith.constant 0 : i32
      %dma_start3A_124 = tpu.memref_slice %arg2[%add3A, %dma_start3A, %add3A_40] : memref<16x2x32000xi32, #tpu.memory_space<hbm>> -> memref<1x2x3200xi32, #tpu.memory_space<hbm>>
      %dma_start3A_125 = tpu.memref_squeeze %dma_start3A_124 : memref<1x2x3200xi32, #tpu.memory_space<hbm>> -> memref<2x3200xi32, #tpu.memory_space<hbm>>
      %dma_start3A_126 = arith.constant 0 : i32
      %dma_start3A_127 = tpu.memref_slice %arg2[%add3A, %dma_start3A_126, %add3A_40] : memref<16x2x32000xi32, #tpu.memory_space<hbm>> -> memref<1x2x3200xi32, #tpu.memory_space<hbm>>
      %dma_start3A_128 = tpu.memref_squeeze %dma_start3A_127 : memref<1x2x3200xi32, #tpu.memory_space<hbm>> -> memref<2x3200xi32, #tpu.memory_space<hbm>>
      tpu.enqueue_dma source(%dma_start3A_128 : memref<2x3200xi32, #tpu.memory_space<hbm>>) target(%arg7 : memref<2x3200xi32, #tpu.memory_space<vmem>>) target_semaphore(%run_scoped3A : memref<!tpu.dma_semaphore, #tpu.memory_space<semaphore_mem>>)
      %dma_wait3A = arith.constant 0 : i32
      %dma_wait3A_129 = tpu.memref_slice %arg2[%add3A, %dma_wait3A, %add3A_40] : memref<16x2x32000xi32, #tpu.memory_space<hbm>> -> memref<1x2x3200xi32, #tpu.memory_space<hbm>>
      %dma_wait3A_130 = tpu.memref_squeeze %dma_wait3A_129 : memref<1x2x3200xi32, #tpu.memory_space<hbm>> -> memref<2x3200xi32, #tpu.memory_space<hbm>>
      %dma_wait3A_131 = arith.constant 0 : i32
      %dma_wait3A_132 = tpu.memref_slice %arg2[%add3A, %dma_wait3A_131, %add3A_40] : memref<16x2x32000xi32, #tpu.memory_space<hbm>> -> memref<1x2x3200xi32, #tpu.memory_space<hbm>>
      %dma_wait3A_133 = tpu.memref_squeeze %dma_wait3A_132 : memref<1x2x3200xi32, #tpu.memory_space<hbm>> -> memref<2x3200xi32, #tpu.memory_space<hbm>>
      tpu.wait_dma2 semaphore(%run_scoped3A : memref<!tpu.dma_semaphore, #tpu.memory_space<semaphore_mem>>) src(%dma_wait3A_133 : memref<2x3200xi32, #tpu.memory_space<hbm>>) dst(%arg7 : memref<2x3200xi32, #tpu.memory_space<vmem>>)
      tpu.yield
    }) : () -> ()
    %scan3A_41 = arith.constant 0 : i32
    %scan3A_42 = arith.constant 0 : i32
    %scan3A_43 = arith.constant 200 : i32
    %scan3A_44 = arith.addi %scan3A_42, %scan3A_43 : i32
    %scan3A_45 = arith.constant 1 : i32
    %scan3A_46 = scf.for %scan3A_124 = %scan3A_42 to %scan3A_44 step %scan3A_45 iter_args(%scan3A_125 = %scan3A_41) -> (i32)  : i32 {
      %mul3A_126 = arith.constant 16 : i32
      %mul3A_127 = arith.muli %scan3A_124, %mul3A_126 : i32
      %get3A = arith.constant 0 : i32
      %get3A_128 = arith.index_cast %get3A : i32 to index
      %get3A_129 = arith.index_cast %mul3A_127 : i32 to index
      %get3A_130 = tpu.vector_load %arg7[%get3A_128, %get3A_129] {strides = array<i32>} : memref<2x3200xi32, #tpu.memory_space<vmem>>, vector<16xi32>,
      %mul3A_131 = arith.constant 16 : i32
      %mul3A_132 = arith.muli %scan3A_124, %mul3A_131 : i32
      %get3A_133 = arith.constant 1 : i32
      %get3A_134 = arith.index_cast %get3A_133 : i32 to index
      %get3A_135 = arith.index_cast %mul3A_132 : i32 to index
      %get3A_136 = tpu.vector_load %arg7[%get3A_134, %get3A_135] {strides = array<i32>} : memref<2x3200xi32, #tpu.memory_space<vmem>>, vector<16xi32>,
      %add3A_137 = arith.constant 0 : i32
      %add3A_138 = arith.addi %mul3A_32, %add3A_137 : i32
      %mul3A_139 = arith.constant 16 : i32
      %mul3A_140 = arith.muli %scan3A_124, %mul3A_139 : i32
      %add3A_141 = arith.addi %add3A_138, %mul3A_140 : i32
      %add3A_142 = vector.broadcast %add3A_141 : i32 to vector<16xi32>
      %add3A_143 = arith.addi %add3A_142, %iota3A : vector<16xi32>
      %eq3A_144 = arith.cmpi eq, %get3A_130, %gather3A : vector<16xi32>
      %min3A_145 = arith.constant 2048 : i32
      %min3A_146 = arith.minsi %scan3A_125, %min3A_145 : i32
      tpu.vector_store_idx %arg8[%get3A_136], %add3A_143 masked %eq3A_144 : memref<1024xi32, #tpu.memory_space<vmem>>[vector<16xi32>], vector<16xi32>, vector<16xi1>
      %swap3A = arith.index_cast %min3A_146 : i32 to index
      %swap3A_147 = tpu.vector_load %arg10[%swap3A] masked %eq3A_144 {strides = array<i32>} : memref<2064xi32, #tpu.memory_space<vmem>>, vector<16xi32>, vector<16xi1>
      tpu.vector_store %arg10[%swap3A], %add3A_143 masked %eq3A_144 {strides = array<i32>} : memref<2064xi32, #tpu.memory_space<vmem>>, vector<16xi32>, vector<16xi1>
      %swap3A_148 = arith.index_cast %min3A_146 : i32 to index
      %swap3A_149 = tpu.vector_load %arg11[%swap3A_148] masked %eq3A_144 {strides = array<i32>} : memref<2064xi32, #tpu.memory_space<vmem>>, vector<16xi32>, vector<16xi1>
      tpu.vector_store %arg11[%swap3A_148], %get3A_136 masked %eq3A_144 {strides = array<i32>} : memref<2064xi32, #tpu.memory_space<vmem>>, vector<16xi32>, vector<16xi1>
      %all_reduce_population_count3A = tpu.all_reduce %eq3A_144 {dim = 0 : i64, kind = #tpu.reduction_kind<sum>} : vector<16xi1> -> vector<16xi32>
      %slice3A = vector.extract_strided_slice %all_reduce_population_count3A {offsets = [0], sizes = [1], strides = [1]} : vector<16xi32> to vector<1xi32>
      %squeeze3A = vector.extract %slice3A[0] : i32 from vector<1xi32>
      %add3A_150 = arith.addi %scan3A_125, %squeeze3A : i32
      scf.yield %add3A_150 : i32
    }
    %scan3A_47 = arith.constant 200 : i32
    %add3A_48 = arith.constant 3200 : i32
    %add3A_49 = arith.addi %mul3A_32, %add3A_48 : i32
    "tpu.region"() ({
      %run_scoped3A = tpu.sem_alloc : memref<!tpu.dma_semaphore, #tpu.memory_space<semaphore_mem>>
      %dma_start3A = arith.constant 0 : i32
      %dma_start3A_124 = tpu.memref_slice %arg2[%add3A, %dma_start3A, %add3A_49] : memref<16x2x32000xi32, #tpu.memory_space<hbm>> -> memref<1x2x3200xi32, #tpu.memory_space<hbm>>
      %dma_start3A_125 = tpu.memref_squeeze %dma_start3A_124 : memref<1x2x3200xi32, #tpu.memory_space<hbm>> -> memref<2x3200xi32, #tpu.memory_space<hbm>>
      %dma_start3A_126 = arith.constant 0 : i32
      %dma_start3A_127 = tpu.memref_slice %arg2[%add3A, %dma_start3A_126, %add3A_49] : memref<16x2x32000xi32, #tpu.memory_space<hbm>> -> memref<1x2x3200xi32, #tpu.memory_space<hbm>>
      %dma_start3A_128 = tpu.memref_squeeze %dma_start3A_127 : memref<1x2x3200xi32, #tpu.memory_space<hbm>> -> memref<2x3200xi32, #tpu.memory_space<hbm>>
      tpu.enqueue_dma source(%dma_start3A_128 : memref<2x3200xi32, #tpu.memory_space<hbm>>) target(%arg7 : memref<2x3200xi32, #tpu.memory_space<vmem>>) target_semaphore(%run_scoped3A : memref<!tpu.dma_semaphore, #tpu.memory_space<semaphore_mem>>)
      %dma_wait3A = arith.constant 0 : i32
      %dma_wait3A_129 = tpu.memref_slice %arg2[%add3A, %dma_wait3A, %add3A_49] : memref<16x2x32000xi32, #tpu.memory_space<hbm>> -> memref<1x2x3200xi32, #tpu.memory_space<hbm>>
      %dma_wait3A_130 = tpu.memref_squeeze %dma_wait3A_129 : memref<1x2x3200xi32, #tpu.memory_space<hbm>> -> memref<2x3200xi32, #tpu.memory_space<hbm>>
      %dma_wait3A_131 = arith.constant 0 : i32
      %dma_wait3A_132 = tpu.memref_slice %arg2[%add3A, %dma_wait3A_131, %add3A_49] : memref<16x2x32000xi32, #tpu.memory_space<hbm>> -> memref<1x2x3200xi32, #tpu.memory_space<hbm>>
      %dma_wait3A_133 = tpu.memref_squeeze %dma_wait3A_132 : memref<1x2x3200xi32, #tpu.memory_space<hbm>> -> memref<2x3200xi32, #tpu.memory_space<hbm>>
      tpu.wait_dma2 semaphore(%run_scoped3A : memref<!tpu.dma_semaphore, #tpu.memory_space<semaphore_mem>>) src(%dma_wait3A_133 : memref<2x3200xi32, #tpu.memory_space<hbm>>) dst(%arg7 : memref<2x3200xi32, #tpu.memory_space<vmem>>)
      tpu.yield
    }) : () -> ()
    %scan3A_50 = arith.constant 0 : i32
    %scan3A_51 = arith.constant 200 : i32
    %scan3A_52 = arith.addi %scan3A_50, %scan3A_51 : i32
    %scan3A_53 = arith.constant 1 : i32
    %scan3A_54 = scf.for %scan3A_124 = %scan3A_50 to %scan3A_52 step %scan3A_53 iter_args(%scan3A_125 = %scan3A_46) -> (i32)  : i32 {
      %mul3A_126 = arith.constant 16 : i32
      %mul3A_127 = arith.muli %scan3A_124, %mul3A_126 : i32
      %get3A = arith.constant 0 : i32
      %get3A_128 = arith.index_cast %get3A : i32 to index
      %get3A_129 = arith.index_cast %mul3A_127 : i32 to index
      %get3A_130 = tpu.vector_load %arg7[%get3A_128, %get3A_129] {strides = array<i32>} : memref<2x3200xi32, #tpu.memory_space<vmem>>, vector<16xi32>,
      %mul3A_131 = arith.constant 16 : i32
      %mul3A_132 = arith.muli %scan3A_124, %mul3A_131 : i32
      %get3A_133 = arith.constant 1 : i32
      %get3A_134 = arith.index_cast %get3A_133 : i32 to index
      %get3A_135 = arith.index_cast %mul3A_132 : i32 to index
      %get3A_136 = tpu.vector_load %arg7[%get3A_134, %get3A_135] {strides = array<i32>} : memref<2x3200xi32, #tpu.memory_space<vmem>>, vector<16xi32>,
      %add3A_137 = arith.constant 3200 : i32
      %add3A_138 = arith.addi %mul3A_32, %add3A_137 : i32
      %mul3A_139 = arith.constant 16 : i32
      %mul3A_140 = arith.muli %scan3A_124, %mul3A_139 : i32
      %add3A_141 = arith.addi %add3A_138, %mul3A_140 : i32
      %add3A_142 = vector.broadcast %add3A_141 : i32 to vector<16xi32>
      %add3A_143 = arith.addi %add3A_142, %iota3A : vector<16xi32>
      %eq3A_144 = arith.cmpi eq, %get3A_130, %gather3A : vector<16xi32>
      %min3A_145 = arith.constant 2048 : i32
      %min3A_146 = arith.minsi %scan3A_125, %min3A_145 : i32
      tpu.vector_store_idx %arg8[%get3A_136], %add3A_143 masked %eq3A_144 : memref<1024xi32, #tpu.memory_space<vmem>>[vector<16xi32>], vector<16xi32>, vector<16xi1>
      %swap3A = arith.index_cast %min3A_146 : i32 to index
      %swap3A_147 = tpu.vector_load %arg10[%swap3A] masked %eq3A_144 {strides = array<i32>} : memref<2064xi32, #tpu.memory_space<vmem>>, vector<16xi32>, vector<16xi1>
      tpu.vector_store %arg10[%swap3A], %add3A_143 masked %eq3A_144 {strides = array<i32>} : memref<2064xi32, #tpu.memory_space<vmem>>, vector<16xi32>, vector<16xi1>
      %swap3A_148 = arith.index_cast %min3A_146 : i32 to index
      %swap3A_149 = tpu.vector_load %arg11[%swap3A_148] masked %eq3A_144 {strides = array<i32>} : memref<2064xi32, #tpu.memory_space<vmem>>, vector<16xi32>, vector<16xi1>
      tpu.vector_store %arg11[%swap3A_148], %get3A_136 masked %eq3A_144 {strides = array<i32>} : memref<2064xi32, #tpu.memory_space<vmem>>, vector<16xi32>, vector<16xi1>
      %all_reduce_population_count3A = tpu.all_reduce %eq3A_144 {dim = 0 : i64, kind = #tpu.reduction_kind<sum>} : vector<16xi1> -> vector<16xi32>
      %slice3A = vector.extract_strided_slice %all_reduce_population_count3A {offsets = [0], sizes = [1], strides = [1]} : vector<16xi32> to vector<1xi32>
      %squeeze3A = vector.extract %slice3A[0] : i32 from vector<1xi32>
      %add3A_150 = arith.addi %scan3A_125, %squeeze3A : i32
      scf.yield %add3A_150 : i32
    }
    %scan3A_55 = arith.constant 200 : i32
    %add3A_56 = arith.constant 6400 : i32
    %add3A_57 = arith.addi %mul3A_32, %add3A_56 : i32
    "tpu.region"() ({
      %run_scoped3A = tpu.sem_alloc : memref<!tpu.dma_semaphore, #tpu.memory_space<semaphore_mem>>
      %dma_start3A = arith.constant 0 : i32
      %dma_start3A_124 = tpu.memref_slice %arg2[%add3A, %dma_start3A, %add3A_57] : memref<16x2x32000xi32, #tpu.memory_space<hbm>> -> memref<1x2x3200xi32, #tpu.memory_space<hbm>>
      %dma_start3A_125 = tpu.memref_squeeze %dma_start3A_124 : memref<1x2x3200xi32, #tpu.memory_space<hbm>> -> memref<2x3200xi32, #tpu.memory_space<hbm>>
      %dma_start3A_126 = arith.constant 0 : i32
      %dma_start3A_127 = tpu.memref_slice %arg2[%add3A, %dma_start3A_126, %add3A_57] : memref<16x2x32000xi32, #tpu.memory_space<hbm>> -> memref<1x2x3200xi32, #tpu.memory_space<hbm>>
      %dma_start3A_128 = tpu.memref_squeeze %dma_start3A_127 : memref<1x2x3200xi32, #tpu.memory_space<hbm>> -> memref<2x3200xi32, #tpu.memory_space<hbm>>
      tpu.enqueue_dma source(%dma_start3A_128 : memref<2x3200xi32, #tpu.memory_space<hbm>>) target(%arg7 : memref<2x3200xi32, #tpu.memory_space<vmem>>) target_semaphore(%run_scoped3A : memref<!tpu.dma_semaphore, #tpu.memory_space<semaphore_mem>>)
      %dma_wait3A = arith.constant 0 : i32
      %dma_wait3A_129 = tpu.memref_slice %arg2[%add3A, %dma_wait3A, %add3A_57] : memref<16x2x32000xi32, #tpu.memory_space<hbm>> -> memref<1x2x3200xi32, #tpu.memory_space<hbm>>
      %dma_wait3A_130 = tpu.memref_squeeze %dma_wait3A_129 : memref<1x2x3200xi32, #tpu.memory_space<hbm>> -> memref<2x3200xi32, #tpu.memory_space<hbm>>
      %dma_wait3A_131 = arith.constant 0 : i32
      %dma_wait3A_132 = tpu.memref_slice %arg2[%add3A, %dma_wait3A_131, %add3A_57] : memref<16x2x32000xi32, #tpu.memory_space<hbm>> -> memref<1x2x3200xi32, #tpu.memory_space<hbm>>
      %dma_wait3A_133 = tpu.memref_squeeze %dma_wait3A_132 : memref<1x2x3200xi32, #tpu.memory_space<hbm>> -> memref<2x3200xi32, #tpu.memory_space<hbm>>
      tpu.wait_dma2 semaphore(%run_scoped3A : memref<!tpu.dma_semaphore, #tpu.memory_space<semaphore_mem>>) src(%dma_wait3A_133 : memref<2x3200xi32, #tpu.memory_space<hbm>>) dst(%arg7 : memref<2x3200xi32, #tpu.memory_space<vmem>>)
      tpu.yield
    }) : () -> ()
    %scan3A_58 = arith.constant 0 : i32
    %scan3A_59 = arith.constant 200 : i32
    %scan3A_60 = arith.addi %scan3A_58, %scan3A_59 : i32
    %scan3A_61 = arith.constant 1 : i32
    %scan3A_62 = scf.for %scan3A_124 = %scan3A_58 to %scan3A_60 step %scan3A_61 iter_args(%scan3A_125 = %scan3A_54) -> (i32)  : i32 {
      %mul3A_126 = arith.constant 16 : i32
      %mul3A_127 = arith.muli %scan3A_124, %mul3A_126 : i32
      %get3A = arith.constant 0 : i32
      %get3A_128 = arith.index_cast %get3A : i32 to index
      %get3A_129 = arith.index_cast %mul3A_127 : i32 to index
      %get3A_130 = tpu.vector_load %arg7[%get3A_128, %get3A_129] {strides = array<i32>} : memref<2x3200xi32, #tpu.memory_space<vmem>>, vector<16xi32>,
      %mul3A_131 = arith.constant 16 : i32
      %mul3A_132 = arith.muli %scan3A_124, %mul3A_131 : i32
      %get3A_133 = arith.constant 1 : i32
      %get3A_134 = arith.index_cast %get3A_133 : i32 to index
      %get3A_135 = arith.index_cast %mul3A_132 : i32 to index
      %get3A_136 = tpu.vector_load %arg7[%get3A_134, %get3A_135] {strides = array<i32>} : memref<2x3200xi32, #tpu.memory_space<vmem>>, vector<16xi32>,
      %add3A_137 = arith.constant 6400 : i32
      %add3A_138 = arith.addi %mul3A_32, %add3A_137 : i32
      %mul3A_139 = arith.constant 16 : i32
      %mul3A_140 = arith.muli %scan3A_124, %mul3A_139 : i32
      %add3A_141 = arith.addi %add3A_138, %mul3A_140 : i32
      %add3A_142 = vector.broadcast %add3A_141 : i32 to vector<16xi32>
      %add3A_143 = arith.addi %add3A_142, %iota3A : vector<16xi32>
      %eq3A_144 = arith.cmpi eq, %get3A_130, %gather3A : vector<16xi32>
      %min3A_145 = arith.constant 2048 : i32
      %min3A_146 = arith.minsi %scan3A_125, %min3A_145 : i32
      tpu.vector_store_idx %arg8[%get3A_136], %add3A_143 masked %eq3A_144 : memref<1024xi32, #tpu.memory_space<vmem>>[vector<16xi32>], vector<16xi32>, vector<16xi1>
      %swap3A = arith.index_cast %min3A_146 : i32 to index
      %swap3A_147 = tpu.vector_load %arg10[%swap3A] masked %eq3A_144 {strides = array<i32>} : memref<2064xi32, #tpu.memory_space<vmem>>, vector<16xi32>, vector<16xi1>
      tpu.vector_store %arg10[%swap3A], %add3A_143 masked %eq3A_144 {strides = array<i32>} : memref<2064xi32, #tpu.memory_space<vmem>>, vector<16xi32>, vector<16xi1>
      %swap3A_148 = arith.index_cast %min3A_146 : i32 to index
      %swap3A_149 = tpu.vector_load %arg11[%swap3A_148] masked %eq3A_144 {strides = array<i32>} : memref<2064xi32, #tpu.memory_space<vmem>>, vector<16xi32>, vector<16xi1>
      tpu.vector_store %arg11[%swap3A_148], %get3A_136 masked %eq3A_144 {strides = array<i32>} : memref<2064xi32, #tpu.memory_space<vmem>>, vector<16xi32>, vector<16xi1>
      %all_reduce_population_count3A = tpu.all_reduce %eq3A_144 {dim = 0 : i64, kind = #tpu.reduction_kind<sum>} : vector<16xi1> -> vector<16xi32>
      %slice3A = vector.extract_strided_slice %all_reduce_population_count3A {offsets = [0], sizes = [1], strides = [1]} : vector<16xi32> to vector<1xi32>
      %squeeze3A = vector.extract %slice3A[0] : i32 from vector<1xi32>
      %add3A_150 = arith.addi %scan3A_125, %squeeze3A : i32
      scf.yield %add3A_150 : i32
    }
    %scan3A_63 = arith.constant 200 : i32
    %add3A_64 = arith.constant 9600 : i32
    %add3A_65 = arith.addi %mul3A_32, %add3A_64 : i32
    "tpu.region"() ({
      %run_scoped3A = tpu.sem_alloc : memref<!tpu.dma_semaphore, #tpu.memory_space<semaphore_mem>>
      %dma_start3A = arith.constant 0 : i32
      %dma_start3A_124 = tpu.memref_slice %arg2[%add3A, %dma_start3A, %add3A_65] : memref<16x2x32000xi32, #tpu.memory_space<hbm>> -> memref<1x2x3200xi32, #tpu.memory_space<hbm>>
      %dma_start3A_125 = tpu.memref_squeeze %dma_start3A_124 : memref<1x2x3200xi32, #tpu.memory_space<hbm>> -> memref<2x3200xi32, #tpu.memory_space<hbm>>
      %dma_start3A_126 = arith.constant 0 : i32
      %dma_start3A_127 = tpu.memref_slice %arg2[%add3A, %dma_start3A_126, %add3A_65] : memref<16x2x32000xi32, #tpu.memory_space<hbm>> -> memref<1x2x3200xi32, #tpu.memory_space<hbm>>
      %dma_start3A_128 = tpu.memref_squeeze %dma_start3A_127 : memref<1x2x3200xi32, #tpu.memory_space<hbm>> -> memref<2x3200xi32, #tpu.memory_space<hbm>>
      tpu.enqueue_dma source(%dma_start3A_128 : memref<2x3200xi32, #tpu.memory_space<hbm>>) target(%arg7 : memref<2x3200xi32, #tpu.memory_space<vmem>>) target_semaphore(%run_scoped3A : memref<!tpu.dma_semaphore, #tpu.memory_space<semaphore_mem>>)
      %dma_wait3A = arith.constant 0 : i32
      %dma_wait3A_129 = tpu.memref_slice %arg2[%add3A, %dma_wait3A, %add3A_65] : memref<16x2x32000xi32, #tpu.memory_space<hbm>> -> memref<1x2x3200xi32, #tpu.memory_space<hbm>>
      %dma_wait3A_130 = tpu.memref_squeeze %dma_wait3A_129 : memref<1x2x3200xi32, #tpu.memory_space<hbm>> -> memref<2x3200xi32, #tpu.memory_space<hbm>>
      %dma_wait3A_131 = arith.constant 0 : i32
      %dma_wait3A_132 = tpu.memref_slice %arg2[%add3A, %dma_wait3A_131, %add3A_65] : memref<16x2x32000xi32, #tpu.memory_space<hbm>> -> memref<1x2x3200xi32, #tpu.memory_space<hbm>>
      %dma_wait3A_133 = tpu.memref_squeeze %dma_wait3A_132 : memref<1x2x3200xi32, #tpu.memory_space<hbm>> -> memref<2x3200xi32, #tpu.memory_space<hbm>>
      tpu.wait_dma2 semaphore(%run_scoped3A : memref<!tpu.dma_semaphore, #tpu.memory_space<semaphore_mem>>) src(%dma_wait3A_133 : memref<2x3200xi32, #tpu.memory_space<hbm>>) dst(%arg7 : memref<2x3200xi32, #tpu.memory_space<vmem>>)
      tpu.yield
    }) : () -> ()
    %scan3A_66 = arith.constant 0 : i32
    %scan3A_67 = arith.constant 200 : i32
    %scan3A_68 = arith.addi %scan3A_66, %scan3A_67 : i32
    %scan3A_69 = arith.constant 1 : i32
    %scan3A_70 = scf.for %scan3A_124 = %scan3A_66 to %scan3A_68 step %scan3A_69 iter_args(%scan3A_125 = %scan3A_62) -> (i32)  : i32 {
      %mul3A_126 = arith.constant 16 : i32
      %mul3A_127 = arith.muli %scan3A_124, %mul3A_126 : i32
      %get3A = arith.constant 0 : i32
      %get3A_128 = arith.index_cast %get3A : i32 to index
      %get3A_129 = arith.index_cast %mul3A_127 : i32 to index
      %get3A_130 = tpu.vector_load %arg7[%get3A_128, %get3A_129] {strides = array<i32>} : memref<2x3200xi32, #tpu.memory_space<vmem>>, vector<16xi32>,
      %mul3A_131 = arith.constant 16 : i32
      %mul3A_132 = arith.muli %scan3A_124, %mul3A_131 : i32
      %get3A_133 = arith.constant 1 : i32
      %get3A_134 = arith.index_cast %get3A_133 : i32 to index
      %get3A_135 = arith.index_cast %mul3A_132 : i32 to index
      %get3A_136 = tpu.vector_load %arg7[%get3A_134, %get3A_135] {strides = array<i32>} : memref<2x3200xi32, #tpu.memory_space<vmem>>, vector<16xi32>,
      %add3A_137 = arith.constant 9600 : i32
      %add3A_138 = arith.addi %mul3A_32, %add3A_137 : i32
      %mul3A_139 = arith.constant 16 : i32
      %mul3A_140 = arith.muli %scan3A_124, %mul3A_139 : i32
      %add3A_141 = arith.addi %add3A_138, %mul3A_140 : i32
      %add3A_142 = vector.broadcast %add3A_141 : i32 to vector<16xi32>
      %add3A_143 = arith.addi %add3A_142, %iota3A : vector<16xi32>
      %eq3A_144 = arith.cmpi eq, %get3A_130, %gather3A : vector<16xi32>
      %min3A_145 = arith.constant 2048 : i32
      %min3A_146 = arith.minsi %scan3A_125, %min3A_145 : i32
      tpu.vector_store_idx %arg8[%get3A_136], %add3A_143 masked %eq3A_144 : memref<1024xi32, #tpu.memory_space<vmem>>[vector<16xi32>], vector<16xi32>, vector<16xi1>
      %swap3A = arith.index_cast %min3A_146 : i32 to index
      %swap3A_147 = tpu.vector_load %arg10[%swap3A] masked %eq3A_144 {strides = array<i32>} : memref<2064xi32, #tpu.memory_space<vmem>>, vector<16xi32>, vector<16xi1>
      tpu.vector_store %arg10[%swap3A], %add3A_143 masked %eq3A_144 {strides = array<i32>} : memref<2064xi32, #tpu.memory_space<vmem>>, vector<16xi32>, vector<16xi1>
      %swap3A_148 = arith.index_cast %min3A_146 : i32 to index
      %swap3A_149 = tpu.vector_load %arg11[%swap3A_148] masked %eq3A_144 {strides = array<i32>} : memref<2064xi32, #tpu.memory_space<vmem>>, vector<16xi32>, vector<16xi1>
      tpu.vector_store %arg11[%swap3A_148], %get3A_136 masked %eq3A_144 {strides = array<i32>} : memref<2064xi32, #tpu.memory_space<vmem>>, vector<16xi32>, vector<16xi1>
      %all_reduce_population_count3A = tpu.all_reduce %eq3A_144 {dim = 0 : i64, kind = #tpu.reduction_kind<sum>} : vector<16xi1> -> vector<16xi32>
      %slice3A = vector.extract_strided_slice %all_reduce_population_count3A {offsets = [0], sizes = [1], strides = [1]} : vector<16xi32> to vector<1xi32>
      %squeeze3A = vector.extract %slice3A[0] : i32 from vector<1xi32>
      %add3A_150 = arith.addi %scan3A_125, %squeeze3A : i32
      scf.yield %add3A_150 : i32
    }
    %scan3A_71 = arith.constant 200 : i32
    %add3A_72 = arith.constant 12800 : i32
    %add3A_73 = arith.addi %mul3A_32, %add3A_72 : i32
    "tpu.region"() ({
      %run_scoped3A = tpu.sem_alloc : memref<!tpu.dma_semaphore, #tpu.memory_space<semaphore_mem>>
      %dma_start3A = arith.constant 0 : i32
      %dma_start3A_124 = tpu.memref_slice %arg2[%add3A, %dma_start3A, %add3A_73] : memref<16x2x32000xi32, #tpu.memory_space<hbm>> -> memref<1x2x3200xi32, #tpu.memory_space<hbm>>
      %dma_start3A_125 = tpu.memref_squeeze %dma_start3A_124 : memref<1x2x3200xi32, #tpu.memory_space<hbm>> -> memref<2x3200xi32, #tpu.memory_space<hbm>>
      %dma_start3A_126 = arith.constant 0 : i32
      %dma_start3A_127 = tpu.memref_slice %arg2[%add3A, %dma_start3A_126, %add3A_73] : memref<16x2x32000xi32, #tpu.memory_space<hbm>> -> memref<1x2x3200xi32, #tpu.memory_space<hbm>>
      %dma_start3A_128 = tpu.memref_squeeze %dma_start3A_127 : memref<1x2x3200xi32, #tpu.memory_space<hbm>> -> memref<2x3200xi32, #tpu.memory_space<hbm>>
      tpu.enqueue_dma source(%dma_start3A_128 : memref<2x3200xi32, #tpu.memory_space<hbm>>) target(%arg7 : memref<2x3200xi32, #tpu.memory_space<vmem>>) target_semaphore(%run_scoped3A : memref<!tpu.dma_semaphore, #tpu.memory_space<semaphore_mem>>)
      %dma_wait3A = arith.constant 0 : i32
      %dma_wait3A_129 = tpu.memref_slice %arg2[%add3A, %dma_wait3A, %add3A_73] : memref<16x2x32000xi32, #tpu.memory_space<hbm>> -> memref<1x2x3200xi32, #tpu.memory_space<hbm>>
      %dma_wait3A_130 = tpu.memref_squeeze %dma_wait3A_129 : memref<1x2x3200xi32, #tpu.memory_space<hbm>> -> memref<2x3200xi32, #tpu.memory_space<hbm>>
      %dma_wait3A_131 = arith.constant 0 : i32
      %dma_wait3A_132 = tpu.memref_slice %arg2[%add3A, %dma_wait3A_131, %add3A_73] : memref<16x2x32000xi32, #tpu.memory_space<hbm>> -> memref<1x2x3200xi32, #tpu.memory_space<hbm>>
      %dma_wait3A_133 = tpu.memref_squeeze %dma_wait3A_132 : memref<1x2x3200xi32, #tpu.memory_space<hbm>> -> memref<2x3200xi32, #tpu.memory_space<hbm>>
      tpu.wait_dma2 semaphore(%run_scoped3A : memref<!tpu.dma_semaphore, #tpu.memory_space<semaphore_mem>>) src(%dma_wait3A_133 : memref<2x3200xi32, #tpu.memory_space<hbm>>) dst(%arg7 : memref<2x3200xi32, #tpu.memory_space<vmem>>)
      tpu.yield
    }) : () -> ()
    %scan3A_74 = arith.constant 0 : i32
    %scan3A_75 = arith.constant 200 : i32
    %scan3A_76 = arith.addi %scan3A_74, %scan3A_75 : i32
    %scan3A_77 = arith.constant 1 : i32
    %scan3A_78 = scf.for %scan3A_124 = %scan3A_74 to %scan3A_76 step %scan3A_77 iter_args(%scan3A_125 = %scan3A_70) -> (i32)  : i32 {
      %mul3A_126 = arith.constant 16 : i32
      %mul3A_127 = arith.muli %scan3A_124, %mul3A_126 : i32
      %get3A = arith.constant 0 : i32
      %get3A_128 = arith.index_cast %get3A : i32 to index
      %get3A_129 = arith.index_cast %mul3A_127 : i32 to index
      %get3A_130 = tpu.vector_load %arg7[%get3A_128, %get3A_129] {strides = array<i32>} : memref<2x3200xi32, #tpu.memory_space<vmem>>, vector<16xi32>,
      %mul3A_131 = arith.constant 16 : i32
      %mul3A_132 = arith.muli %scan3A_124, %mul3A_131 : i32
      %get3A_133 = arith.constant 1 : i32
      %get3A_134 = arith.index_cast %get3A_133 : i32 to index
      %get3A_135 = arith.index_cast %mul3A_132 : i32 to index
      %get3A_136 = tpu.vector_load %arg7[%get3A_134, %get3A_135] {strides = array<i32>} : memref<2x3200xi32, #tpu.memory_space<vmem>>, vector<16xi32>,
      %add3A_137 = arith.constant 12800 : i32
      %add3A_138 = arith.addi %mul3A_32, %add3A_137 : i32
      %mul3A_139 = arith.constant 16 : i32
      %mul3A_140 = arith.muli %scan3A_124, %mul3A_139 : i32
      %add3A_141 = arith.addi %add3A_138, %mul3A_140 : i32
      %add3A_142 = vector.broadcast %add3A_141 : i32 to vector<16xi32>
      %add3A_143 = arith.addi %add3A_142, %iota3A : vector<16xi32>
      %eq3A_144 = arith.cmpi eq, %get3A_130, %gather3A : vector<16xi32>
      %min3A_145 = arith.constant 2048 : i32
      %min3A_146 = arith.minsi %scan3A_125, %min3A_145 : i32
      tpu.vector_store_idx %arg8[%get3A_136], %add3A_143 masked %eq3A_144 : memref<1024xi32, #tpu.memory_space<vmem>>[vector<16xi32>], vector<16xi32>, vector<16xi1>
      %swap3A = arith.index_cast %min3A_146 : i32 to index
      %swap3A_147 = tpu.vector_load %arg10[%swap3A] masked %eq3A_144 {strides = array<i32>} : memref<2064xi32, #tpu.memory_space<vmem>>, vector<16xi32>, vector<16xi1>
      tpu.vector_store %arg10[%swap3A], %add3A_143 masked %eq3A_144 {strides = array<i32>} : memref<2064xi32, #tpu.memory_space<vmem>>, vector<16xi32>, vector<16xi1>
      %swap3A_148 = arith.index_cast %min3A_146 : i32 to index
      %swap3A_149 = tpu.vector_load %arg11[%swap3A_148] masked %eq3A_144 {strides = array<i32>} : memref<2064xi32, #tpu.memory_space<vmem>>, vector<16xi32>, vector<16xi1>
      tpu.vector_store %arg11[%swap3A_148], %get3A_136 masked %eq3A_144 {strides = array<i32>} : memref<2064xi32, #tpu.memory_space<vmem>>, vector<16xi32>, vector<16xi1>
      %all_reduce_population_count3A = tpu.all_reduce %eq3A_144 {dim = 0 : i64, kind = #tpu.reduction_kind<sum>} : vector<16xi1> -> vector<16xi32>
      %slice3A = vector.extract_strided_slice %all_reduce_population_count3A {offsets = [0], sizes = [1], strides = [1]} : vector<16xi32> to vector<1xi32>
      %squeeze3A = vector.extract %slice3A[0] : i32 from vector<1xi32>
      %add3A_150 = arith.addi %scan3A_125, %squeeze3A : i32
      scf.yield %add3A_150 : i32
    }
    %scan3A_79 = arith.constant 200 : i32
    %min3A = arith.constant 2048 : i32
    %min3A_80 = arith.minsi %scan3A_78, %min3A : i32
    %while3A = arith.constant 0 : i32
    %while3A_81 = arith.constant 0 : i32
    %while3A_82 = arith.subi %min3A_80, %while3A : i32
    %while3A_83 = arith.addi %while3A, %while3A_82 : i32
    %while3A_84 = arith.constant 1 : i32
    %while3A_85 = arith.divsi %while3A_82, %while3A_84 : i32
    %while3A_86 = arith.muli %while3A_85, %while3A_84 : i32
    %while3A_87 = arith.addi %while3A, %while3A_86 : i32
    %while3A_88 = arith.constant 1 : i32
    %while3A_89 = scf.for %while3A_124 = %while3A to %while3A_87 step %while3A_88 iter_args(%while3A_125 = %while3A_81) -> (i32)  : i32 {
      %get3A = arith.index_cast %while3A_124 : i32 to index
      %get3A_126 = tpu.vector_load %arg10[%get3A] {strides = array<i32>} : memref<2064xi32, #tpu.memory_space<vmem>>, vector<16xi32>,
      %slice3A = vector.extract_strided_slice %get3A_126 {offsets = [0], sizes = [1], strides = [1]} : vector<16xi32> to vector<1xi32>
      %squeeze3A = vector.extract %slice3A[0] : i32 from vector<1xi32>
      %get3A_127 = arith.index_cast %while3A_124 : i32 to index
      %get3A_128 = tpu.vector_load %arg11[%get3A_127] {strides = array<i32>} : memref<2064xi32, #tpu.memory_space<vmem>>, vector<16xi32>,
      %slice3A_129 = vector.extract_strided_slice %get3A_128 {offsets = [0], sizes = [1], strides = [1]} : vector<16xi32> to vector<1xi32>
      %squeeze3A_130 = vector.extract %slice3A_129[0] : i32 from vector<1xi32>
      %jit3A_131 = arith.constant 128 : i32
      %div3A_132 = arith.divsi %squeeze3A, %jit3A_131 : i32
      %sign3A_133 = arith.constant 0 : i32
      %sign3A_134 = arith.cmpi sgt, %squeeze3A, %sign3A_133 : i32
      %sign3A_135 = arith.extui %sign3A_134 : i1 to i32
      %sign3A_136 = arith.constant 0 : i32
      %sign3A_137 = arith.cmpi slt, %squeeze3A, %sign3A_136 : i32
      %sign3A_138 = arith.extui %sign3A_137 : i1 to i32
      %sign3A_139 = arith.subi %sign3A_135, %sign3A_138 : i32
      %sign3A_140 = arith.constant 0 : i32
      %sign3A_141 = arith.cmpi sgt, %jit3A_131, %sign3A_140 : i32
      %sign3A_142 = arith.extui %sign3A_141 : i1 to i32
      %sign3A_143 = arith.constant 0 : i32
      %sign3A_144 = arith.cmpi slt, %jit3A_131, %sign3A_143 : i32
      %sign3A_145 = arith.extui %sign3A_144 : i1 to i32
      %sign3A_146 = arith.subi %sign3A_142, %sign3A_145 : i32
      %ne3A_147 = arith.cmpi ne, %sign3A_139, %sign3A_146 : i32
      %rem3A_148 = arith.remsi %squeeze3A, %jit3A_131 : i32
      %ne3A_149 = arith.constant 0 : i32
      %ne3A_150 = arith.cmpi ne, %rem3A_148, %ne3A_149 : i32
      %and3A_151 = arith.andi %ne3A_147, %ne3A_150 : i1
      %sub3A_152 = arith.constant 1 : i32
      %sub3A_153 = arith.subi %div3A_132, %sub3A_152 : i32
      %select_n3A_154 = arith.select %and3A_151, %sub3A_153, %div3A_132 : i32
      %mul3A_155 = arith.constant 128 : i32
      %mul3A_156 = arith.muli %select_n3A_154, %mul3A_155 : i32
      %multiple_of3A = tpu.assume_multiple %mul3A_156, 128 : i32
      "tpu.region"() ({
        %run_scoped3A = tpu.sem_alloc : memref<!tpu.dma_semaphore, #tpu.memory_space<semaphore_mem>>
        %dma_start3A = arith.constant 0 : i32
        %dma_start3A_309 = tpu.memref_slice %arg4[%add3A, %dma_start3A, %multiple_of3A] : memref<16x64x32000xf32, #tpu.memory_space<hbm>> -> memref<1x64x128xf32, #tpu.memory_space<hbm>>
        %dma_start3A_310 = tpu.memref_squeeze %dma_start3A_309 : memref<1x64x128xf32, #tpu.memory_space<hbm>> -> memref<64x128xf32, #tpu.memory_space<hbm>>
        %dma_start3A_311 = arith.constant 0 : i32
        %dma_start3A_312 = tpu.memref_slice %arg4[%add3A, %dma_start3A_311, %multiple_of3A] : memref<16x64x32000xf32, #tpu.memory_space<hbm>> -> memref<1x64x128xf32, #tpu.memory_space<hbm>>
        %dma_start3A_313 = tpu.memref_squeeze %dma_start3A_312 : memref<1x64x128xf32, #tpu.memory_space<hbm>> -> memref<64x128xf32, #tpu.memory_space<hbm>>
        tpu.enqueue_dma source(%dma_start3A_313 : memref<64x128xf32, #tpu.memory_space<hbm>>) target(%arg12 : memref<64x128xf32, #tpu.memory_space<vmem>>) target_semaphore(%run_scoped3A : memref<!tpu.dma_semaphore, #tpu.memory_space<semaphore_mem>>)
        %dma_wait3A = arith.constant 0 : i32
        %dma_wait3A_314 = tpu.memref_slice %arg4[%add3A, %dma_wait3A, %multiple_of3A] : memref<16x64x32000xf32, #tpu.memory_space<hbm>> -> memref<1x64x128xf32, #tpu.memory_space<hbm>>
        %dma_wait3A_315 = tpu.memref_squeeze %dma_wait3A_314 : memref<1x64x128xf32, #tpu.memory_space<hbm>> -> memref<64x128xf32, #tpu.memory_space<hbm>>
        %dma_wait3A_316 = arith.constant 0 : i32
        %dma_wait3A_317 = tpu.memref_slice %arg4[%add3A, %dma_wait3A_316, %multiple_of3A] : memref<16x64x32000xf32, #tpu.memory_space<hbm>> -> memref<1x64x128xf32, #tpu.memory_space<hbm>>
        %dma_wait3A_318 = tpu.memref_squeeze %dma_wait3A_317 : memref<1x64x128xf32, #tpu.memory_space<hbm>> -> memref<64x128xf32, #tpu.memory_space<hbm>>
        tpu.wait_dma2 semaphore(%run_scoped3A : memref<!tpu.dma_semaphore, #tpu.memory_space<semaphore_mem>>) src(%dma_wait3A_318 : memref<64x128xf32, #tpu.memory_space<hbm>>) dst(%arg12 : memref<64x128xf32, #tpu.memory_space<vmem>>)
        tpu.yield
      }) : () -> ()
      %sub3A_157 = arith.subi %squeeze3A, %multiple_of3A : i32
      %broadcast_in_dim3A_158 = vector.broadcast %sub3A_157 : i32 to vector<16xi32>
      %jit3A_159 = arith.constant 2 : i32
      %eq3A_160 = arith.constant 0 : i32
      %eq3A_161 = arith.cmpi eq, %jit3A_159, %eq3A_160 : i32
      %jit3A_162 = arith.constant 1 : i32
      %select_n3A_163 = arith.select %eq3A_161, %jit3A_162, %jit3A_159 : i32
      %rem3A_164 = arith.remsi %squeeze3A_130, %select_n3A_163 : i32
      %ne3A_165 = arith.constant 0 : i32
      %ne3A_166 = arith.cmpi ne, %rem3A_164, %ne3A_165 : i32
      %lt3A_167 = arith.constant 0 : i32
      %lt3A_168 = arith.cmpi slt, %rem3A_164, %lt3A_167 : i32
      %lt3A_169 = arith.constant 0 : i32
      %lt3A_170 = arith.cmpi slt, %select_n3A_163, %lt3A_169 : i32
      %ne3A_171 = arith.xori %lt3A_168, %lt3A_170 : i1
      %and3A_172 = arith.andi %ne3A_171, %ne3A_166 : i1
      %add3A_173 = arith.addi %rem3A_164, %select_n3A_163 : i32
      %select_n3A_174 = arith.select %and3A_172, %add3A_173, %rem3A_164 : i32
      %mul3A_175 = arith.constant 64 : i32
      %mul3A_176 = arith.muli %select_n3A_174, %mul3A_175 : i32
      %add3A_177 = arith.constant 0 : i32
      %add3A_178 = vector.broadcast %add3A_177 : i32 to vector<16xi32>
      %add3A_179 = arith.addi %iota3A, %add3A_178 : vector<16xi32>
      %gather3A_180 = tpu.vector_load_idx %arg12[%add3A_179, %broadcast_in_dim3A_158] : memref<64x128xf32, #tpu.memory_space<vmem>>[vector<16xi32>, vector<16xi32>], vector<16xf32>,
      %jit3A_181 = arith.constant 2 : i32
      %div3A_182 = arith.divsi %squeeze3A_130, %jit3A_181 : i32
      %sign3A_183 = arith.constant 0 : i32
      %sign3A_184 = arith.cmpi sgt, %squeeze3A_130, %sign3A_183 : i32
      %sign3A_185 = arith.extui %sign3A_184 : i1 to i32
      %sign3A_186 = arith.constant 0 : i32
      %sign3A_187 = arith.cmpi slt, %squeeze3A_130, %sign3A_186 : i32
      %sign3A_188 = arith.extui %sign3A_187 : i1 to i32
      %sign3A_189 = arith.subi %sign3A_185, %sign3A_188 : i32
      %sign3A_190 = arith.constant 0 : i32
      %sign3A_191 = arith.cmpi sgt, %jit3A_181, %sign3A_190 : i32
      %sign3A_192 = arith.extui %sign3A_191 : i1 to i32
      %sign3A_193 = arith.constant 0 : i32
      %sign3A_194 = arith.cmpi slt, %jit3A_181, %sign3A_193 : i32
      %sign3A_195 = arith.extui %sign3A_194 : i1 to i32
      %sign3A_196 = arith.subi %sign3A_192, %sign3A_195 : i32
      %ne3A_197 = arith.cmpi ne, %sign3A_189, %sign3A_196 : i32
      %rem3A_198 = arith.remsi %squeeze3A_130, %jit3A_181 : i32
      %ne3A_199 = arith.constant 0 : i32
      %ne3A_200 = arith.cmpi ne, %rem3A_198, %ne3A_199 : i32
      %and3A_201 = arith.andi %ne3A_197, %ne3A_200 : i1
      %sub3A_202 = arith.constant 1 : i32
      %sub3A_203 = arith.subi %div3A_182, %sub3A_202 : i32
      %select_n3A_204 = arith.select %and3A_201, %sub3A_203, %div3A_182 : i32
      %add3A_205 = arith.constant 0 : i32
      %add3A_206 = arith.addi %mul3A_176, %add3A_205 : i32
      %swap3A = arith.index_cast %select_n3A_204 : i32 to index
      %swap3A_207 = arith.index_cast %add3A_206 : i32 to index
      %swap3A_208 = tpu.vector_load %arg13[%swap3A, %swap3A_207] {strides = array<i32>} : memref<512x128xf32, #tpu.memory_space<vmem>>, vector<16xf32>,
      tpu.vector_store %arg13[%swap3A, %swap3A_207], %gather3A_180 {strides = array<i32>} : memref<512x128xf32, #tpu.memory_space<vmem>>, vector<16xf32>,
      %add3A_209 = arith.constant 16 : i32
      %add3A_210 = vector.broadcast %add3A_209 : i32 to vector<16xi32>
      %add3A_211 = arith.addi %iota3A, %add3A_210 : vector<16xi32>
      %gather3A_212 = tpu.vector_load_idx %arg12[%add3A_211, %broadcast_in_dim3A_158] : memref<64x128xf32, #tpu.memory_space<vmem>>[vector<16xi32>, vector<16xi32>], vector<16xf32>,
      %jit3A_213 = arith.constant 2 : i32
      %div3A_214 = arith.divsi %squeeze3A_130, %jit3A_213 : i32
      %sign3A_215 = arith.constant 0 : i32
      %sign3A_216 = arith.cmpi sgt, %squeeze3A_130, %sign3A_215 : i32
      %sign3A_217 = arith.extui %sign3A_216 : i1 to i32
      %sign3A_218 = arith.constant 0 : i32
      %sign3A_219 = arith.cmpi slt, %squeeze3A_130, %sign3A_218 : i32
      %sign3A_220 = arith.extui %sign3A_219 : i1 to i32
      %sign3A_221 = arith.subi %sign3A_217, %sign3A_220 : i32
      %sign3A_222 = arith.constant 0 : i32
      %sign3A_223 = arith.cmpi sgt, %jit3A_213, %sign3A_222 : i32
      %sign3A_224 = arith.extui %sign3A_223 : i1 to i32
      %sign3A_225 = arith.constant 0 : i32
      %sign3A_226 = arith.cmpi slt, %jit3A_213, %sign3A_225 : i32
      %sign3A_227 = arith.extui %sign3A_226 : i1 to i32
      %sign3A_228 = arith.subi %sign3A_224, %sign3A_227 : i32
      %ne3A_229 = arith.cmpi ne, %sign3A_221, %sign3A_228 : i32
      %rem3A_230 = arith.remsi %squeeze3A_130, %jit3A_213 : i32
      %ne3A_231 = arith.constant 0 : i32
      %ne3A_232 = arith.cmpi ne, %rem3A_230, %ne3A_231 : i32
      %and3A_233 = arith.andi %ne3A_229, %ne3A_232 : i1
      %sub3A_234 = arith.constant 1 : i32
      %sub3A_235 = arith.subi %div3A_214, %sub3A_234 : i32
      %select_n3A_236 = arith.select %and3A_233, %sub3A_235, %div3A_214 : i32
      %add3A_237 = arith.constant 16 : i32
      %add3A_238 = arith.addi %mul3A_176, %add3A_237 : i32
      %swap3A_239 = arith.index_cast %select_n3A_236 : i32 to index
      %swap3A_240 = arith.index_cast %add3A_238 : i32 to index
      %swap3A_241 = tpu.vector_load %arg13[%swap3A_239, %swap3A_240] {strides = array<i32>} : memref<512x128xf32, #tpu.memory_space<vmem>>, vector<16xf32>,
      tpu.vector_store %arg13[%swap3A_239, %swap3A_240], %gather3A_212 {strides = array<i32>} : memref<512x128xf32, #tpu.memory_space<vmem>>, vector<16xf32>,
      %add3A_242 = arith.constant 32 : i32
      %add3A_243 = vector.broadcast %add3A_242 : i32 to vector<16xi32>
      %add3A_244 = arith.addi %iota3A, %add3A_243 : vector<16xi32>
      %gather3A_245 = tpu.vector_load_idx %arg12[%add3A_244, %broadcast_in_dim3A_158] : memref<64x128xf32, #tpu.memory_space<vmem>>[vector<16xi32>, vector<16xi32>], vector<16xf32>,
      %jit3A_246 = arith.constant 2 : i32
      %div3A_247 = arith.divsi %squeeze3A_130, %jit3A_246 : i32
      %sign3A_248 = arith.constant 0 : i32
      %sign3A_249 = arith.cmpi sgt, %squeeze3A_130, %sign3A_248 : i32
      %sign3A_250 = arith.extui %sign3A_249 : i1 to i32
      %sign3A_251 = arith.constant 0 : i32
      %sign3A_252 = arith.cmpi slt, %squeeze3A_130, %sign3A_251 : i32
      %sign3A_253 = arith.extui %sign3A_252 : i1 to i32
      %sign3A_254 = arith.subi %sign3A_250, %sign3A_253 : i32
      %sign3A_255 = arith.constant 0 : i32
      %sign3A_256 = arith.cmpi sgt, %jit3A_246, %sign3A_255 : i32
      %sign3A_257 = arith.extui %sign3A_256 : i1 to i32
      %sign3A_258 = arith.constant 0 : i32
      %sign3A_259 = arith.cmpi slt, %jit3A_246, %sign3A_258 : i32
      %sign3A_260 = arith.extui %sign3A_259 : i1 to i32
      %sign3A_261 = arith.subi %sign3A_257, %sign3A_260 : i32
      %ne3A_262 = arith.cmpi ne, %sign3A_254, %sign3A_261 : i32
      %rem3A_263 = arith.remsi %squeeze3A_130, %jit3A_246 : i32
      %ne3A_264 = arith.constant 0 : i32
      %ne3A_265 = arith.cmpi ne, %rem3A_263, %ne3A_264 : i32
      %and3A_266 = arith.andi %ne3A_262, %ne3A_265 : i1
      %sub3A_267 = arith.constant 1 : i32
      %sub3A_268 = arith.subi %div3A_247, %sub3A_267 : i32
      %select_n3A_269 = arith.select %and3A_266, %sub3A_268, %div3A_247 : i32
      %add3A_270 = arith.constant 32 : i32
      %add3A_271 = arith.addi %mul3A_176, %add3A_270 : i32
      %swap3A_272 = arith.index_cast %select_n3A_269 : i32 to index
      %swap3A_273 = arith.index_cast %add3A_271 : i32 to index
      %swap3A_274 = tpu.vector_load %arg13[%swap3A_272, %swap3A_273] {strides = array<i32>} : memref<512x128xf32, #tpu.memory_space<vmem>>, vector<16xf32>,
      tpu.vector_store %arg13[%swap3A_272, %swap3A_273], %gather3A_245 {strides = array<i32>} : memref<512x128xf32, #tpu.memory_space<vmem>>, vector<16xf32>,
      %add3A_275 = arith.constant 48 : i32
      %add3A_276 = vector.broadcast %add3A_275 : i32 to vector<16xi32>
      %add3A_277 = arith.addi %iota3A, %add3A_276 : vector<16xi32>
      %gather3A_278 = tpu.vector_load_idx %arg12[%add3A_277, %broadcast_in_dim3A_158] : memref<64x128xf32, #tpu.memory_space<vmem>>[vector<16xi32>, vector<16xi32>], vector<16xf32>,
      %jit3A_279 = arith.constant 2 : i32
      %div3A_280 = arith.divsi %squeeze3A_130, %jit3A_279 : i32
      %sign3A_281 = arith.constant 0 : i32
      %sign3A_282 = arith.cmpi sgt, %squeeze3A_130, %sign3A_281 : i32
      %sign3A_283 = arith.extui %sign3A_282 : i1 to i32
      %sign3A_284 = arith.constant 0 : i32
      %sign3A_285 = arith.cmpi slt, %squeeze3A_130, %sign3A_284 : i32
      %sign3A_286 = arith.extui %sign3A_285 : i1 to i32
      %sign3A_287 = arith.subi %sign3A_283, %sign3A_286 : i32
      %sign3A_288 = arith.constant 0 : i32
      %sign3A_289 = arith.cmpi sgt, %jit3A_279, %sign3A_288 : i32
      %sign3A_290 = arith.extui %sign3A_289 : i1 to i32
      %sign3A_291 = arith.constant 0 : i32
      %sign3A_292 = arith.cmpi slt, %jit3A_279, %sign3A_291 : i32
      %sign3A_293 = arith.extui %sign3A_292 : i1 to i32
      %sign3A_294 = arith.subi %sign3A_290, %sign3A_293 : i32
      %ne3A_295 = arith.cmpi ne, %sign3A_287, %sign3A_294 : i32
      %rem3A_296 = arith.remsi %squeeze3A_130, %jit3A_279 : i32
      %ne3A_297 = arith.constant 0 : i32
      %ne3A_298 = arith.cmpi ne, %rem3A_296, %ne3A_297 : i32
      %and3A_299 = arith.andi %ne3A_295, %ne3A_298 : i1
      %sub3A_300 = arith.constant 1 : i32
      %sub3A_301 = arith.subi %div3A_280, %sub3A_300 : i32
      %select_n3A_302 = arith.select %and3A_299, %sub3A_301, %div3A_280 : i32
      %add3A_303 = arith.constant 48 : i32
      %add3A_304 = arith.addi %mul3A_176, %add3A_303 : i32
      %swap3A_305 = arith.index_cast %select_n3A_302 : i32 to index
      %swap3A_306 = arith.index_cast %add3A_304 : i32 to index
      %swap3A_307 = tpu.vector_load %arg13[%swap3A_305, %swap3A_306] {strides = array<i32>} : memref<512x128xf32, #tpu.memory_space<vmem>>, vector<16xf32>,
      tpu.vector_store %arg13[%swap3A_305, %swap3A_306], %gather3A_278 {strides = array<i32>} : memref<512x128xf32, #tpu.memory_space<vmem>>, vector<16xf32>,
      %while3A_308 = arith.constant 0 : i32
      scf.yield %while3A_308 : i32
    }
    %while3A_90 = arith.constant 1 : i32
    %while3A_91 = scf.for %while3A_124 = %while3A_87 to %while3A_83 step %while3A_90 iter_args(%while3A_125 = %while3A_89) -> (i32)  : i32 {
      %get3A = arith.index_cast %while3A_124 : i32 to index
      %get3A_126 = tpu.vector_load %arg10[%get3A] {strides = array<i32>} : memref<2064xi32, #tpu.memory_space<vmem>>, vector<16xi32>,
      %slice3A = vector.extract_strided_slice %get3A_126 {offsets = [0], sizes = [1], strides = [1]} : vector<16xi32> to vector<1xi32>
      %squeeze3A = vector.extract %slice3A[0] : i32 from vector<1xi32>
      %get3A_127 = arith.index_cast %while3A_124 : i32 to index
      %get3A_128 = tpu.vector_load %arg11[%get3A_127] {strides = array<i32>} : memref<2064xi32, #tpu.memory_space<vmem>>, vector<16xi32>,
      %slice3A_129 = vector.extract_strided_slice %get3A_128 {offsets = [0], sizes = [1], strides = [1]} : vector<16xi32> to vector<1xi32>
      %squeeze3A_130 = vector.extract %slice3A_129[0] : i32 from vector<1xi32>
      %jit3A_131 = arith.constant 128 : i32
      %div3A_132 = arith.divsi %squeeze3A, %jit3A_131 : i32
      %sign3A_133 = arith.constant 0 : i32
      %sign3A_134 = arith.cmpi sgt, %squeeze3A, %sign3A_133 : i32
      %sign3A_135 = arith.extui %sign3A_134 : i1 to i32
      %sign3A_136 = arith.constant 0 : i32
      %sign3A_137 = arith.cmpi slt, %squeeze3A, %sign3A_136 : i32
      %sign3A_138 = arith.extui %sign3A_137 : i1 to i32
      %sign3A_139 = arith.subi %sign3A_135, %sign3A_138 : i32
      %sign3A_140 = arith.constant 0 : i32
      %sign3A_141 = arith.cmpi sgt, %jit3A_131, %sign3A_140 : i32
      %sign3A_142 = arith.extui %sign3A_141 : i1 to i32
      %sign3A_143 = arith.constant 0 : i32
      %sign3A_144 = arith.cmpi slt, %jit3A_131, %sign3A_143 : i32
      %sign3A_145 = arith.extui %sign3A_144 : i1 to i32
      %sign3A_146 = arith.subi %sign3A_142, %sign3A_145 : i32
      %ne3A_147 = arith.cmpi ne, %sign3A_139, %sign3A_146 : i32
      %rem3A_148 = arith.remsi %squeeze3A, %jit3A_131 : i32
      %ne3A_149 = arith.constant 0 : i32
      %ne3A_150 = arith.cmpi ne, %rem3A_148, %ne3A_149 : i32
      %and3A_151 = arith.andi %ne3A_147, %ne3A_150 : i1
      %sub3A_152 = arith.constant 1 : i32
      %sub3A_153 = arith.subi %div3A_132, %sub3A_152 : i32
      %select_n3A_154 = arith.select %and3A_151, %sub3A_153, %div3A_132 : i32
      %mul3A_155 = arith.constant 128 : i32
      %mul3A_156 = arith.muli %select_n3A_154, %mul3A_155 : i32
      %multiple_of3A = tpu.assume_multiple %mul3A_156, 128 : i32
      "tpu.region"() ({
        %run_scoped3A = tpu.sem_alloc : memref<!tpu.dma_semaphore, #tpu.memory_space<semaphore_mem>>
        %dma_start3A = arith.constant 0 : i32
        %dma_start3A_309 = tpu.memref_slice %arg4[%add3A, %dma_start3A, %multiple_of3A] : memref<16x64x32000xf32, #tpu.memory_space<hbm>> -> memref<1x64x128xf32, #tpu.memory_space<hbm>>
        %dma_start3A_310 = tpu.memref_squeeze %dma_start3A_309 : memref<1x64x128xf32, #tpu.memory_space<hbm>> -> memref<64x128xf32, #tpu.memory_space<hbm>>
        %dma_start3A_311 = arith.constant 0 : i32
        %dma_start3A_312 = tpu.memref_slice %arg4[%add3A, %dma_start3A_311, %multiple_of3A] : memref<16x64x32000xf32, #tpu.memory_space<hbm>> -> memref<1x64x128xf32, #tpu.memory_space<hbm>>
        %dma_start3A_313 = tpu.memref_squeeze %dma_start3A_312 : memref<1x64x128xf32, #tpu.memory_space<hbm>> -> memref<64x128xf32, #tpu.memory_space<hbm>>
        tpu.enqueue_dma source(%dma_start3A_313 : memref<64x128xf32, #tpu.memory_space<hbm>>) target(%arg12 : memref<64x128xf32, #tpu.memory_space<vmem>>) target_semaphore(%run_scoped3A : memref<!tpu.dma_semaphore, #tpu.memory_space<semaphore_mem>>)
        %dma_wait3A = arith.constant 0 : i32
        %dma_wait3A_314 = tpu.memref_slice %arg4[%add3A, %dma_wait3A, %multiple_of3A] : memref<16x64x32000xf32, #tpu.memory_space<hbm>> -> memref<1x64x128xf32, #tpu.memory_space<hbm>>
        %dma_wait3A_315 = tpu.memref_squeeze %dma_wait3A_314 : memref<1x64x128xf32, #tpu.memory_space<hbm>> -> memref<64x128xf32, #tpu.memory_space<hbm>>
        %dma_wait3A_316 = arith.constant 0 : i32
        %dma_wait3A_317 = tpu.memref_slice %arg4[%add3A, %dma_wait3A_316, %multiple_of3A] : memref<16x64x32000xf32, #tpu.memory_space<hbm>> -> memref<1x64x128xf32, #tpu.memory_space<hbm>>
        %dma_wait3A_318 = tpu.memref_squeeze %dma_wait3A_317 : memref<1x64x128xf32, #tpu.memory_space<hbm>> -> memref<64x128xf32, #tpu.memory_space<hbm>>
        tpu.wait_dma2 semaphore(%run_scoped3A : memref<!tpu.dma_semaphore, #tpu.memory_space<semaphore_mem>>) src(%dma_wait3A_318 : memref<64x128xf32, #tpu.memory_space<hbm>>) dst(%arg12 : memref<64x128xf32, #tpu.memory_space<vmem>>)
        tpu.yield
      }) : () -> ()
      %sub3A_157 = arith.subi %squeeze3A, %multiple_of3A : i32
      %broadcast_in_dim3A_158 = vector.broadcast %sub3A_157 : i32 to vector<16xi32>
      %jit3A_159 = arith.constant 2 : i32
      %eq3A_160 = arith.constant 0 : i32
      %eq3A_161 = arith.cmpi eq, %jit3A_159, %eq3A_160 : i32
      %jit3A_162 = arith.constant 1 : i32
      %select_n3A_163 = arith.select %eq3A_161, %jit3A_162, %jit3A_159 : i32
      %rem3A_164 = arith.remsi %squeeze3A_130, %select_n3A_163 : i32
      %ne3A_165 = arith.constant 0 : i32
      %ne3A_166 = arith.cmpi ne, %rem3A_164, %ne3A_165 : i32
      %lt3A_167 = arith.constant 0 : i32
      %lt3A_168 = arith.cmpi slt, %rem3A_164, %lt3A_167 : i32
      %lt3A_169 = arith.constant 0 : i32
      %lt3A_170 = arith.cmpi slt, %select_n3A_163, %lt3A_169 : i32
      %ne3A_171 = arith.xori %lt3A_168, %lt3A_170 : i1
      %and3A_172 = arith.andi %ne3A_171, %ne3A_166 : i1
      %add3A_173 = arith.addi %rem3A_164, %select_n3A_163 : i32
      %select_n3A_174 = arith.select %and3A_172, %add3A_173, %rem3A_164 : i32
      %mul3A_175 = arith.constant 64 : i32
      %mul3A_176 = arith.muli %select_n3A_174, %mul3A_175 : i32
      %add3A_177 = arith.constant 0 : i32
      %add3A_178 = vector.broadcast %add3A_177 : i32 to vector<16xi32>
      %add3A_179 = arith.addi %iota3A, %add3A_178 : vector<16xi32>
      %gather3A_180 = tpu.vector_load_idx %arg12[%add3A_179, %broadcast_in_dim3A_158] : memref<64x128xf32, #tpu.memory_space<vmem>>[vector<16xi32>, vector<16xi32>], vector<16xf32>,
      %jit3A_181 = arith.constant 2 : i32
      %div3A_182 = arith.divsi %squeeze3A_130, %jit3A_181 : i32
      %sign3A_183 = arith.constant 0 : i32
      %sign3A_184 = arith.cmpi sgt, %squeeze3A_130, %sign3A_183 : i32
      %sign3A_185 = arith.extui %sign3A_184 : i1 to i32
      %sign3A_186 = arith.constant 0 : i32
      %sign3A_187 = arith.cmpi slt, %squeeze3A_130, %sign3A_186 : i32
      %sign3A_188 = arith.extui %sign3A_187 : i1 to i32
      %sign3A_189 = arith.subi %sign3A_185, %sign3A_188 : i32
      %sign3A_190 = arith.constant 0 : i32
      %sign3A_191 = arith.cmpi sgt, %jit3A_181, %sign3A_190 : i32
      %sign3A_192 = arith.extui %sign3A_191 : i1 to i32
      %sign3A_193 = arith.constant 0 : i32
      %sign3A_194 = arith.cmpi slt, %jit3A_181, %sign3A_193 : i32
      %sign3A_195 = arith.extui %sign3A_194 : i1 to i32
      %sign3A_196 = arith.subi %sign3A_192, %sign3A_195 : i32
      %ne3A_197 = arith.cmpi ne, %sign3A_189, %sign3A_196 : i32
      %rem3A_198 = arith.remsi %squeeze3A_130, %jit3A_181 : i32
      %ne3A_199 = arith.constant 0 : i32
      %ne3A_200 = arith.cmpi ne, %rem3A_198, %ne3A_199 : i32
      %and3A_201 = arith.andi %ne3A_197, %ne3A_200 : i1
      %sub3A_202 = arith.constant 1 : i32
      %sub3A_203 = arith.subi %div3A_182, %sub3A_202 : i32
      %select_n3A_204 = arith.select %and3A_201, %sub3A_203, %div3A_182 : i32
      %add3A_205 = arith.constant 0 : i32
      %add3A_206 = arith.addi %mul3A_176, %add3A_205 : i32
      %swap3A = arith.index_cast %select_n3A_204 : i32 to index
      %swap3A_207 = arith.index_cast %add3A_206 : i32 to index
      %swap3A_208 = tpu.vector_load %arg13[%swap3A, %swap3A_207] {strides = array<i32>} : memref<512x128xf32, #tpu.memory_space<vmem>>, vector<16xf32>,
      tpu.vector_store %arg13[%swap3A, %swap3A_207], %gather3A_180 {strides = array<i32>} : memref<512x128xf32, #tpu.memory_space<vmem>>, vector<16xf32>,
      %add3A_209 = arith.constant 16 : i32
      %add3A_210 = vector.broadcast %add3A_209 : i32 to vector<16xi32>
      %add3A_211 = arith.addi %iota3A, %add3A_210 : vector<16xi32>
      %gather3A_212 = tpu.vector_load_idx %arg12[%add3A_211, %broadcast_in_dim3A_158] : memref<64x128xf32, #tpu.memory_space<vmem>>[vector<16xi32>, vector<16xi32>], vector<16xf32>,
      %jit3A_213 = arith.constant 2 : i32
      %div3A_214 = arith.divsi %squeeze3A_130, %jit3A_213 : i32
      %sign3A_215 = arith.constant 0 : i32
      %sign3A_216 = arith.cmpi sgt, %squeeze3A_130, %sign3A_215 : i32
      %sign3A_217 = arith.extui %sign3A_216 : i1 to i32
      %sign3A_218 = arith.constant 0 : i32
      %sign3A_219 = arith.cmpi slt, %squeeze3A_130, %sign3A_218 : i32
      %sign3A_220 = arith.extui %sign3A_219 : i1 to i32
      %sign3A_221 = arith.subi %sign3A_217, %sign3A_220 : i32
      %sign3A_222 = arith.constant 0 : i32
      %sign3A_223 = arith.cmpi sgt, %jit3A_213, %sign3A_222 : i32
      %sign3A_224 = arith.extui %sign3A_223 : i1 to i32
      %sign3A_225 = arith.constant 0 : i32
      %sign3A_226 = arith.cmpi slt, %jit3A_213, %sign3A_225 : i32
      %sign3A_227 = arith.extui %sign3A_226 : i1 to i32
      %sign3A_228 = arith.subi %sign3A_224, %sign3A_227 : i32
      %ne3A_229 = arith.cmpi ne, %sign3A_221, %sign3A_228 : i32
      %rem3A_230 = arith.remsi %squeeze3A_130, %jit3A_213 : i32
      %ne3A_231 = arith.constant 0 : i32
      %ne3A_232 = arith.cmpi ne, %rem3A_230, %ne3A_231 : i32
      %and3A_233 = arith.andi %ne3A_229, %ne3A_232 : i1
      %sub3A_234 = arith.constant 1 : i32
      %sub3A_235 = arith.subi %div3A_214, %sub3A_234 : i32
      %select_n3A_236 = arith.select %and3A_233, %sub3A_235, %div3A_214 : i32
      %add3A_237 = arith.constant 16 : i32
      %add3A_238 = arith.addi %mul3A_176, %add3A_237 : i32
      %swap3A_239 = arith.index_cast %select_n3A_236 : i32 to index
      %swap3A_240 = arith.index_cast %add3A_238 : i32 to index
      %swap3A_241 = tpu.vector_load %arg13[%swap3A_239, %swap3A_240] {strides = array<i32>} : memref<512x128xf32, #tpu.memory_space<vmem>>, vector<16xf32>,
      tpu.vector_store %arg13[%swap3A_239, %swap3A_240], %gather3A_212 {strides = array<i32>} : memref<512x128xf32, #tpu.memory_space<vmem>>, vector<16xf32>,
      %add3A_242 = arith.constant 32 : i32
      %add3A_243 = vector.broadcast %add3A_242 : i32 to vector<16xi32>
      %add3A_244 = arith.addi %iota3A, %add3A_243 : vector<16xi32>
      %gather3A_245 = tpu.vector_load_idx %arg12[%add3A_244, %broadcast_in_dim3A_158] : memref<64x128xf32, #tpu.memory_space<vmem>>[vector<16xi32>, vector<16xi32>], vector<16xf32>,
      %jit3A_246 = arith.constant 2 : i32
      %div3A_247 = arith.divsi %squeeze3A_130, %jit3A_246 : i32
      %sign3A_248 = arith.constant 0 : i32
      %sign3A_249 = arith.cmpi sgt, %squeeze3A_130, %sign3A_248 : i32
      %sign3A_250 = arith.extui %sign3A_249 : i1 to i32
      %sign3A_251 = arith.constant 0 : i32
      %sign3A_252 = arith.cmpi slt, %squeeze3A_130, %sign3A_251 : i32
      %sign3A_253 = arith.extui %sign3A_252 : i1 to i32
      %sign3A_254 = arith.subi %sign3A_250, %sign3A_253 : i32
      %sign3A_255 = arith.constant 0 : i32
      %sign3A_256 = arith.cmpi sgt, %jit3A_246, %sign3A_255 : i32
      %sign3A_257 = arith.extui %sign3A_256 : i1 to i32
      %sign3A_258 = arith.constant 0 : i32
      %sign3A_259 = arith.cmpi slt, %jit3A_246, %sign3A_258 : i32
      %sign3A_260 = arith.extui %sign3A_259 : i1 to i32
      %sign3A_261 = arith.subi %sign3A_257, %sign3A_260 : i32
      %ne3A_262 = arith.cmpi ne, %sign3A_254, %sign3A_261 : i32
      %rem3A_263 = arith.remsi %squeeze3A_130, %jit3A_246 : i32
      %ne3A_264 = arith.constant 0 : i32
      %ne3A_265 = arith.cmpi ne, %rem3A_263, %ne3A_264 : i32
      %and3A_266 = arith.andi %ne3A_262, %ne3A_265 : i1
      %sub3A_267 = arith.constant 1 : i32
      %sub3A_268 = arith.subi %div3A_247, %sub3A_267 : i32
      %select_n3A_269 = arith.select %and3A_266, %sub3A_268, %div3A_247 : i32
      %add3A_270 = arith.constant 32 : i32
      %add3A_271 = arith.addi %mul3A_176, %add3A_270 : i32
      %swap3A_272 = arith.index_cast %select_n3A_269 : i32 to index
      %swap3A_273 = arith.index_cast %add3A_271 : i32 to index
      %swap3A_274 = tpu.vector_load %arg13[%swap3A_272, %swap3A_273] {strides = array<i32>} : memref<512x128xf32, #tpu.memory_space<vmem>>, vector<16xf32>,
      tpu.vector_store %arg13[%swap3A_272, %swap3A_273], %gather3A_245 {strides = array<i32>} : memref<512x128xf32, #tpu.memory_space<vmem>>, vector<16xf32>,
      %add3A_275 = arith.constant 48 : i32
      %add3A_276 = vector.broadcast %add3A_275 : i32 to vector<16xi32>
      %add3A_277 = arith.addi %iota3A, %add3A_276 : vector<16xi32>
      %gather3A_278 = tpu.vector_load_idx %arg12[%add3A_277, %broadcast_in_dim3A_158] : memref<64x128xf32, #tpu.memory_space<vmem>>[vector<16xi32>, vector<16xi32>], vector<16xf32>,
      %jit3A_279 = arith.constant 2 : i32
      %div3A_280 = arith.divsi %squeeze3A_130, %jit3A_279 : i32
      %sign3A_281 = arith.constant 0 : i32
      %sign3A_282 = arith.cmpi sgt, %squeeze3A_130, %sign3A_281 : i32
      %sign3A_283 = arith.extui %sign3A_282 : i1 to i32
      %sign3A_284 = arith.constant 0 : i32
      %sign3A_285 = arith.cmpi slt, %squeeze3A_130, %sign3A_284 : i32
      %sign3A_286 = arith.extui %sign3A_285 : i1 to i32
      %sign3A_287 = arith.subi %sign3A_283, %sign3A_286 : i32
      %sign3A_288 = arith.constant 0 : i32
      %sign3A_289 = arith.cmpi sgt, %jit3A_279, %sign3A_288 : i32
      %sign3A_290 = arith.extui %sign3A_289 : i1 to i32
      %sign3A_291 = arith.constant 0 : i32
      %sign3A_292 = arith.cmpi slt, %jit3A_279, %sign3A_291 : i32
      %sign3A_293 = arith.extui %sign3A_292 : i1 to i32
      %sign3A_294 = arith.subi %sign3A_290, %sign3A_293 : i32
      %ne3A_295 = arith.cmpi ne, %sign3A_287, %sign3A_294 : i32
      %rem3A_296 = arith.remsi %squeeze3A_130, %jit3A_279 : i32
      %ne3A_297 = arith.constant 0 : i32
      %ne3A_298 = arith.cmpi ne, %rem3A_296, %ne3A_297 : i32
      %and3A_299 = arith.andi %ne3A_295, %ne3A_298 : i1
      %sub3A_300 = arith.constant 1 : i32
      %sub3A_301 = arith.subi %div3A_280, %sub3A_300 : i32
      %select_n3A_302 = arith.select %and3A_299, %sub3A_301, %div3A_280 : i32
      %add3A_303 = arith.constant 48 : i32
      %add3A_304 = arith.addi %mul3A_176, %add3A_303 : i32
      %swap3A_305 = arith.index_cast %select_n3A_302 : i32 to index
      %swap3A_306 = arith.index_cast %add3A_304 : i32 to index
      %swap3A_307 = tpu.vector_load %arg13[%swap3A_305, %swap3A_306] {strides = array<i32>} : memref<512x128xf32, #tpu.memory_space<vmem>>, vector<16xf32>,
      tpu.vector_store %arg13[%swap3A_305, %swap3A_306], %gather3A_278 {strides = array<i32>} : memref<512x128xf32, #tpu.memory_space<vmem>>, vector<16xf32>,
      %while3A_308 = arith.constant 0 : i32
      scf.yield %while3A_308 : i32
    }
    %jit3A_92 = arith.constant 2 : i32
    %div3A_93 = arith.divsi %arg1, %jit3A_92 : i32
    %sign3A_94 = arith.constant 0 : i32
    %sign3A_95 = arith.cmpi sgt, %arg1, %sign3A_94 : i32
    %sign3A_96 = arith.extui %sign3A_95 : i1 to i32
    %sign3A_97 = arith.constant 0 : i32
    %sign3A_98 = arith.cmpi slt, %arg1, %sign3A_97 : i32
    %sign3A_99 = arith.extui %sign3A_98 : i1 to i32
    %sign3A_100 = arith.subi %sign3A_96, %sign3A_99 : i32
    %sign3A_101 = arith.constant 0 : i32
    %sign3A_102 = arith.cmpi sgt, %jit3A_92, %sign3A_101 : i32
    %sign3A_103 = arith.extui %sign3A_102 : i1 to i32
    %sign3A_104 = arith.constant 0 : i32
    %sign3A_105 = arith.cmpi slt, %jit3A_92, %sign3A_104 : i32
    %sign3A_106 = arith.extui %sign3A_105 : i1 to i32
    %sign3A_107 = arith.subi %sign3A_103, %sign3A_106 : i32
    %ne3A_108 = arith.cmpi ne, %sign3A_100, %sign3A_107 : i32
    %rem3A_109 = arith.remsi %arg1, %jit3A_92 : i32
    %ne3A_110 = arith.constant 0 : i32
    %ne3A_111 = arith.cmpi ne, %rem3A_109, %ne3A_110 : i32
    %and3A_112 = arith.andi %ne3A_108, %ne3A_111 : i1
    %sub3A_113 = arith.constant 1 : i32
    %sub3A_114 = arith.subi %div3A_93, %sub3A_113 : i32
    %select_n3A_115 = arith.select %and3A_112, %sub3A_114, %div3A_93 : i32
    %eq3A_116 = arith.constant 1 : i32
    %eq3A_117 = arith.cmpi eq, %select_n3A_30, %eq3A_116 : i32
    %convert_element_type3A = arith.extui %eq3A_117 : i1 to i32
    %cond3A = arith.constant 0 : i32
    %cond3A_118 = arith.cmpi ne, %convert_element_type3A, %cond3A : i32
    scf.if %cond3A_118 {
      %broadcast_in_dim3A_124 = vector.broadcast %min3A_80 : i32 to vector<16xi32>
      %swap3A = arith.constant 0 : index
      %swap3A_125 = tpu.vector_load %arg17[%swap3A] {strides = array<i32>} : memref<16xi32, #tpu.memory_space<vmem>>, vector<16xi32>,
      tpu.vector_store %arg17[%swap3A], %broadcast_in_dim3A_124 {strides = array<i32>} : memref<16xi32, #tpu.memory_space<vmem>>, vector<16xi32>,
      %mul3A_126 = arith.constant 512 : i32
      %mul3A_127 = arith.muli %select_n3A_115, %mul3A_126 : i32
      "tpu.region"() ({
        %run_scoped3A = tpu.sem_alloc : memref<!tpu.dma_semaphore, #tpu.memory_space<semaphore_mem>>
        %dma_start3A = arith.constant 0 : i32
        %dma_start3A_134 = tpu.memref_slice %arg19[%mul3A_127, %dma_start3A] : memref<4096x128xf32, #tpu.memory_space<vmem_shared>> -> memref<512x128xf32, #tpu.memory_space<vmem_shared>>
        %dma_start3A_135 = arith.constant 0 : i32
        %dma_start3A_136 = tpu.memref_slice %arg19[%mul3A_127, %dma_start3A_135] : memref<4096x128xf32, #tpu.memory_space<vmem_shared>> -> memref<512x128xf32, #tpu.memory_space<vmem_shared>>
        tpu.enqueue_dma source(%arg13 : memref<512x128xf32, #tpu.memory_space<vmem>>) target(%dma_start3A_136 : memref<512x128xf32, #tpu.memory_space<vmem_shared>>) target_semaphore(%run_scoped3A : memref<!tpu.dma_semaphore, #tpu.memory_space<semaphore_mem>>)
        %dma_wait3A = arith.constant 0 : i32
        %dma_wait3A_137 = tpu.memref_slice %arg19[%mul3A_127, %dma_wait3A] : memref<4096x128xf32, #tpu.memory_space<vmem_shared>> -> memref<512x128xf32, #tpu.memory_space<vmem_shared>>
        %dma_wait3A_138 = arith.constant 0 : i32
        %dma_wait3A_139 = tpu.memref_slice %arg19[%mul3A_127, %dma_wait3A_138] : memref<4096x128xf32, #tpu.memory_space<vmem_shared>> -> memref<512x128xf32, #tpu.memory_space<vmem_shared>>
        tpu.wait_dma2 semaphore(%run_scoped3A : memref<!tpu.dma_semaphore, #tpu.memory_space<semaphore_mem>>) src(%arg13 : memref<512x128xf32, #tpu.memory_space<vmem>>) dst(%dma_wait3A_139 : memref<512x128xf32, #tpu.memory_space<vmem_shared>>)
        tpu.yield
      }) : () -> ()
      %mul3A_128 = arith.constant 1024 : i32
      %mul3A_129 = arith.muli %select_n3A_115, %mul3A_128 : i32
      "tpu.region"() ({
        %run_scoped3A = tpu.sem_alloc : memref<!tpu.dma_semaphore, #tpu.memory_space<semaphore_mem>>
        %dma_start3A = tpu.memref_slice %arg20[%mul3A_129] : memref<8192xi32, #tpu.memory_space<vmem_shared>> -> memref<1024xi32, #tpu.memory_space<vmem_shared>>
        %dma_start3A_134 = tpu.memref_slice %arg20[%mul3A_129] : memref<8192xi32, #tpu.memory_space<vmem_shared>> -> memref<1024xi32, #tpu.memory_space<vmem_shared>>
        tpu.enqueue_dma source(%arg8 : memref<1024xi32, #tpu.memory_space<vmem>>) target(%dma_start3A_134 : memref<1024xi32, #tpu.memory_space<vmem_shared>>) target_semaphore(%run_scoped3A : memref<!tpu.dma_semaphore, #tpu.memory_space<semaphore_mem>>)
        %dma_wait3A = tpu.memref_slice %arg20[%mul3A_129] : memref<8192xi32, #tpu.memory_space<vmem_shared>> -> memref<1024xi32, #tpu.memory_space<vmem_shared>>
        %dma_wait3A_135 = tpu.memref_slice %arg20[%mul3A_129] : memref<8192xi32, #tpu.memory_space<vmem_shared>> -> memref<1024xi32, #tpu.memory_space<vmem_shared>>
        tpu.wait_dma2 semaphore(%run_scoped3A : memref<!tpu.dma_semaphore, #tpu.memory_space<semaphore_mem>>) src(%arg8 : memref<1024xi32, #tpu.memory_space<vmem>>) dst(%dma_wait3A_135 : memref<1024xi32, #tpu.memory_space<vmem_shared>>)
        tpu.yield
      }) : () -> ()
      %mul3A_130 = arith.constant 2064 : i32
      %mul3A_131 = arith.muli %select_n3A_115, %mul3A_130 : i32
      "tpu.region"() ({
        %run_scoped3A = tpu.sem_alloc : memref<!tpu.dma_semaphore, #tpu.memory_space<semaphore_mem>>
        %dma_start3A = tpu.memref_slice %arg21[%mul3A_131] : memref<16512xi32, #tpu.memory_space<vmem_shared>> -> memref<2064xi32, #tpu.memory_space<vmem_shared>>
        %dma_start3A_134 = tpu.memref_slice %arg21[%mul3A_131] : memref<16512xi32, #tpu.memory_space<vmem_shared>> -> memref<2064xi32, #tpu.memory_space<vmem_shared>>
        tpu.enqueue_dma source(%arg11 : memref<2064xi32, #tpu.memory_space<vmem>>) target(%dma_start3A_134 : memref<2064xi32, #tpu.memory_space<vmem_shared>>) target_semaphore(%run_scoped3A : memref<!tpu.dma_semaphore, #tpu.memory_space<semaphore_mem>>)
        %dma_wait3A = tpu.memref_slice %arg21[%mul3A_131] : memref<16512xi32, #tpu.memory_space<vmem_shared>> -> memref<2064xi32, #tpu.memory_space<vmem_shared>>
        %dma_wait3A_135 = tpu.memref_slice %arg21[%mul3A_131] : memref<16512xi32, #tpu.memory_space<vmem_shared>> -> memref<2064xi32, #tpu.memory_space<vmem_shared>>
        tpu.wait_dma2 semaphore(%run_scoped3A : memref<!tpu.dma_semaphore, #tpu.memory_space<semaphore_mem>>) src(%arg11 : memref<2064xi32, #tpu.memory_space<vmem>>) dst(%dma_wait3A_135 : memref<2064xi32, #tpu.memory_space<vmem_shared>>)
        tpu.yield
      }) : () -> ()
      %mul3A_132 = arith.constant 16 : i32
      %mul3A_133 = arith.muli %select_n3A_115, %mul3A_132 : i32
      "tpu.region"() ({
        %run_scoped3A = tpu.sem_alloc : memref<!tpu.dma_semaphore, #tpu.memory_space<semaphore_mem>>
        %dma_start3A = tpu.memref_slice %arg22[%mul3A_133] : memref<128xi32, #tpu.memory_space<vmem_shared>> -> memref<16xi32, #tpu.memory_space<vmem_shared>>
        %dma_start3A_134 = tpu.memref_slice %arg22[%mul3A_133] : memref<128xi32, #tpu.memory_space<vmem_shared>> -> memref<16xi32, #tpu.memory_space<vmem_shared>>
        tpu.enqueue_dma source(%arg17 : memref<16xi32, #tpu.memory_space<vmem>>) target(%dma_start3A_134 : memref<16xi32, #tpu.memory_space<vmem_shared>>) target_semaphore(%run_scoped3A : memref<!tpu.dma_semaphore, #tpu.memory_space<semaphore_mem>>)
        %dma_wait3A = tpu.memref_slice %arg22[%mul3A_133] : memref<128xi32, #tpu.memory_space<vmem_shared>> -> memref<16xi32, #tpu.memory_space<vmem_shared>>
        %dma_wait3A_135 = tpu.memref_slice %arg22[%mul3A_133] : memref<128xi32, #tpu.memory_space<vmem_shared>> -> memref<16xi32, #tpu.memory_space<vmem_shared>>
        tpu.wait_dma2 semaphore(%run_scoped3A : memref<!tpu.dma_semaphore, #tpu.memory_space<semaphore_mem>>) src(%arg17 : memref<16xi32, #tpu.memory_space<vmem>>) dst(%dma_wait3A_135 : memref<16xi32, #tpu.memory_space<vmem_shared>>)
        tpu.yield
      }) : () -> ()
    } else {
    }
    %barrier3A = arith.constant 0 : index
    tpu.barrier barrier_id(%barrier3A)
    %eq3A_119 = arith.constant 0 : i32
    %eq3A_120 = arith.cmpi eq, %select_n3A_30, %eq3A_119 : i32
    %convert_element_type3A_121 = arith.extui %eq3A_120 : i1 to i32
    %cond3A_122 = arith.constant 0 : i32
    %cond3A_123 = arith.cmpi ne, %convert_element_type3A_121, %cond3A_122 : i32
    scf.if %cond3A_123 {
      %mul3A_124 = arith.constant 1024 : i32
      %mul3A_125 = arith.muli %select_n3A_115, %mul3A_124 : i32
      "tpu.region"() ({
        %run_scoped3A = tpu.sem_alloc : memref<!tpu.dma_semaphore, #tpu.memory_space<semaphore_mem>>
        %dma_start3A = tpu.memref_slice %arg20[%mul3A_125] : memref<8192xi32, #tpu.memory_space<vmem_shared>> -> memref<1024xi32, #tpu.memory_space<vmem_shared>>
        %dma_start3A_639 = tpu.memref_slice %arg20[%mul3A_125] : memref<8192xi32, #tpu.memory_space<vmem_shared>> -> memref<1024xi32, #tpu.memory_space<vmem_shared>>
        tpu.enqueue_dma source(%dma_start3A_639 : memref<1024xi32, #tpu.memory_space<vmem_shared>>) target(%arg15 : memref<1024xi32, #tpu.memory_space<vmem>>) target_semaphore(%run_scoped3A : memref<!tpu.dma_semaphore, #tpu.memory_space<semaphore_mem>>)
        %dma_wait3A = tpu.memref_slice %arg20[%mul3A_125] : memref<8192xi32, #tpu.memory_space<vmem_shared>> -> memref<1024xi32, #tpu.memory_space<vmem_shared>>
        %dma_wait3A_640 = tpu.memref_slice %arg20[%mul3A_125] : memref<8192xi32, #tpu.memory_space<vmem_shared>> -> memref<1024xi32, #tpu.memory_space<vmem_shared>>
        tpu.wait_dma2 semaphore(%run_scoped3A : memref<!tpu.dma_semaphore, #tpu.memory_space<semaphore_mem>>) src(%dma_wait3A_640 : memref<1024xi32, #tpu.memory_space<vmem_shared>>) dst(%arg15 : memref<1024xi32, #tpu.memory_space<vmem>>)
        tpu.yield
      }) : () -> ()
      %mul3A_126 = arith.constant 2064 : i32
      %mul3A_127 = arith.muli %select_n3A_115, %mul3A_126 : i32
      "tpu.region"() ({
        %run_scoped3A = tpu.sem_alloc : memref<!tpu.dma_semaphore, #tpu.memory_space<semaphore_mem>>
        %dma_start3A = tpu.memref_slice %arg21[%mul3A_127] : memref<16512xi32, #tpu.memory_space<vmem_shared>> -> memref<2064xi32, #tpu.memory_space<vmem_shared>>
        %dma_start3A_639 = tpu.memref_slice %arg21[%mul3A_127] : memref<16512xi32, #tpu.memory_space<vmem_shared>> -> memref<2064xi32, #tpu.memory_space<vmem_shared>>
        tpu.enqueue_dma source(%dma_start3A_639 : memref<2064xi32, #tpu.memory_space<vmem_shared>>) target(%arg16 : memref<2064xi32, #tpu.memory_space<vmem>>) target_semaphore(%run_scoped3A : memref<!tpu.dma_semaphore, #tpu.memory_space<semaphore_mem>>)
        %dma_wait3A = tpu.memref_slice %arg21[%mul3A_127] : memref<16512xi32, #tpu.memory_space<vmem_shared>> -> memref<2064xi32, #tpu.memory_space<vmem_shared>>
        %dma_wait3A_640 = tpu.memref_slice %arg21[%mul3A_127] : memref<16512xi32, #tpu.memory_space<vmem_shared>> -> memref<2064xi32, #tpu.memory_space<vmem_shared>>
        tpu.wait_dma2 semaphore(%run_scoped3A : memref<!tpu.dma_semaphore, #tpu.memory_space<semaphore_mem>>) src(%dma_wait3A_640 : memref<2064xi32, #tpu.memory_space<vmem_shared>>) dst(%arg16 : memref<2064xi32, #tpu.memory_space<vmem>>)
        tpu.yield
      }) : () -> ()
      %mul3A_128 = arith.constant 16 : i32
      %mul3A_129 = arith.muli %select_n3A_115, %mul3A_128 : i32
      "tpu.region"() ({
        %run_scoped3A = tpu.sem_alloc : memref<!tpu.dma_semaphore, #tpu.memory_space<semaphore_mem>>
        %dma_start3A = tpu.memref_slice %arg22[%mul3A_129] : memref<128xi32, #tpu.memory_space<vmem_shared>> -> memref<16xi32, #tpu.memory_space<vmem_shared>>
        %dma_start3A_639 = tpu.memref_slice %arg22[%mul3A_129] : memref<128xi32, #tpu.memory_space<vmem_shared>> -> memref<16xi32, #tpu.memory_space<vmem_shared>>
        tpu.enqueue_dma source(%dma_start3A_639 : memref<16xi32, #tpu.memory_space<vmem_shared>>) target(%arg17 : memref<16xi32, #tpu.memory_space<vmem>>) target_semaphore(%run_scoped3A : memref<!tpu.dma_semaphore, #tpu.memory_space<semaphore_mem>>)
        %dma_wait3A = tpu.memref_slice %arg22[%mul3A_129] : memref<128xi32, #tpu.memory_space<vmem_shared>> -> memref<16xi32, #tpu.memory_space<vmem_shared>>
        %dma_wait3A_640 = tpu.memref_slice %arg22[%mul3A_129] : memref<128xi32, #tpu.memory_space<vmem_shared>> -> memref<16xi32, #tpu.memory_space<vmem_shared>>
        tpu.wait_dma2 semaphore(%run_scoped3A : memref<!tpu.dma_semaphore, #tpu.memory_space<semaphore_mem>>) src(%dma_wait3A_640 : memref<16xi32, #tpu.memory_space<vmem_shared>>) dst(%arg17 : memref<16xi32, #tpu.memory_space<vmem>>)
        tpu.yield
      }) : () -> ()
      %get3A = arith.constant 0 : index
      %get3A_130 = tpu.vector_load %arg17[%get3A] {strides = array<i32>} : memref<16xi32, #tpu.memory_space<vmem>>, vector<16xi32>,
      %slice3A = vector.extract_strided_slice %get3A_130 {offsets = [0], sizes = [1], strides = [1]} : vector<16xi32> to vector<1xi32>
      %squeeze3A = vector.extract %slice3A[0] : i32 from vector<1xi32>
      %min3A_131 = arith.constant 2048 : i32
      %min3A_132 = arith.minsi %squeeze3A, %min3A_131 : i32
      %while3A_133 = arith.constant 0 : i32
      %while3A_134 = arith.constant 0 : i32
      %while3A_135 = arith.subi %min3A_132, %while3A_133 : i32
      %while3A_136 = arith.addi %while3A_133, %while3A_135 : i32
      %while3A_137 = arith.constant 1 : i32
      %while3A_138 = arith.divsi %while3A_135, %while3A_137 : i32
      %while3A_139 = arith.muli %while3A_138, %while3A_137 : i32
      %while3A_140 = arith.addi %while3A_133, %while3A_139 : i32
      %while3A_141 = arith.constant 1 : i32
      %while3A_142 = scf.for %while3A_639 = %while3A_133 to %while3A_140 step %while3A_141 iter_args(%while3A_640 = %while3A_134) -> (i32)  : i32 {
        %get3A_641 = arith.index_cast %while3A_639 : i32 to index
        %get3A_642 = tpu.vector_load %arg16[%get3A_641] {strides = array<i32>} : memref<2064xi32, #tpu.memory_space<vmem>>, vector<16xi32>,
        %slice3A_643 = vector.extract_strided_slice %get3A_642 {offsets = [0], sizes = [1], strides = [1]} : vector<16xi32> to vector<1xi32>
        %squeeze3A_644 = vector.extract %slice3A_643[0] : i32 from vector<1xi32>
        %jit3A_645 = arith.constant 2 : i32
        %div3A_646 = arith.divsi %squeeze3A_644, %jit3A_645 : i32
        %sign3A_647 = arith.constant 0 : i32
        %sign3A_648 = arith.cmpi sgt, %squeeze3A_644, %sign3A_647 : i32
        %sign3A_649 = arith.extui %sign3A_648 : i1 to i32
        %sign3A_650 = arith.constant 0 : i32
        %sign3A_651 = arith.cmpi slt, %squeeze3A_644, %sign3A_650 : i32
        %sign3A_652 = arith.extui %sign3A_651 : i1 to i32
        %sign3A_653 = arith.subi %sign3A_649, %sign3A_652 : i32
        %sign3A_654 = arith.constant 0 : i32
        %sign3A_655 = arith.cmpi sgt, %jit3A_645, %sign3A_654 : i32
        %sign3A_656 = arith.extui %sign3A_655 : i1 to i32
        %sign3A_657 = arith.constant 0 : i32
        %sign3A_658 = arith.cmpi slt, %jit3A_645, %sign3A_657 : i32
        %sign3A_659 = arith.extui %sign3A_658 : i1 to i32
        %sign3A_660 = arith.subi %sign3A_656, %sign3A_659 : i32
        %ne3A_661 = arith.cmpi ne, %sign3A_653, %sign3A_660 : i32
        %rem3A_662 = arith.remsi %squeeze3A_644, %jit3A_645 : i32
        %ne3A_663 = arith.constant 0 : i32
        %ne3A_664 = arith.cmpi ne, %rem3A_662, %ne3A_663 : i32
        %and3A_665 = arith.andi %ne3A_661, %ne3A_664 : i1
        %sub3A_666 = arith.constant 1 : i32
        %sub3A_667 = arith.subi %div3A_646, %sub3A_666 : i32
        %select_n3A_668 = arith.select %and3A_665, %sub3A_667, %div3A_646 : i32
        %jit3A_669 = arith.constant 8 : i32
        %div3A_670 = arith.divsi %select_n3A_668, %jit3A_669 : i32
        %sign3A_671 = arith.constant 0 : i32
        %sign3A_672 = arith.cmpi sgt, %select_n3A_668, %sign3A_671 : i32
        %sign3A_673 = arith.extui %sign3A_672 : i1 to i32
        %sign3A_674 = arith.constant 0 : i32
        %sign3A_675 = arith.cmpi slt, %select_n3A_668, %sign3A_674 : i32
        %sign3A_676 = arith.extui %sign3A_675 : i1 to i32
        %sign3A_677 = arith.subi %sign3A_673, %sign3A_676 : i32
        %sign3A_678 = arith.constant 0 : i32
        %sign3A_679 = arith.cmpi sgt, %jit3A_669, %sign3A_678 : i32
        %sign3A_680 = arith.extui %sign3A_679 : i1 to i32
        %sign3A_681 = arith.constant 0 : i32
        %sign3A_682 = arith.cmpi slt, %jit3A_669, %sign3A_681 : i32
        %sign3A_683 = arith.extui %sign3A_682 : i1 to i32
        %sign3A_684 = arith.subi %sign3A_680, %sign3A_683 : i32
        %ne3A_685 = arith.cmpi ne, %sign3A_677, %sign3A_684 : i32
        %rem3A_686 = arith.remsi %select_n3A_668, %jit3A_669 : i32
        %ne3A_687 = arith.constant 0 : i32
        %ne3A_688 = arith.cmpi ne, %rem3A_686, %ne3A_687 : i32
        %and3A_689 = arith.andi %ne3A_685, %ne3A_688 : i1
        %sub3A_690 = arith.constant 1 : i32
        %sub3A_691 = arith.subi %div3A_670, %sub3A_690 : i32
        %select_n3A_692 = arith.select %and3A_689, %sub3A_691, %div3A_670 : i32
        %mul3A_693 = arith.constant 8 : i32
        %mul3A_694 = arith.muli %select_n3A_692, %mul3A_693 : i32
        %multiple_of3A = tpu.assume_multiple %mul3A_694, 8 : i32
        %mul3A_695 = arith.constant 512 : i32
        %mul3A_696 = arith.muli %select_n3A_115, %mul3A_695 : i32
        %add3A_697 = arith.addi %mul3A_696, %multiple_of3A : i32
        "tpu.region"() ({
          %run_scoped3A = tpu.sem_alloc : memref<!tpu.dma_semaphore, #tpu.memory_space<semaphore_mem>>
          %dma_start3A = arith.constant 0 : i32
          %dma_start3A_761 = tpu.memref_slice %arg19[%add3A_697, %dma_start3A] : memref<4096x128xf32, #tpu.memory_space<vmem_shared>> -> memref<8x128xf32, #tpu.memory_space<vmem_shared>>
          %dma_start3A_762 = arith.constant 0 : i32
          %dma_start3A_763 = tpu.memref_slice %arg19[%add3A_697, %dma_start3A_762] : memref<4096x128xf32, #tpu.memory_space<vmem_shared>> -> memref<8x128xf32, #tpu.memory_space<vmem_shared>>
          tpu.enqueue_dma source(%dma_start3A_763 : memref<8x128xf32, #tpu.memory_space<vmem_shared>>) target(%arg18 : memref<8x128xf32, #tpu.memory_space<vmem>>) target_semaphore(%run_scoped3A : memref<!tpu.dma_semaphore, #tpu.memory_space<semaphore_mem>>)
          %dma_wait3A = arith.constant 0 : i32
          %dma_wait3A_764 = tpu.memref_slice %arg19[%add3A_697, %dma_wait3A] : memref<4096x128xf32, #tpu.memory_space<vmem_shared>> -> memref<8x128xf32, #tpu.memory_space<vmem_shared>>
          %dma_wait3A_765 = arith.constant 0 : i32
          %dma_wait3A_766 = tpu.memref_slice %arg19[%add3A_697, %dma_wait3A_765] : memref<4096x128xf32, #tpu.memory_space<vmem_shared>> -> memref<8x128xf32, #tpu.memory_space<vmem_shared>>
          tpu.wait_dma2 semaphore(%run_scoped3A : memref<!tpu.dma_semaphore, #tpu.memory_space<semaphore_mem>>) src(%dma_wait3A_766 : memref<8x128xf32, #tpu.memory_space<vmem_shared>>) dst(%arg18 : memref<8x128xf32, #tpu.memory_space<vmem>>)
          tpu.yield
        }) : () -> ()
        %jit3A_698 = arith.constant 2 : i32
        %eq3A_699 = arith.constant 0 : i32
        %eq3A_700 = arith.cmpi eq, %jit3A_698, %eq3A_699 : i32
        %jit3A_701 = arith.constant 1 : i32
        %select_n3A_702 = arith.select %eq3A_700, %jit3A_701, %jit3A_698 : i32
        %rem3A_703 = arith.remsi %squeeze3A_644, %select_n3A_702 : i32
        %ne3A_704 = arith.constant 0 : i32
        %ne3A_705 = arith.cmpi ne, %rem3A_703, %ne3A_704 : i32
        %lt3A_706 = arith.constant 0 : i32
        %lt3A_707 = arith.cmpi slt, %rem3A_703, %lt3A_706 : i32
        %lt3A_708 = arith.constant 0 : i32
        %lt3A_709 = arith.cmpi slt, %select_n3A_702, %lt3A_708 : i32
        %ne3A_710 = arith.xori %lt3A_707, %lt3A_709 : i1
        %and3A_711 = arith.andi %ne3A_710, %ne3A_705 : i1
        %add3A_712 = arith.addi %rem3A_703, %select_n3A_702 : i32
        %select_n3A_713 = arith.select %and3A_711, %add3A_712, %rem3A_703 : i32
        %mul3A_714 = arith.constant 64 : i32
        %mul3A_715 = arith.muli %select_n3A_713, %mul3A_714 : i32
        %sub3A_716 = arith.subi %select_n3A_668, %multiple_of3A : i32
        %add3A_717 = arith.constant 0 : i32
        %add3A_718 = arith.addi %mul3A_715, %add3A_717 : i32
        %get3A_719 = arith.index_cast %sub3A_716 : i32 to index
        %get3A_720 = arith.index_cast %add3A_718 : i32 to index
        %get3A_721 = tpu.vector_load %arg18[%get3A_719, %get3A_720] {strides = array<i32>} : memref<8x128xf32, #tpu.memory_space<vmem>>, vector<16xf32>,
        %add3A_722 = arith.constant 0 : i32
        %add3A_723 = arith.addi %mul3A_715, %add3A_722 : i32
        %swap3A_724 = arith.index_cast %select_n3A_668 : i32 to index
        %swap3A_725 = arith.index_cast %add3A_723 : i32 to index
        %swap3A_726 = tpu.vector_load %arg13[%swap3A_724, %swap3A_725] {strides = array<i32>} : memref<512x128xf32, #tpu.memory_space<vmem>>, vector<16xf32>,
        tpu.vector_store %arg13[%swap3A_724, %swap3A_725], %get3A_721 {strides = array<i32>} : memref<512x128xf32, #tpu.memory_space<vmem>>, vector<16xf32>,
        %sub3A_727 = arith.subi %select_n3A_668, %multiple_of3A : i32
        %add3A_728 = arith.constant 16 : i32
        %add3A_729 = arith.addi %mul3A_715, %add3A_728 : i32
        %get3A_730 = arith.index_cast %sub3A_727 : i32 to index
        %get3A_731 = arith.index_cast %add3A_729 : i32 to index
        %get3A_732 = tpu.vector_load %arg18[%get3A_730, %get3A_731] {strides = array<i32>} : memref<8x128xf32, #tpu.memory_space<vmem>>, vector<16xf32>,
        %add3A_733 = arith.constant 16 : i32
        %add3A_734 = arith.addi %mul3A_715, %add3A_733 : i32
        %swap3A_735 = arith.index_cast %select_n3A_668 : i32 to index
        %swap3A_736 = arith.index_cast %add3A_734 : i32 to index
        %swap3A_737 = tpu.vector_load %arg13[%swap3A_735, %swap3A_736] {strides = array<i32>} : memref<512x128xf32, #tpu.memory_space<vmem>>, vector<16xf32>,
        tpu.vector_store %arg13[%swap3A_735, %swap3A_736], %get3A_732 {strides = array<i32>} : memref<512x128xf32, #tpu.memory_space<vmem>>, vector<16xf32>,
        %sub3A_738 = arith.subi %select_n3A_668, %multiple_of3A : i32
        %add3A_739 = arith.constant 32 : i32
        %add3A_740 = arith.addi %mul3A_715, %add3A_739 : i32
        %get3A_741 = arith.index_cast %sub3A_738 : i32 to index
        %get3A_742 = arith.index_cast %add3A_740 : i32 to index
        %get3A_743 = tpu.vector_load %arg18[%get3A_741, %get3A_742] {strides = array<i32>} : memref<8x128xf32, #tpu.memory_space<vmem>>, vector<16xf32>,
        %add3A_744 = arith.constant 32 : i32
        %add3A_745 = arith.addi %mul3A_715, %add3A_744 : i32
        %swap3A_746 = arith.index_cast %select_n3A_668 : i32 to index
        %swap3A_747 = arith.index_cast %add3A_745 : i32 to index
        %swap3A_748 = tpu.vector_load %arg13[%swap3A_746, %swap3A_747] {strides = array<i32>} : memref<512x128xf32, #tpu.memory_space<vmem>>, vector<16xf32>,
        tpu.vector_store %arg13[%swap3A_746, %swap3A_747], %get3A_743 {strides = array<i32>} : memref<512x128xf32, #tpu.memory_space<vmem>>, vector<16xf32>,
        %sub3A_749 = arith.subi %select_n3A_668, %multiple_of3A : i32
        %add3A_750 = arith.constant 48 : i32
        %add3A_751 = arith.addi %mul3A_715, %add3A_750 : i32
        %get3A_752 = arith.index_cast %sub3A_749 : i32 to index
        %get3A_753 = arith.index_cast %add3A_751 : i32 to index
        %get3A_754 = tpu.vector_load %arg18[%get3A_752, %get3A_753] {strides = array<i32>} : memref<8x128xf32, #tpu.memory_space<vmem>>, vector<16xf32>,
        %add3A_755 = arith.constant 48 : i32
        %add3A_756 = arith.addi %mul3A_715, %add3A_755 : i32
        %swap3A_757 = arith.index_cast %select_n3A_668 : i32 to index
        %swap3A_758 = arith.index_cast %add3A_756 : i32 to index
        %swap3A_759 = tpu.vector_load %arg13[%swap3A_757, %swap3A_758] {strides = array<i32>} : memref<512x128xf32, #tpu.memory_space<vmem>>, vector<16xf32>,
        tpu.vector_store %arg13[%swap3A_757, %swap3A_758], %get3A_754 {strides = array<i32>} : memref<512x128xf32, #tpu.memory_space<vmem>>, vector<16xf32>,
        %while3A_760 = arith.constant 0 : i32
        scf.yield %while3A_760 : i32
      }
      %while3A_143 = arith.constant 1 : i32
      %while3A_144 = scf.for %while3A_639 = %while3A_140 to %while3A_136 step %while3A_143 iter_args(%while3A_640 = %while3A_142) -> (i32)  : i32 {
        %get3A_641 = arith.index_cast %while3A_639 : i32 to index
        %get3A_642 = tpu.vector_load %arg16[%get3A_641] {strides = array<i32>} : memref<2064xi32, #tpu.memory_space<vmem>>, vector<16xi32>,
        %slice3A_643 = vector.extract_strided_slice %get3A_642 {offsets = [0], sizes = [1], strides = [1]} : vector<16xi32> to vector<1xi32>
        %squeeze3A_644 = vector.extract %slice3A_643[0] : i32 from vector<1xi32>
        %jit3A_645 = arith.constant 2 : i32
        %div3A_646 = arith.divsi %squeeze3A_644, %jit3A_645 : i32
        %sign3A_647 = arith.constant 0 : i32
        %sign3A_648 = arith.cmpi sgt, %squeeze3A_644, %sign3A_647 : i32
        %sign3A_649 = arith.extui %sign3A_648 : i1 to i32
        %sign3A_650 = arith.constant 0 : i32
        %sign3A_651 = arith.cmpi slt, %squeeze3A_644, %sign3A_650 : i32
        %sign3A_652 = arith.extui %sign3A_651 : i1 to i32
        %sign3A_653 = arith.subi %sign3A_649, %sign3A_652 : i32
        %sign3A_654 = arith.constant 0 : i32
        %sign3A_655 = arith.cmpi sgt, %jit3A_645, %sign3A_654 : i32
        %sign3A_656 = arith.extui %sign3A_655 : i1 to i32
        %sign3A_657 = arith.constant 0 : i32
        %sign3A_658 = arith.cmpi slt, %jit3A_645, %sign3A_657 : i32
        %sign3A_659 = arith.extui %sign3A_658 : i1 to i32
        %sign3A_660 = arith.subi %sign3A_656, %sign3A_659 : i32
        %ne3A_661 = arith.cmpi ne, %sign3A_653, %sign3A_660 : i32
        %rem3A_662 = arith.remsi %squeeze3A_644, %jit3A_645 : i32
        %ne3A_663 = arith.constant 0 : i32
        %ne3A_664 = arith.cmpi ne, %rem3A_662, %ne3A_663 : i32
        %and3A_665 = arith.andi %ne3A_661, %ne3A_664 : i1
        %sub3A_666 = arith.constant 1 : i32
        %sub3A_667 = arith.subi %div3A_646, %sub3A_666 : i32
        %select_n3A_668 = arith.select %and3A_665, %sub3A_667, %div3A_646 : i32
        %jit3A_669 = arith.constant 8 : i32
        %div3A_670 = arith.divsi %select_n3A_668, %jit3A_669 : i32
        %sign3A_671 = arith.constant 0 : i32
        %sign3A_672 = arith.cmpi sgt, %select_n3A_668, %sign3A_671 : i32
        %sign3A_673 = arith.extui %sign3A_672 : i1 to i32
        %sign3A_674 = arith.constant 0 : i32
        %sign3A_675 = arith.cmpi slt, %select_n3A_668, %sign3A_674 : i32
        %sign3A_676 = arith.extui %sign3A_675 : i1 to i32
        %sign3A_677 = arith.subi %sign3A_673, %sign3A_676 : i32
        %sign3A_678 = arith.constant 0 : i32
        %sign3A_679 = arith.cmpi sgt, %jit3A_669, %sign3A_678 : i32
        %sign3A_680 = arith.extui %sign3A_679 : i1 to i32
        %sign3A_681 = arith.constant 0 : i32
        %sign3A_682 = arith.cmpi slt, %jit3A_669, %sign3A_681 : i32
        %sign3A_683 = arith.extui %sign3A_682 : i1 to i32
        %sign3A_684 = arith.subi %sign3A_680, %sign3A_683 : i32
        %ne3A_685 = arith.cmpi ne, %sign3A_677, %sign3A_684 : i32
        %rem3A_686 = arith.remsi %select_n3A_668, %jit3A_669 : i32
        %ne3A_687 = arith.constant 0 : i32
        %ne3A_688 = arith.cmpi ne, %rem3A_686, %ne3A_687 : i32
        %and3A_689 = arith.andi %ne3A_685, %ne3A_688 : i1
        %sub3A_690 = arith.constant 1 : i32
        %sub3A_691 = arith.subi %div3A_670, %sub3A_690 : i32
        %select_n3A_692 = arith.select %and3A_689, %sub3A_691, %div3A_670 : i32
        %mul3A_693 = arith.constant 8 : i32
        %mul3A_694 = arith.muli %select_n3A_692, %mul3A_693 : i32
        %multiple_of3A = tpu.assume_multiple %mul3A_694, 8 : i32
        %mul3A_695 = arith.constant 512 : i32
        %mul3A_696 = arith.muli %select_n3A_115, %mul3A_695 : i32
        %add3A_697 = arith.addi %mul3A_696, %multiple_of3A : i32
        "tpu.region"() ({
          %run_scoped3A = tpu.sem_alloc : memref<!tpu.dma_semaphore, #tpu.memory_space<semaphore_mem>>
          %dma_start3A = arith.constant 0 : i32
          %dma_start3A_761 = tpu.memref_slice %arg19[%add3A_697, %dma_start3A] : memref<4096x128xf32, #tpu.memory_space<vmem_shared>> -> memref<8x128xf32, #tpu.memory_space<vmem_shared>>
          %dma_start3A_762 = arith.constant 0 : i32
          %dma_start3A_763 = tpu.memref_slice %arg19[%add3A_697, %dma_start3A_762] : memref<4096x128xf32, #tpu.memory_space<vmem_shared>> -> memref<8x128xf32, #tpu.memory_space<vmem_shared>>
          tpu.enqueue_dma source(%dma_start3A_763 : memref<8x128xf32, #tpu.memory_space<vmem_shared>>) target(%arg18 : memref<8x128xf32, #tpu.memory_space<vmem>>) target_semaphore(%run_scoped3A : memref<!tpu.dma_semaphore, #tpu.memory_space<semaphore_mem>>)
          %dma_wait3A = arith.constant 0 : i32
          %dma_wait3A_764 = tpu.memref_slice %arg19[%add3A_697, %dma_wait3A] : memref<4096x128xf32, #tpu.memory_space<vmem_shared>> -> memref<8x128xf32, #tpu.memory_space<vmem_shared>>
          %dma_wait3A_765 = arith.constant 0 : i32
          %dma_wait3A_766 = tpu.memref_slice %arg19[%add3A_697, %dma_wait3A_765] : memref<4096x128xf32, #tpu.memory_space<vmem_shared>> -> memref<8x128xf32, #tpu.memory_space<vmem_shared>>
          tpu.wait_dma2 semaphore(%run_scoped3A : memref<!tpu.dma_semaphore, #tpu.memory_space<semaphore_mem>>) src(%dma_wait3A_766 : memref<8x128xf32, #tpu.memory_space<vmem_shared>>) dst(%arg18 : memref<8x128xf32, #tpu.memory_space<vmem>>)
          tpu.yield
        }) : () -> ()
        %jit3A_698 = arith.constant 2 : i32
        %eq3A_699 = arith.constant 0 : i32
        %eq3A_700 = arith.cmpi eq, %jit3A_698, %eq3A_699 : i32
        %jit3A_701 = arith.constant 1 : i32
        %select_n3A_702 = arith.select %eq3A_700, %jit3A_701, %jit3A_698 : i32
        %rem3A_703 = arith.remsi %squeeze3A_644, %select_n3A_702 : i32
        %ne3A_704 = arith.constant 0 : i32
        %ne3A_705 = arith.cmpi ne, %rem3A_703, %ne3A_704 : i32
        %lt3A_706 = arith.constant 0 : i32
        %lt3A_707 = arith.cmpi slt, %rem3A_703, %lt3A_706 : i32
        %lt3A_708 = arith.constant 0 : i32
        %lt3A_709 = arith.cmpi slt, %select_n3A_702, %lt3A_708 : i32
        %ne3A_710 = arith.xori %lt3A_707, %lt3A_709 : i1
        %and3A_711 = arith.andi %ne3A_710, %ne3A_705 : i1
        %add3A_712 = arith.addi %rem3A_703, %select_n3A_702 : i32
        %select_n3A_713 = arith.select %and3A_711, %add3A_712, %rem3A_703 : i32
        %mul3A_714 = arith.constant 64 : i32
        %mul3A_715 = arith.muli %select_n3A_713, %mul3A_714 : i32
        %sub3A_716 = arith.subi %select_n3A_668, %multiple_of3A : i32
        %add3A_717 = arith.constant 0 : i32
        %add3A_718 = arith.addi %mul3A_715, %add3A_717 : i32
        %get3A_719 = arith.index_cast %sub3A_716 : i32 to index
        %get3A_720 = arith.index_cast %add3A_718 : i32 to index
        %get3A_721 = tpu.vector_load %arg18[%get3A_719, %get3A_720] {strides = array<i32>} : memref<8x128xf32, #tpu.memory_space<vmem>>, vector<16xf32>,
        %add3A_722 = arith.constant 0 : i32
        %add3A_723 = arith.addi %mul3A_715, %add3A_722 : i32
        %swap3A_724 = arith.index_cast %select_n3A_668 : i32 to index
        %swap3A_725 = arith.index_cast %add3A_723 : i32 to index
        %swap3A_726 = tpu.vector_load %arg13[%swap3A_724, %swap3A_725] {strides = array<i32>} : memref<512x128xf32, #tpu.memory_space<vmem>>, vector<16xf32>,
        tpu.vector_store %arg13[%swap3A_724, %swap3A_725], %get3A_721 {strides = array<i32>} : memref<512x128xf32, #tpu.memory_space<vmem>>, vector<16xf32>,
        %sub3A_727 = arith.subi %select_n3A_668, %multiple_of3A : i32
        %add3A_728 = arith.constant 16 : i32
        %add3A_729 = arith.addi %mul3A_715, %add3A_728 : i32
        %get3A_730 = arith.index_cast %sub3A_727 : i32 to index
        %get3A_731 = arith.index_cast %add3A_729 : i32 to index
        %get3A_732 = tpu.vector_load %arg18[%get3A_730, %get3A_731] {strides = array<i32>} : memref<8x128xf32, #tpu.memory_space<vmem>>, vector<16xf32>,
        %add3A_733 = arith.constant 16 : i32
        %add3A_734 = arith.addi %mul3A_715, %add3A_733 : i32
        %swap3A_735 = arith.index_cast %select_n3A_668 : i32 to index
        %swap3A_736 = arith.index_cast %add3A_734 : i32 to index
        %swap3A_737 = tpu.vector_load %arg13[%swap3A_735, %swap3A_736] {strides = array<i32>} : memref<512x128xf32, #tpu.memory_space<vmem>>, vector<16xf32>,
        tpu.vector_store %arg13[%swap3A_735, %swap3A_736], %get3A_732 {strides = array<i32>} : memref<512x128xf32, #tpu.memory_space<vmem>>, vector<16xf32>,
        %sub3A_738 = arith.subi %select_n3A_668, %multiple_of3A : i32
        %add3A_739 = arith.constant 32 : i32
        %add3A_740 = arith.addi %mul3A_715, %add3A_739 : i32
        %get3A_741 = arith.index_cast %sub3A_738 : i32 to index
        %get3A_742 = arith.index_cast %add3A_740 : i32 to index
        %get3A_743 = tpu.vector_load %arg18[%get3A_741, %get3A_742] {strides = array<i32>} : memref<8x128xf32, #tpu.memory_space<vmem>>, vector<16xf32>,
        %add3A_744 = arith.constant 32 : i32
        %add3A_745 = arith.addi %mul3A_715, %add3A_744 : i32
        %swap3A_746 = arith.index_cast %select_n3A_668 : i32 to index
        %swap3A_747 = arith.index_cast %add3A_745 : i32 to index
        %swap3A_748 = tpu.vector_load %arg13[%swap3A_746, %swap3A_747] {strides = array<i32>} : memref<512x128xf32, #tpu.memory_space<vmem>>, vector<16xf32>,
        tpu.vector_store %arg13[%swap3A_746, %swap3A_747], %get3A_743 {strides = array<i32>} : memref<512x128xf32, #tpu.memory_space<vmem>>, vector<16xf32>,
        %sub3A_749 = arith.subi %select_n3A_668, %multiple_of3A : i32
        %add3A_750 = arith.constant 48 : i32
        %add3A_751 = arith.addi %mul3A_715, %add3A_750 : i32
        %get3A_752 = arith.index_cast %sub3A_749 : i32 to index
        %get3A_753 = arith.index_cast %add3A_751 : i32 to index
        %get3A_754 = tpu.vector_load %arg18[%get3A_752, %get3A_753] {strides = array<i32>} : memref<8x128xf32, #tpu.memory_space<vmem>>, vector<16xf32>,
        %add3A_755 = arith.constant 48 : i32
        %add3A_756 = arith.addi %mul3A_715, %add3A_755 : i32
        %swap3A_757 = arith.index_cast %select_n3A_668 : i32 to index
        %swap3A_758 = arith.index_cast %add3A_756 : i32 to index
        %swap3A_759 = tpu.vector_load %arg13[%swap3A_757, %swap3A_758] {strides = array<i32>} : memref<512x128xf32, #tpu.memory_space<vmem>>, vector<16xf32>,
        tpu.vector_store %arg13[%swap3A_757, %swap3A_758], %get3A_754 {strides = array<i32>} : memref<512x128xf32, #tpu.memory_space<vmem>>, vector<16xf32>,
        %while3A_760 = arith.constant 0 : i32
        scf.yield %while3A_760 : i32
      }
      %scan3A_145 = arith.constant 0 : i32
      %scan3A_146 = arith.constant 0 : i32
      %scan3A_147 = arith.constant 64 : i32
      %scan3A_148 = arith.addi %scan3A_146, %scan3A_147 : i32
      %scan3A_149 = arith.constant 1 : i32
      %scan3A_150 = scf.for %scan3A_639 = %scan3A_146 to %scan3A_148 step %scan3A_149 iter_args(%scan3A_640 = %scan3A_145) -> (i32)  : i32 {
        %mul3A_641 = arith.constant 16 : i32
        %mul3A_642 = arith.muli %scan3A_639, %mul3A_641 : i32
        %get3A_643 = arith.index_cast %mul3A_642 : i32 to index
        %get3A_644 = tpu.vector_load %arg8[%get3A_643] {strides = array<i32>} : memref<1024xi32, #tpu.memory_space<vmem>>, vector<16xi32>,
        %mul3A_645 = arith.constant 16 : i32
        %mul3A_646 = arith.muli %scan3A_639, %mul3A_645 : i32
        %get3A_647 = arith.index_cast %mul3A_646 : i32 to index
        %get3A_648 = tpu.vector_load %arg15[%get3A_647] {strides = array<i32>} : memref<1024xi32, #tpu.memory_space<vmem>>, vector<16xi32>,
        %max3A = arith.maxsi %get3A_644, %get3A_648 : vector<16xi32>
        %mul3A_649 = arith.constant 16 : i32
        %mul3A_650 = arith.muli %scan3A_639, %mul3A_649 : i32
        %swap3A_651 = arith.index_cast %mul3A_650 : i32 to index
        %swap3A_652 = tpu.vector_load %arg8[%swap3A_651] {strides = array<i32>} : memref<1024xi32, #tpu.memory_space<vmem>>, vector<16xi32>,
        tpu.vector_store %arg8[%swap3A_651], %max3A {strides = array<i32>} : memref<1024xi32, #tpu.memory_space<vmem>>, vector<16xi32>,
        %scan3A_653 = arith.constant 0 : i32
        scf.yield %scan3A_653 : i32
      }
      %scan3A_151 = arith.constant 64 : i32
      %add3A_152 = arith.constant 0 : i32
      %add3A_153 = vector.broadcast %add3A_152 : i32 to vector<16xi32>
      %add3A_154 = arith.addi %add3A_153, %iota3A : vector<16xi32>
      %mul3A_155 = arith.constant 2 : i32
      %mul3A_156 = vector.broadcast %mul3A_155 : i32 to vector<16xi32>
      %mul3A_157 = arith.muli %add3A_154, %mul3A_156 : vector<16xi32>
      %gather3A_158 = tpu.vector_load_idx %arg8[%mul3A_157] : memref<1024xi32, #tpu.memory_space<vmem>>[vector<16xi32>], vector<16xi32>,
      %swap3A = arith.constant 0 : index
      %swap3A_159 = tpu.vector_load %arg9[%swap3A] {strides = array<i32>} : memref<1024xi32, #tpu.memory_space<vmem>>, vector<16xi32>,
      tpu.vector_store %arg9[%swap3A], %gather3A_158 {strides = array<i32>} : memref<1024xi32, #tpu.memory_space<vmem>>, vector<16xi32>,
      %add3A_160 = arith.constant 1 : i32
      %add3A_161 = vector.broadcast %add3A_160 : i32 to vector<16xi32>
      %add3A_162 = arith.addi %mul3A_157, %add3A_161 : vector<16xi32>
      %gather3A_163 = tpu.vector_load_idx %arg8[%add3A_162] : memref<1024xi32, #tpu.memory_space<vmem>>[vector<16xi32>], vector<16xi32>,
      %swap3A_164 = arith.constant 512 : index
      %swap3A_165 = tpu.vector_load %arg9[%swap3A_164] {strides = array<i32>} : memref<1024xi32, #tpu.memory_space<vmem>>, vector<16xi32>,
      tpu.vector_store %arg9[%swap3A_164], %gather3A_163 {strides = array<i32>} : memref<1024xi32, #tpu.memory_space<vmem>>, vector<16xi32>,
      %add3A_166 = arith.constant 16 : i32
      %add3A_167 = vector.broadcast %add3A_166 : i32 to vector<16xi32>
      %add3A_168 = arith.addi %add3A_167, %iota3A : vector<16xi32>
      %mul3A_169 = arith.constant 2 : i32
      %mul3A_170 = vector.broadcast %mul3A_169 : i32 to vector<16xi32>
      %mul3A_171 = arith.muli %add3A_168, %mul3A_170 : vector<16xi32>
      %gather3A_172 = tpu.vector_load_idx %arg8[%mul3A_171] : memref<1024xi32, #tpu.memory_space<vmem>>[vector<16xi32>], vector<16xi32>,
      %swap3A_173 = arith.constant 16 : index
      %swap3A_174 = tpu.vector_load %arg9[%swap3A_173] {strides = array<i32>} : memref<1024xi32, #tpu.memory_space<vmem>>, vector<16xi32>,
      tpu.vector_store %arg9[%swap3A_173], %gather3A_172 {strides = array<i32>} : memref<1024xi32, #tpu.memory_space<vmem>>, vector<16xi32>,
      %add3A_175 = arith.constant 1 : i32
      %add3A_176 = vector.broadcast %add3A_175 : i32 to vector<16xi32>
      %add3A_177 = arith.addi %mul3A_171, %add3A_176 : vector<16xi32>
      %gather3A_178 = tpu.vector_load_idx %arg8[%add3A_177] : memref<1024xi32, #tpu.memory_space<vmem>>[vector<16xi32>], vector<16xi32>,
      %swap3A_179 = arith.constant 528 : index
      %swap3A_180 = tpu.vector_load %arg9[%swap3A_179] {strides = array<i32>} : memref<1024xi32, #tpu.memory_space<vmem>>, vector<16xi32>,
      tpu.vector_store %arg9[%swap3A_179], %gather3A_178 {strides = array<i32>} : memref<1024xi32, #tpu.memory_space<vmem>>, vector<16xi32>,
      %add3A_181 = arith.constant 32 : i32
      %add3A_182 = vector.broadcast %add3A_181 : i32 to vector<16xi32>
      %add3A_183 = arith.addi %add3A_182, %iota3A : vector<16xi32>
      %mul3A_184 = arith.constant 2 : i32
      %mul3A_185 = vector.broadcast %mul3A_184 : i32 to vector<16xi32>
      %mul3A_186 = arith.muli %add3A_183, %mul3A_185 : vector<16xi32>
      %gather3A_187 = tpu.vector_load_idx %arg8[%mul3A_186] : memref<1024xi32, #tpu.memory_space<vmem>>[vector<16xi32>], vector<16xi32>,
      %swap3A_188 = arith.constant 32 : index
      %swap3A_189 = tpu.vector_load %arg9[%swap3A_188] {strides = array<i32>} : memref<1024xi32, #tpu.memory_space<vmem>>, vector<16xi32>,
      tpu.vector_store %arg9[%swap3A_188], %gather3A_187 {strides = array<i32>} : memref<1024xi32, #tpu.memory_space<vmem>>, vector<16xi32>,
      %add3A_190 = arith.constant 1 : i32
      %add3A_191 = vector.broadcast %add3A_190 : i32 to vector<16xi32>
      %add3A_192 = arith.addi %mul3A_186, %add3A_191 : vector<16xi32>
      %gather3A_193 = tpu.vector_load_idx %arg8[%add3A_192] : memref<1024xi32, #tpu.memory_space<vmem>>[vector<16xi32>], vector<16xi32>,
      %swap3A_194 = arith.constant 544 : index
      %swap3A_195 = tpu.vector_load %arg9[%swap3A_194] {strides = array<i32>} : memref<1024xi32, #tpu.memory_space<vmem>>, vector<16xi32>,
      tpu.vector_store %arg9[%swap3A_194], %gather3A_193 {strides = array<i32>} : memref<1024xi32, #tpu.memory_space<vmem>>, vector<16xi32>,
      %add3A_196 = arith.constant 48 : i32
      %add3A_197 = vector.broadcast %add3A_196 : i32 to vector<16xi32>
      %add3A_198 = arith.addi %add3A_197, %iota3A : vector<16xi32>
      %mul3A_199 = arith.constant 2 : i32
      %mul3A_200 = vector.broadcast %mul3A_199 : i32 to vector<16xi32>
      %mul3A_201 = arith.muli %add3A_198, %mul3A_200 : vector<16xi32>
      %gather3A_202 = tpu.vector_load_idx %arg8[%mul3A_201] : memref<1024xi32, #tpu.memory_space<vmem>>[vector<16xi32>], vector<16xi32>,
      %swap3A_203 = arith.constant 48 : index
      %swap3A_204 = tpu.vector_load %arg9[%swap3A_203] {strides = array<i32>} : memref<1024xi32, #tpu.memory_space<vmem>>, vector<16xi32>,
      tpu.vector_store %arg9[%swap3A_203], %gather3A_202 {strides = array<i32>} : memref<1024xi32, #tpu.memory_space<vmem>>, vector<16xi32>,
      %add3A_205 = arith.constant 1 : i32
      %add3A_206 = vector.broadcast %add3A_205 : i32 to vector<16xi32>
      %add3A_207 = arith.addi %mul3A_201, %add3A_206 : vector<16xi32>
      %gather3A_208 = tpu.vector_load_idx %arg8[%add3A_207] : memref<1024xi32, #tpu.memory_space<vmem>>[vector<16xi32>], vector<16xi32>,
      %swap3A_209 = arith.constant 560 : index
      %swap3A_210 = tpu.vector_load %arg9[%swap3A_209] {strides = array<i32>} : memref<1024xi32, #tpu.memory_space<vmem>>, vector<16xi32>,
      tpu.vector_store %arg9[%swap3A_209], %gather3A_208 {strides = array<i32>} : memref<1024xi32, #tpu.memory_space<vmem>>, vector<16xi32>,
      %add3A_211 = arith.constant 64 : i32
      %add3A_212 = vector.broadcast %add3A_211 : i32 to vector<16xi32>
      %add3A_213 = arith.addi %add3A_212, %iota3A : vector<16xi32>
      %mul3A_214 = arith.constant 2 : i32
      %mul3A_215 = vector.broadcast %mul3A_214 : i32 to vector<16xi32>
      %mul3A_216 = arith.muli %add3A_213, %mul3A_215 : vector<16xi32>
      %gather3A_217 = tpu.vector_load_idx %arg8[%mul3A_216] : memref<1024xi32, #tpu.memory_space<vmem>>[vector<16xi32>], vector<16xi32>,
      %swap3A_218 = arith.constant 64 : index
      %swap3A_219 = tpu.vector_load %arg9[%swap3A_218] {strides = array<i32>} : memref<1024xi32, #tpu.memory_space<vmem>>, vector<16xi32>,
      tpu.vector_store %arg9[%swap3A_218], %gather3A_217 {strides = array<i32>} : memref<1024xi32, #tpu.memory_space<vmem>>, vector<16xi32>,
      %add3A_220 = arith.constant 1 : i32
      %add3A_221 = vector.broadcast %add3A_220 : i32 to vector<16xi32>
      %add3A_222 = arith.addi %mul3A_216, %add3A_221 : vector<16xi32>
      %gather3A_223 = tpu.vector_load_idx %arg8[%add3A_222] : memref<1024xi32, #tpu.memory_space<vmem>>[vector<16xi32>], vector<16xi32>,
      %swap3A_224 = arith.constant 576 : index
      %swap3A_225 = tpu.vector_load %arg9[%swap3A_224] {strides = array<i32>} : memref<1024xi32, #tpu.memory_space<vmem>>, vector<16xi32>,
      tpu.vector_store %arg9[%swap3A_224], %gather3A_223 {strides = array<i32>} : memref<1024xi32, #tpu.memory_space<vmem>>, vector<16xi32>,
      %add3A_226 = arith.constant 80 : i32
      %add3A_227 = vector.broadcast %add3A_226 : i32 to vector<16xi32>
      %add3A_228 = arith.addi %add3A_227, %iota3A : vector<16xi32>
      %mul3A_229 = arith.constant 2 : i32
      %mul3A_230 = vector.broadcast %mul3A_229 : i32 to vector<16xi32>
      %mul3A_231 = arith.muli %add3A_228, %mul3A_230 : vector<16xi32>
      %gather3A_232 = tpu.vector_load_idx %arg8[%mul3A_231] : memref<1024xi32, #tpu.memory_space<vmem>>[vector<16xi32>], vector<16xi32>,
      %swap3A_233 = arith.constant 80 : index
      %swap3A_234 = tpu.vector_load %arg9[%swap3A_233] {strides = array<i32>} : memref<1024xi32, #tpu.memory_space<vmem>>, vector<16xi32>,
      tpu.vector_store %arg9[%swap3A_233], %gather3A_232 {strides = array<i32>} : memref<1024xi32, #tpu.memory_space<vmem>>, vector<16xi32>,
      %add3A_235 = arith.constant 1 : i32
      %add3A_236 = vector.broadcast %add3A_235 : i32 to vector<16xi32>
      %add3A_237 = arith.addi %mul3A_231, %add3A_236 : vector<16xi32>
      %gather3A_238 = tpu.vector_load_idx %arg8[%add3A_237] : memref<1024xi32, #tpu.memory_space<vmem>>[vector<16xi32>], vector<16xi32>,
      %swap3A_239 = arith.constant 592 : index
      %swap3A_240 = tpu.vector_load %arg9[%swap3A_239] {strides = array<i32>} : memref<1024xi32, #tpu.memory_space<vmem>>, vector<16xi32>,
      tpu.vector_store %arg9[%swap3A_239], %gather3A_238 {strides = array<i32>} : memref<1024xi32, #tpu.memory_space<vmem>>, vector<16xi32>,
      %add3A_241 = arith.constant 96 : i32
      %add3A_242 = vector.broadcast %add3A_241 : i32 to vector<16xi32>
      %add3A_243 = arith.addi %add3A_242, %iota3A : vector<16xi32>
      %mul3A_244 = arith.constant 2 : i32
      %mul3A_245 = vector.broadcast %mul3A_244 : i32 to vector<16xi32>
      %mul3A_246 = arith.muli %add3A_243, %mul3A_245 : vector<16xi32>
      %gather3A_247 = tpu.vector_load_idx %arg8[%mul3A_246] : memref<1024xi32, #tpu.memory_space<vmem>>[vector<16xi32>], vector<16xi32>,
      %swap3A_248 = arith.constant 96 : index
      %swap3A_249 = tpu.vector_load %arg9[%swap3A_248] {strides = array<i32>} : memref<1024xi32, #tpu.memory_space<vmem>>, vector<16xi32>,
      tpu.vector_store %arg9[%swap3A_248], %gather3A_247 {strides = array<i32>} : memref<1024xi32, #tpu.memory_space<vmem>>, vector<16xi32>,
      %add3A_250 = arith.constant 1 : i32
      %add3A_251 = vector.broadcast %add3A_250 : i32 to vector<16xi32>
      %add3A_252 = arith.addi %mul3A_246, %add3A_251 : vector<16xi32>
      %gather3A_253 = tpu.vector_load_idx %arg8[%add3A_252] : memref<1024xi32, #tpu.memory_space<vmem>>[vector<16xi32>], vector<16xi32>,
      %swap3A_254 = arith.constant 608 : index
      %swap3A_255 = tpu.vector_load %arg9[%swap3A_254] {strides = array<i32>} : memref<1024xi32, #tpu.memory_space<vmem>>, vector<16xi32>,
      tpu.vector_store %arg9[%swap3A_254], %gather3A_253 {strides = array<i32>} : memref<1024xi32, #tpu.memory_space<vmem>>, vector<16xi32>,
      %add3A_256 = arith.constant 112 : i32
      %add3A_257 = vector.broadcast %add3A_256 : i32 to vector<16xi32>
      %add3A_258 = arith.addi %add3A_257, %iota3A : vector<16xi32>
      %mul3A_259 = arith.constant 2 : i32
      %mul3A_260 = vector.broadcast %mul3A_259 : i32 to vector<16xi32>
      %mul3A_261 = arith.muli %add3A_258, %mul3A_260 : vector<16xi32>
      %gather3A_262 = tpu.vector_load_idx %arg8[%mul3A_261] : memref<1024xi32, #tpu.memory_space<vmem>>[vector<16xi32>], vector<16xi32>,
      %swap3A_263 = arith.constant 112 : index
      %swap3A_264 = tpu.vector_load %arg9[%swap3A_263] {strides = array<i32>} : memref<1024xi32, #tpu.memory_space<vmem>>, vector<16xi32>,
      tpu.vector_store %arg9[%swap3A_263], %gather3A_262 {strides = array<i32>} : memref<1024xi32, #tpu.memory_space<vmem>>, vector<16xi32>,
      %add3A_265 = arith.constant 1 : i32
      %add3A_266 = vector.broadcast %add3A_265 : i32 to vector<16xi32>
      %add3A_267 = arith.addi %mul3A_261, %add3A_266 : vector<16xi32>
      %gather3A_268 = tpu.vector_load_idx %arg8[%add3A_267] : memref<1024xi32, #tpu.memory_space<vmem>>[vector<16xi32>], vector<16xi32>,
      %swap3A_269 = arith.constant 624 : index
      %swap3A_270 = tpu.vector_load %arg9[%swap3A_269] {strides = array<i32>} : memref<1024xi32, #tpu.memory_space<vmem>>, vector<16xi32>,
      tpu.vector_store %arg9[%swap3A_269], %gather3A_268 {strides = array<i32>} : memref<1024xi32, #tpu.memory_space<vmem>>, vector<16xi32>,
      %add3A_271 = arith.constant 128 : i32
      %add3A_272 = vector.broadcast %add3A_271 : i32 to vector<16xi32>
      %add3A_273 = arith.addi %add3A_272, %iota3A : vector<16xi32>
      %mul3A_274 = arith.constant 2 : i32
      %mul3A_275 = vector.broadcast %mul3A_274 : i32 to vector<16xi32>
      %mul3A_276 = arith.muli %add3A_273, %mul3A_275 : vector<16xi32>
      %gather3A_277 = tpu.vector_load_idx %arg8[%mul3A_276] : memref<1024xi32, #tpu.memory_space<vmem>>[vector<16xi32>], vector<16xi32>,
      %swap3A_278 = arith.constant 128 : index
      %swap3A_279 = tpu.vector_load %arg9[%swap3A_278] {strides = array<i32>} : memref<1024xi32, #tpu.memory_space<vmem>>, vector<16xi32>,
      tpu.vector_store %arg9[%swap3A_278], %gather3A_277 {strides = array<i32>} : memref<1024xi32, #tpu.memory_space<vmem>>, vector<16xi32>,
      %add3A_280 = arith.constant 1 : i32
      %add3A_281 = vector.broadcast %add3A_280 : i32 to vector<16xi32>
      %add3A_282 = arith.addi %mul3A_276, %add3A_281 : vector<16xi32>
      %gather3A_283 = tpu.vector_load_idx %arg8[%add3A_282] : memref<1024xi32, #tpu.memory_space<vmem>>[vector<16xi32>], vector<16xi32>,
      %swap3A_284 = arith.constant 640 : index
      %swap3A_285 = tpu.vector_load %arg9[%swap3A_284] {strides = array<i32>} : memref<1024xi32, #tpu.memory_space<vmem>>, vector<16xi32>,
      tpu.vector_store %arg9[%swap3A_284], %gather3A_283 {strides = array<i32>} : memref<1024xi32, #tpu.memory_space<vmem>>, vector<16xi32>,
      %add3A_286 = arith.constant 144 : i32
      %add3A_287 = vector.broadcast %add3A_286 : i32 to vector<16xi32>
      %add3A_288 = arith.addi %add3A_287, %iota3A : vector<16xi32>
      %mul3A_289 = arith.constant 2 : i32
      %mul3A_290 = vector.broadcast %mul3A_289 : i32 to vector<16xi32>
      %mul3A_291 = arith.muli %add3A_288, %mul3A_290 : vector<16xi32>
      %gather3A_292 = tpu.vector_load_idx %arg8[%mul3A_291] : memref<1024xi32, #tpu.memory_space<vmem>>[vector<16xi32>], vector<16xi32>,
      %swap3A_293 = arith.constant 144 : index
      %swap3A_294 = tpu.vector_load %arg9[%swap3A_293] {strides = array<i32>} : memref<1024xi32, #tpu.memory_space<vmem>>, vector<16xi32>,
      tpu.vector_store %arg9[%swap3A_293], %gather3A_292 {strides = array<i32>} : memref<1024xi32, #tpu.memory_space<vmem>>, vector<16xi32>,
      %add3A_295 = arith.constant 1 : i32
      %add3A_296 = vector.broadcast %add3A_295 : i32 to vector<16xi32>
      %add3A_297 = arith.addi %mul3A_291, %add3A_296 : vector<16xi32>
      %gather3A_298 = tpu.vector_load_idx %arg8[%add3A_297] : memref<1024xi32, #tpu.memory_space<vmem>>[vector<16xi32>], vector<16xi32>,
      %swap3A_299 = arith.constant 656 : index
      %swap3A_300 = tpu.vector_load %arg9[%swap3A_299] {strides = array<i32>} : memref<1024xi32, #tpu.memory_space<vmem>>, vector<16xi32>,
      tpu.vector_store %arg9[%swap3A_299], %gather3A_298 {strides = array<i32>} : memref<1024xi32, #tpu.memory_space<vmem>>, vector<16xi32>,
      %add3A_301 = arith.constant 160 : i32
      %add3A_302 = vector.broadcast %add3A_301 : i32 to vector<16xi32>
      %add3A_303 = arith.addi %add3A_302, %iota3A : vector<16xi32>
      %mul3A_304 = arith.constant 2 : i32
      %mul3A_305 = vector.broadcast %mul3A_304 : i32 to vector<16xi32>
      %mul3A_306 = arith.muli %add3A_303, %mul3A_305 : vector<16xi32>
      %gather3A_307 = tpu.vector_load_idx %arg8[%mul3A_306] : memref<1024xi32, #tpu.memory_space<vmem>>[vector<16xi32>], vector<16xi32>,
      %swap3A_308 = arith.constant 160 : index
      %swap3A_309 = tpu.vector_load %arg9[%swap3A_308] {strides = array<i32>} : memref<1024xi32, #tpu.memory_space<vmem>>, vector<16xi32>,
      tpu.vector_store %arg9[%swap3A_308], %gather3A_307 {strides = array<i32>} : memref<1024xi32, #tpu.memory_space<vmem>>, vector<16xi32>,
      %add3A_310 = arith.constant 1 : i32
      %add3A_311 = vector.broadcast %add3A_310 : i32 to vector<16xi32>
      %add3A_312 = arith.addi %mul3A_306, %add3A_311 : vector<16xi32>
      %gather3A_313 = tpu.vector_load_idx %arg8[%add3A_312] : memref<1024xi32, #tpu.memory_space<vmem>>[vector<16xi32>], vector<16xi32>,
      %swap3A_314 = arith.constant 672 : index
      %swap3A_315 = tpu.vector_load %arg9[%swap3A_314] {strides = array<i32>} : memref<1024xi32, #tpu.memory_space<vmem>>, vector<16xi32>,
      tpu.vector_store %arg9[%swap3A_314], %gather3A_313 {strides = array<i32>} : memref<1024xi32, #tpu.memory_space<vmem>>, vector<16xi32>,
      %add3A_316 = arith.constant 176 : i32
      %add3A_317 = vector.broadcast %add3A_316 : i32 to vector<16xi32>
      %add3A_318 = arith.addi %add3A_317, %iota3A : vector<16xi32>
      %mul3A_319 = arith.constant 2 : i32
      %mul3A_320 = vector.broadcast %mul3A_319 : i32 to vector<16xi32>
      %mul3A_321 = arith.muli %add3A_318, %mul3A_320 : vector<16xi32>
      %gather3A_322 = tpu.vector_load_idx %arg8[%mul3A_321] : memref<1024xi32, #tpu.memory_space<vmem>>[vector<16xi32>], vector<16xi32>,
      %swap3A_323 = arith.constant 176 : index
      %swap3A_324 = tpu.vector_load %arg9[%swap3A_323] {strides = array<i32>} : memref<1024xi32, #tpu.memory_space<vmem>>, vector<16xi32>,
      tpu.vector_store %arg9[%swap3A_323], %gather3A_322 {strides = array<i32>} : memref<1024xi32, #tpu.memory_space<vmem>>, vector<16xi32>,
      %add3A_325 = arith.constant 1 : i32
      %add3A_326 = vector.broadcast %add3A_325 : i32 to vector<16xi32>
      %add3A_327 = arith.addi %mul3A_321, %add3A_326 : vector<16xi32>
      %gather3A_328 = tpu.vector_load_idx %arg8[%add3A_327] : memref<1024xi32, #tpu.memory_space<vmem>>[vector<16xi32>], vector<16xi32>,
      %swap3A_329 = arith.constant 688 : index
      %swap3A_330 = tpu.vector_load %arg9[%swap3A_329] {strides = array<i32>} : memref<1024xi32, #tpu.memory_space<vmem>>, vector<16xi32>,
      tpu.vector_store %arg9[%swap3A_329], %gather3A_328 {strides = array<i32>} : memref<1024xi32, #tpu.memory_space<vmem>>, vector<16xi32>,
      %add3A_331 = arith.constant 192 : i32
      %add3A_332 = vector.broadcast %add3A_331 : i32 to vector<16xi32>
      %add3A_333 = arith.addi %add3A_332, %iota3A : vector<16xi32>
      %mul3A_334 = arith.constant 2 : i32
      %mul3A_335 = vector.broadcast %mul3A_334 : i32 to vector<16xi32>
      %mul3A_336 = arith.muli %add3A_333, %mul3A_335 : vector<16xi32>
      %gather3A_337 = tpu.vector_load_idx %arg8[%mul3A_336] : memref<1024xi32, #tpu.memory_space<vmem>>[vector<16xi32>], vector<16xi32>,
      %swap3A_338 = arith.constant 192 : index
      %swap3A_339 = tpu.vector_load %arg9[%swap3A_338] {strides = array<i32>} : memref<1024xi32, #tpu.memory_space<vmem>>, vector<16xi32>,
      tpu.vector_store %arg9[%swap3A_338], %gather3A_337 {strides = array<i32>} : memref<1024xi32, #tpu.memory_space<vmem>>, vector<16xi32>,
      %add3A_340 = arith.constant 1 : i32
      %add3A_341 = vector.broadcast %add3A_340 : i32 to vector<16xi32>
      %add3A_342 = arith.addi %mul3A_336, %add3A_341 : vector<16xi32>
      %gather3A_343 = tpu.vector_load_idx %arg8[%add3A_342] : memref<1024xi32, #tpu.memory_space<vmem>>[vector<16xi32>], vector<16xi32>,
      %swap3A_344 = arith.constant 704 : index
      %swap3A_345 = tpu.vector_load %arg9[%swap3A_344] {strides = array<i32>} : memref<1024xi32, #tpu.memory_space<vmem>>, vector<16xi32>,
      tpu.vector_store %arg9[%swap3A_344], %gather3A_343 {strides = array<i32>} : memref<1024xi32, #tpu.memory_space<vmem>>, vector<16xi32>,
      %add3A_346 = arith.constant 208 : i32
      %add3A_347 = vector.broadcast %add3A_346 : i32 to vector<16xi32>
      %add3A_348 = arith.addi %add3A_347, %iota3A : vector<16xi32>
      %mul3A_349 = arith.constant 2 : i32
      %mul3A_350 = vector.broadcast %mul3A_349 : i32 to vector<16xi32>
      %mul3A_351 = arith.muli %add3A_348, %mul3A_350 : vector<16xi32>
      %gather3A_352 = tpu.vector_load_idx %arg8[%mul3A_351] : memref<1024xi32, #tpu.memory_space<vmem>>[vector<16xi32>], vector<16xi32>,
      %swap3A_353 = arith.constant 208 : index
      %swap3A_354 = tpu.vector_load %arg9[%swap3A_353] {strides = array<i32>} : memref<1024xi32, #tpu.memory_space<vmem>>, vector<16xi32>,
      tpu.vector_store %arg9[%swap3A_353], %gather3A_352 {strides = array<i32>} : memref<1024xi32, #tpu.memory_space<vmem>>, vector<16xi32>,
      %add3A_355 = arith.constant 1 : i32
      %add3A_356 = vector.broadcast %add3A_355 : i32 to vector<16xi32>
      %add3A_357 = arith.addi %mul3A_351, %add3A_356 : vector<16xi32>
      %gather3A_358 = tpu.vector_load_idx %arg8[%add3A_357] : memref<1024xi32, #tpu.memory_space<vmem>>[vector<16xi32>], vector<16xi32>,
      %swap3A_359 = arith.constant 720 : index
      %swap3A_360 = tpu.vector_load %arg9[%swap3A_359] {strides = array<i32>} : memref<1024xi32, #tpu.memory_space<vmem>>, vector<16xi32>,
      tpu.vector_store %arg9[%swap3A_359], %gather3A_358 {strides = array<i32>} : memref<1024xi32, #tpu.memory_space<vmem>>, vector<16xi32>,
      %add3A_361 = arith.constant 224 : i32
      %add3A_362 = vector.broadcast %add3A_361 : i32 to vector<16xi32>
      %add3A_363 = arith.addi %add3A_362, %iota3A : vector<16xi32>
      %mul3A_364 = arith.constant 2 : i32
      %mul3A_365 = vector.broadcast %mul3A_364 : i32 to vector<16xi32>
      %mul3A_366 = arith.muli %add3A_363, %mul3A_365 : vector<16xi32>
      %gather3A_367 = tpu.vector_load_idx %arg8[%mul3A_366] : memref<1024xi32, #tpu.memory_space<vmem>>[vector<16xi32>], vector<16xi32>,
      %swap3A_368 = arith.constant 224 : index
      %swap3A_369 = tpu.vector_load %arg9[%swap3A_368] {strides = array<i32>} : memref<1024xi32, #tpu.memory_space<vmem>>, vector<16xi32>,
      tpu.vector_store %arg9[%swap3A_368], %gather3A_367 {strides = array<i32>} : memref<1024xi32, #tpu.memory_space<vmem>>, vector<16xi32>,
      %add3A_370 = arith.constant 1 : i32
      %add3A_371 = vector.broadcast %add3A_370 : i32 to vector<16xi32>
      %add3A_372 = arith.addi %mul3A_366, %add3A_371 : vector<16xi32>
      %gather3A_373 = tpu.vector_load_idx %arg8[%add3A_372] : memref<1024xi32, #tpu.memory_space<vmem>>[vector<16xi32>], vector<16xi32>,
      %swap3A_374 = arith.constant 736 : index
      %swap3A_375 = tpu.vector_load %arg9[%swap3A_374] {strides = array<i32>} : memref<1024xi32, #tpu.memory_space<vmem>>, vector<16xi32>,
      tpu.vector_store %arg9[%swap3A_374], %gather3A_373 {strides = array<i32>} : memref<1024xi32, #tpu.memory_space<vmem>>, vector<16xi32>,
      %add3A_376 = arith.constant 240 : i32
      %add3A_377 = vector.broadcast %add3A_376 : i32 to vector<16xi32>
      %add3A_378 = arith.addi %add3A_377, %iota3A : vector<16xi32>
      %mul3A_379 = arith.constant 2 : i32
      %mul3A_380 = vector.broadcast %mul3A_379 : i32 to vector<16xi32>
      %mul3A_381 = arith.muli %add3A_378, %mul3A_380 : vector<16xi32>
      %gather3A_382 = tpu.vector_load_idx %arg8[%mul3A_381] : memref<1024xi32, #tpu.memory_space<vmem>>[vector<16xi32>], vector<16xi32>,
      %swap3A_383 = arith.constant 240 : index
      %swap3A_384 = tpu.vector_load %arg9[%swap3A_383] {strides = array<i32>} : memref<1024xi32, #tpu.memory_space<vmem>>, vector<16xi32>,
      tpu.vector_store %arg9[%swap3A_383], %gather3A_382 {strides = array<i32>} : memref<1024xi32, #tpu.memory_space<vmem>>, vector<16xi32>,
      %add3A_385 = arith.constant 1 : i32
      %add3A_386 = vector.broadcast %add3A_385 : i32 to vector<16xi32>
      %add3A_387 = arith.addi %mul3A_381, %add3A_386 : vector<16xi32>
      %gather3A_388 = tpu.vector_load_idx %arg8[%add3A_387] : memref<1024xi32, #tpu.memory_space<vmem>>[vector<16xi32>], vector<16xi32>,
      %swap3A_389 = arith.constant 752 : index
      %swap3A_390 = tpu.vector_load %arg9[%swap3A_389] {strides = array<i32>} : memref<1024xi32, #tpu.memory_space<vmem>>, vector<16xi32>,
      tpu.vector_store %arg9[%swap3A_389], %gather3A_388 {strides = array<i32>} : memref<1024xi32, #tpu.memory_space<vmem>>, vector<16xi32>,
      %add3A_391 = arith.constant 256 : i32
      %add3A_392 = vector.broadcast %add3A_391 : i32 to vector<16xi32>
      %add3A_393 = arith.addi %add3A_392, %iota3A : vector<16xi32>
      %mul3A_394 = arith.constant 2 : i32
      %mul3A_395 = vector.broadcast %mul3A_394 : i32 to vector<16xi32>
      %mul3A_396 = arith.muli %add3A_393, %mul3A_395 : vector<16xi32>
      %gather3A_397 = tpu.vector_load_idx %arg8[%mul3A_396] : memref<1024xi32, #tpu.memory_space<vmem>>[vector<16xi32>], vector<16xi32>,
      %swap3A_398 = arith.constant 256 : index
      %swap3A_399 = tpu.vector_load %arg9[%swap3A_398] {strides = array<i32>} : memref<1024xi32, #tpu.memory_space<vmem>>, vector<16xi32>,
      tpu.vector_store %arg9[%swap3A_398], %gather3A_397 {strides = array<i32>} : memref<1024xi32, #tpu.memory_space<vmem>>, vector<16xi32>,
      %add3A_400 = arith.constant 1 : i32
      %add3A_401 = vector.broadcast %add3A_400 : i32 to vector<16xi32>
      %add3A_402 = arith.addi %mul3A_396, %add3A_401 : vector<16xi32>
      %gather3A_403 = tpu.vector_load_idx %arg8[%add3A_402] : memref<1024xi32, #tpu.memory_space<vmem>>[vector<16xi32>], vector<16xi32>,
      %swap3A_404 = arith.constant 768 : index
      %swap3A_405 = tpu.vector_load %arg9[%swap3A_404] {strides = array<i32>} : memref<1024xi32, #tpu.memory_space<vmem>>, vector<16xi32>,
      tpu.vector_store %arg9[%swap3A_404], %gather3A_403 {strides = array<i32>} : memref<1024xi32, #tpu.memory_space<vmem>>, vector<16xi32>,
      %add3A_406 = arith.constant 272 : i32
      %add3A_407 = vector.broadcast %add3A_406 : i32 to vector<16xi32>
      %add3A_408 = arith.addi %add3A_407, %iota3A : vector<16xi32>
      %mul3A_409 = arith.constant 2 : i32
      %mul3A_410 = vector.broadcast %mul3A_409 : i32 to vector<16xi32>
      %mul3A_411 = arith.muli %add3A_408, %mul3A_410 : vector<16xi32>
      %gather3A_412 = tpu.vector_load_idx %arg8[%mul3A_411] : memref<1024xi32, #tpu.memory_space<vmem>>[vector<16xi32>], vector<16xi32>,
      %swap3A_413 = arith.constant 272 : index
      %swap3A_414 = tpu.vector_load %arg9[%swap3A_413] {strides = array<i32>} : memref<1024xi32, #tpu.memory_space<vmem>>, vector<16xi32>,
      tpu.vector_store %arg9[%swap3A_413], %gather3A_412 {strides = array<i32>} : memref<1024xi32, #tpu.memory_space<vmem>>, vector<16xi32>,
      %add3A_415 = arith.constant 1 : i32
      %add3A_416 = vector.broadcast %add3A_415 : i32 to vector<16xi32>
      %add3A_417 = arith.addi %mul3A_411, %add3A_416 : vector<16xi32>
      %gather3A_418 = tpu.vector_load_idx %arg8[%add3A_417] : memref<1024xi32, #tpu.memory_space<vmem>>[vector<16xi32>], vector<16xi32>,
      %swap3A_419 = arith.constant 784 : index
      %swap3A_420 = tpu.vector_load %arg9[%swap3A_419] {strides = array<i32>} : memref<1024xi32, #tpu.memory_space<vmem>>, vector<16xi32>,
      tpu.vector_store %arg9[%swap3A_419], %gather3A_418 {strides = array<i32>} : memref<1024xi32, #tpu.memory_space<vmem>>, vector<16xi32>,
      %add3A_421 = arith.constant 288 : i32
      %add3A_422 = vector.broadcast %add3A_421 : i32 to vector<16xi32>
      %add3A_423 = arith.addi %add3A_422, %iota3A : vector<16xi32>
      %mul3A_424 = arith.constant 2 : i32
      %mul3A_425 = vector.broadcast %mul3A_424 : i32 to vector<16xi32>
      %mul3A_426 = arith.muli %add3A_423, %mul3A_425 : vector<16xi32>
      %gather3A_427 = tpu.vector_load_idx %arg8[%mul3A_426] : memref<1024xi32, #tpu.memory_space<vmem>>[vector<16xi32>], vector<16xi32>,
      %swap3A_428 = arith.constant 288 : index
      %swap3A_429 = tpu.vector_load %arg9[%swap3A_428] {strides = array<i32>} : memref<1024xi32, #tpu.memory_space<vmem>>, vector<16xi32>,
      tpu.vector_store %arg9[%swap3A_428], %gather3A_427 {strides = array<i32>} : memref<1024xi32, #tpu.memory_space<vmem>>, vector<16xi32>,
      %add3A_430 = arith.constant 1 : i32
      %add3A_431 = vector.broadcast %add3A_430 : i32 to vector<16xi32>
      %add3A_432 = arith.addi %mul3A_426, %add3A_431 : vector<16xi32>
      %gather3A_433 = tpu.vector_load_idx %arg8[%add3A_432] : memref<1024xi32, #tpu.memory_space<vmem>>[vector<16xi32>], vector<16xi32>,
      %swap3A_434 = arith.constant 800 : index
      %swap3A_435 = tpu.vector_load %arg9[%swap3A_434] {strides = array<i32>} : memref<1024xi32, #tpu.memory_space<vmem>>, vector<16xi32>,
      tpu.vector_store %arg9[%swap3A_434], %gather3A_433 {strides = array<i32>} : memref<1024xi32, #tpu.memory_space<vmem>>, vector<16xi32>,
      %add3A_436 = arith.constant 304 : i32
      %add3A_437 = vector.broadcast %add3A_436 : i32 to vector<16xi32>
      %add3A_438 = arith.addi %add3A_437, %iota3A : vector<16xi32>
      %mul3A_439 = arith.constant 2 : i32
      %mul3A_440 = vector.broadcast %mul3A_439 : i32 to vector<16xi32>
      %mul3A_441 = arith.muli %add3A_438, %mul3A_440 : vector<16xi32>
      %gather3A_442 = tpu.vector_load_idx %arg8[%mul3A_441] : memref<1024xi32, #tpu.memory_space<vmem>>[vector<16xi32>], vector<16xi32>,
      %swap3A_443 = arith.constant 304 : index
      %swap3A_444 = tpu.vector_load %arg9[%swap3A_443] {strides = array<i32>} : memref<1024xi32, #tpu.memory_space<vmem>>, vector<16xi32>,
      tpu.vector_store %arg9[%swap3A_443], %gather3A_442 {strides = array<i32>} : memref<1024xi32, #tpu.memory_space<vmem>>, vector<16xi32>,
      %add3A_445 = arith.constant 1 : i32
      %add3A_446 = vector.broadcast %add3A_445 : i32 to vector<16xi32>
      %add3A_447 = arith.addi %mul3A_441, %add3A_446 : vector<16xi32>
      %gather3A_448 = tpu.vector_load_idx %arg8[%add3A_447] : memref<1024xi32, #tpu.memory_space<vmem>>[vector<16xi32>], vector<16xi32>,
      %swap3A_449 = arith.constant 816 : index
      %swap3A_450 = tpu.vector_load %arg9[%swap3A_449] {strides = array<i32>} : memref<1024xi32, #tpu.memory_space<vmem>>, vector<16xi32>,
      tpu.vector_store %arg9[%swap3A_449], %gather3A_448 {strides = array<i32>} : memref<1024xi32, #tpu.memory_space<vmem>>, vector<16xi32>,
      %add3A_451 = arith.constant 320 : i32
      %add3A_452 = vector.broadcast %add3A_451 : i32 to vector<16xi32>
      %add3A_453 = arith.addi %add3A_452, %iota3A : vector<16xi32>
      %mul3A_454 = arith.constant 2 : i32
      %mul3A_455 = vector.broadcast %mul3A_454 : i32 to vector<16xi32>
      %mul3A_456 = arith.muli %add3A_453, %mul3A_455 : vector<16xi32>
      %gather3A_457 = tpu.vector_load_idx %arg8[%mul3A_456] : memref<1024xi32, #tpu.memory_space<vmem>>[vector<16xi32>], vector<16xi32>,
      %swap3A_458 = arith.constant 320 : index
      %swap3A_459 = tpu.vector_load %arg9[%swap3A_458] {strides = array<i32>} : memref<1024xi32, #tpu.memory_space<vmem>>, vector<16xi32>,
      tpu.vector_store %arg9[%swap3A_458], %gather3A_457 {strides = array<i32>} : memref<1024xi32, #tpu.memory_space<vmem>>, vector<16xi32>,
      %add3A_460 = arith.constant 1 : i32
      %add3A_461 = vector.broadcast %add3A_460 : i32 to vector<16xi32>
      %add3A_462 = arith.addi %mul3A_456, %add3A_461 : vector<16xi32>
      %gather3A_463 = tpu.vector_load_idx %arg8[%add3A_462] : memref<1024xi32, #tpu.memory_space<vmem>>[vector<16xi32>], vector<16xi32>,
      %swap3A_464 = arith.constant 832 : index
      %swap3A_465 = tpu.vector_load %arg9[%swap3A_464] {strides = array<i32>} : memref<1024xi32, #tpu.memory_space<vmem>>, vector<16xi32>,
      tpu.vector_store %arg9[%swap3A_464], %gather3A_463 {strides = array<i32>} : memref<1024xi32, #tpu.memory_space<vmem>>, vector<16xi32>,
      %add3A_466 = arith.constant 336 : i32
      %add3A_467 = vector.broadcast %add3A_466 : i32 to vector<16xi32>
      %add3A_468 = arith.addi %add3A_467, %iota3A : vector<16xi32>
      %mul3A_469 = arith.constant 2 : i32
      %mul3A_470 = vector.broadcast %mul3A_469 : i32 to vector<16xi32>
      %mul3A_471 = arith.muli %add3A_468, %mul3A_470 : vector<16xi32>
      %gather3A_472 = tpu.vector_load_idx %arg8[%mul3A_471] : memref<1024xi32, #tpu.memory_space<vmem>>[vector<16xi32>], vector<16xi32>,
      %swap3A_473 = arith.constant 336 : index
      %swap3A_474 = tpu.vector_load %arg9[%swap3A_473] {strides = array<i32>} : memref<1024xi32, #tpu.memory_space<vmem>>, vector<16xi32>,
      tpu.vector_store %arg9[%swap3A_473], %gather3A_472 {strides = array<i32>} : memref<1024xi32, #tpu.memory_space<vmem>>, vector<16xi32>,
      %add3A_475 = arith.constant 1 : i32
      %add3A_476 = vector.broadcast %add3A_475 : i32 to vector<16xi32>
      %add3A_477 = arith.addi %mul3A_471, %add3A_476 : vector<16xi32>
      %gather3A_478 = tpu.vector_load_idx %arg8[%add3A_477] : memref<1024xi32, #tpu.memory_space<vmem>>[vector<16xi32>], vector<16xi32>,
      %swap3A_479 = arith.constant 848 : index
      %swap3A_480 = tpu.vector_load %arg9[%swap3A_479] {strides = array<i32>} : memref<1024xi32, #tpu.memory_space<vmem>>, vector<16xi32>,
      tpu.vector_store %arg9[%swap3A_479], %gather3A_478 {strides = array<i32>} : memref<1024xi32, #tpu.memory_space<vmem>>, vector<16xi32>,
      %add3A_481 = arith.constant 352 : i32
      %add3A_482 = vector.broadcast %add3A_481 : i32 to vector<16xi32>
      %add3A_483 = arith.addi %add3A_482, %iota3A : vector<16xi32>
      %mul3A_484 = arith.constant 2 : i32
      %mul3A_485 = vector.broadcast %mul3A_484 : i32 to vector<16xi32>
      %mul3A_486 = arith.muli %add3A_483, %mul3A_485 : vector<16xi32>
      %gather3A_487 = tpu.vector_load_idx %arg8[%mul3A_486] : memref<1024xi32, #tpu.memory_space<vmem>>[vector<16xi32>], vector<16xi32>,
      %swap3A_488 = arith.constant 352 : index
      %swap3A_489 = tpu.vector_load %arg9[%swap3A_488] {strides = array<i32>} : memref<1024xi32, #tpu.memory_space<vmem>>, vector<16xi32>,
      tpu.vector_store %arg9[%swap3A_488], %gather3A_487 {strides = array<i32>} : memref<1024xi32, #tpu.memory_space<vmem>>, vector<16xi32>,
      %add3A_490 = arith.constant 1 : i32
      %add3A_491 = vector.broadcast %add3A_490 : i32 to vector<16xi32>
      %add3A_492 = arith.addi %mul3A_486, %add3A_491 : vector<16xi32>
      %gather3A_493 = tpu.vector_load_idx %arg8[%add3A_492] : memref<1024xi32, #tpu.memory_space<vmem>>[vector<16xi32>], vector<16xi32>,
      %swap3A_494 = arith.constant 864 : index
      %swap3A_495 = tpu.vector_load %arg9[%swap3A_494] {strides = array<i32>} : memref<1024xi32, #tpu.memory_space<vmem>>, vector<16xi32>,
      tpu.vector_store %arg9[%swap3A_494], %gather3A_493 {strides = array<i32>} : memref<1024xi32, #tpu.memory_space<vmem>>, vector<16xi32>,
      %add3A_496 = arith.constant 368 : i32
      %add3A_497 = vector.broadcast %add3A_496 : i32 to vector<16xi32>
      %add3A_498 = arith.addi %add3A_497, %iota3A : vector<16xi32>
      %mul3A_499 = arith.constant 2 : i32
      %mul3A_500 = vector.broadcast %mul3A_499 : i32 to vector<16xi32>
      %mul3A_501 = arith.muli %add3A_498, %mul3A_500 : vector<16xi32>
      %gather3A_502 = tpu.vector_load_idx %arg8[%mul3A_501] : memref<1024xi32, #tpu.memory_space<vmem>>[vector<16xi32>], vector<16xi32>,
      %swap3A_503 = arith.constant 368 : index
      %swap3A_504 = tpu.vector_load %arg9[%swap3A_503] {strides = array<i32>} : memref<1024xi32, #tpu.memory_space<vmem>>, vector<16xi32>,
      tpu.vector_store %arg9[%swap3A_503], %gather3A_502 {strides = array<i32>} : memref<1024xi32, #tpu.memory_space<vmem>>, vector<16xi32>,
      %add3A_505 = arith.constant 1 : i32
      %add3A_506 = vector.broadcast %add3A_505 : i32 to vector<16xi32>
      %add3A_507 = arith.addi %mul3A_501, %add3A_506 : vector<16xi32>
      %gather3A_508 = tpu.vector_load_idx %arg8[%add3A_507] : memref<1024xi32, #tpu.memory_space<vmem>>[vector<16xi32>], vector<16xi32>,
      %swap3A_509 = arith.constant 880 : index
      %swap3A_510 = tpu.vector_load %arg9[%swap3A_509] {strides = array<i32>} : memref<1024xi32, #tpu.memory_space<vmem>>, vector<16xi32>,
      tpu.vector_store %arg9[%swap3A_509], %gather3A_508 {strides = array<i32>} : memref<1024xi32, #tpu.memory_space<vmem>>, vector<16xi32>,
      %add3A_511 = arith.constant 384 : i32
      %add3A_512 = vector.broadcast %add3A_511 : i32 to vector<16xi32>
      %add3A_513 = arith.addi %add3A_512, %iota3A : vector<16xi32>
      %mul3A_514 = arith.constant 2 : i32
      %mul3A_515 = vector.broadcast %mul3A_514 : i32 to vector<16xi32>
      %mul3A_516 = arith.muli %add3A_513, %mul3A_515 : vector<16xi32>
      %gather3A_517 = tpu.vector_load_idx %arg8[%mul3A_516] : memref<1024xi32, #tpu.memory_space<vmem>>[vector<16xi32>], vector<16xi32>,
      %swap3A_518 = arith.constant 384 : index
      %swap3A_519 = tpu.vector_load %arg9[%swap3A_518] {strides = array<i32>} : memref<1024xi32, #tpu.memory_space<vmem>>, vector<16xi32>,
      tpu.vector_store %arg9[%swap3A_518], %gather3A_517 {strides = array<i32>} : memref<1024xi32, #tpu.memory_space<vmem>>, vector<16xi32>,
      %add3A_520 = arith.constant 1 : i32
      %add3A_521 = vector.broadcast %add3A_520 : i32 to vector<16xi32>
      %add3A_522 = arith.addi %mul3A_516, %add3A_521 : vector<16xi32>
      %gather3A_523 = tpu.vector_load_idx %arg8[%add3A_522] : memref<1024xi32, #tpu.memory_space<vmem>>[vector<16xi32>], vector<16xi32>,
      %swap3A_524 = arith.constant 896 : index
      %swap3A_525 = tpu.vector_load %arg9[%swap3A_524] {strides = array<i32>} : memref<1024xi32, #tpu.memory_space<vmem>>, vector<16xi32>,
      tpu.vector_store %arg9[%swap3A_524], %gather3A_523 {strides = array<i32>} : memref<1024xi32, #tpu.memory_space<vmem>>, vector<16xi32>,
      %add3A_526 = arith.constant 400 : i32
      %add3A_527 = vector.broadcast %add3A_526 : i32 to vector<16xi32>
      %add3A_528 = arith.addi %add3A_527, %iota3A : vector<16xi32>
      %mul3A_529 = arith.constant 2 : i32
      %mul3A_530 = vector.broadcast %mul3A_529 : i32 to vector<16xi32>
      %mul3A_531 = arith.muli %add3A_528, %mul3A_530 : vector<16xi32>
      %gather3A_532 = tpu.vector_load_idx %arg8[%mul3A_531] : memref<1024xi32, #tpu.memory_space<vmem>>[vector<16xi32>], vector<16xi32>,
      %swap3A_533 = arith.constant 400 : index
      %swap3A_534 = tpu.vector_load %arg9[%swap3A_533] {strides = array<i32>} : memref<1024xi32, #tpu.memory_space<vmem>>, vector<16xi32>,
      tpu.vector_store %arg9[%swap3A_533], %gather3A_532 {strides = array<i32>} : memref<1024xi32, #tpu.memory_space<vmem>>, vector<16xi32>,
      %add3A_535 = arith.constant 1 : i32
      %add3A_536 = vector.broadcast %add3A_535 : i32 to vector<16xi32>
      %add3A_537 = arith.addi %mul3A_531, %add3A_536 : vector<16xi32>
      %gather3A_538 = tpu.vector_load_idx %arg8[%add3A_537] : memref<1024xi32, #tpu.memory_space<vmem>>[vector<16xi32>], vector<16xi32>,
      %swap3A_539 = arith.constant 912 : index
      %swap3A_540 = tpu.vector_load %arg9[%swap3A_539] {strides = array<i32>} : memref<1024xi32, #tpu.memory_space<vmem>>, vector<16xi32>,
      tpu.vector_store %arg9[%swap3A_539], %gather3A_538 {strides = array<i32>} : memref<1024xi32, #tpu.memory_space<vmem>>, vector<16xi32>,
      %add3A_541 = arith.constant 416 : i32
      %add3A_542 = vector.broadcast %add3A_541 : i32 to vector<16xi32>
      %add3A_543 = arith.addi %add3A_542, %iota3A : vector<16xi32>
      %mul3A_544 = arith.constant 2 : i32
      %mul3A_545 = vector.broadcast %mul3A_544 : i32 to vector<16xi32>
      %mul3A_546 = arith.muli %add3A_543, %mul3A_545 : vector<16xi32>
      %gather3A_547 = tpu.vector_load_idx %arg8[%mul3A_546] : memref<1024xi32, #tpu.memory_space<vmem>>[vector<16xi32>], vector<16xi32>,
      %swap3A_548 = arith.constant 416 : index
      %swap3A_549 = tpu.vector_load %arg9[%swap3A_548] {strides = array<i32>} : memref<1024xi32, #tpu.memory_space<vmem>>, vector<16xi32>,
      tpu.vector_store %arg9[%swap3A_548], %gather3A_547 {strides = array<i32>} : memref<1024xi32, #tpu.memory_space<vmem>>, vector<16xi32>,
      %add3A_550 = arith.constant 1 : i32
      %add3A_551 = vector.broadcast %add3A_550 : i32 to vector<16xi32>
      %add3A_552 = arith.addi %mul3A_546, %add3A_551 : vector<16xi32>
      %gather3A_553 = tpu.vector_load_idx %arg8[%add3A_552] : memref<1024xi32, #tpu.memory_space<vmem>>[vector<16xi32>], vector<16xi32>,
      %swap3A_554 = arith.constant 928 : index
      %swap3A_555 = tpu.vector_load %arg9[%swap3A_554] {strides = array<i32>} : memref<1024xi32, #tpu.memory_space<vmem>>, vector<16xi32>,
      tpu.vector_store %arg9[%swap3A_554], %gather3A_553 {strides = array<i32>} : memref<1024xi32, #tpu.memory_space<vmem>>, vector<16xi32>,
      %add3A_556 = arith.constant 432 : i32
      %add3A_557 = vector.broadcast %add3A_556 : i32 to vector<16xi32>
      %add3A_558 = arith.addi %add3A_557, %iota3A : vector<16xi32>
      %mul3A_559 = arith.constant 2 : i32
      %mul3A_560 = vector.broadcast %mul3A_559 : i32 to vector<16xi32>
      %mul3A_561 = arith.muli %add3A_558, %mul3A_560 : vector<16xi32>
      %gather3A_562 = tpu.vector_load_idx %arg8[%mul3A_561] : memref<1024xi32, #tpu.memory_space<vmem>>[vector<16xi32>], vector<16xi32>,
      %swap3A_563 = arith.constant 432 : index
      %swap3A_564 = tpu.vector_load %arg9[%swap3A_563] {strides = array<i32>} : memref<1024xi32, #tpu.memory_space<vmem>>, vector<16xi32>,
      tpu.vector_store %arg9[%swap3A_563], %gather3A_562 {strides = array<i32>} : memref<1024xi32, #tpu.memory_space<vmem>>, vector<16xi32>,
      %add3A_565 = arith.constant 1 : i32
      %add3A_566 = vector.broadcast %add3A_565 : i32 to vector<16xi32>
      %add3A_567 = arith.addi %mul3A_561, %add3A_566 : vector<16xi32>
      %gather3A_568 = tpu.vector_load_idx %arg8[%add3A_567] : memref<1024xi32, #tpu.memory_space<vmem>>[vector<16xi32>], vector<16xi32>,
      %swap3A_569 = arith.constant 944 : index
      %swap3A_570 = tpu.vector_load %arg9[%swap3A_569] {strides = array<i32>} : memref<1024xi32, #tpu.memory_space<vmem>>, vector<16xi32>,
      tpu.vector_store %arg9[%swap3A_569], %gather3A_568 {strides = array<i32>} : memref<1024xi32, #tpu.memory_space<vmem>>, vector<16xi32>,
      %add3A_571 = arith.constant 448 : i32
      %add3A_572 = vector.broadcast %add3A_571 : i32 to vector<16xi32>
      %add3A_573 = arith.addi %add3A_572, %iota3A : vector<16xi32>
      %mul3A_574 = arith.constant 2 : i32
      %mul3A_575 = vector.broadcast %mul3A_574 : i32 to vector<16xi32>
      %mul3A_576 = arith.muli %add3A_573, %mul3A_575 : vector<16xi32>
      %gather3A_577 = tpu.vector_load_idx %arg8[%mul3A_576] : memref<1024xi32, #tpu.memory_space<vmem>>[vector<16xi32>], vector<16xi32>,
      %swap3A_578 = arith.constant 448 : index
      %swap3A_579 = tpu.vector_load %arg9[%swap3A_578] {strides = array<i32>} : memref<1024xi32, #tpu.memory_space<vmem>>, vector<16xi32>,
      tpu.vector_store %arg9[%swap3A_578], %gather3A_577 {strides = array<i32>} : memref<1024xi32, #tpu.memory_space<vmem>>, vector<16xi32>,
      %add3A_580 = arith.constant 1 : i32
      %add3A_581 = vector.broadcast %add3A_580 : i32 to vector<16xi32>
      %add3A_582 = arith.addi %mul3A_576, %add3A_581 : vector<16xi32>
      %gather3A_583 = tpu.vector_load_idx %arg8[%add3A_582] : memref<1024xi32, #tpu.memory_space<vmem>>[vector<16xi32>], vector<16xi32>,
      %swap3A_584 = arith.constant 960 : index
      %swap3A_585 = tpu.vector_load %arg9[%swap3A_584] {strides = array<i32>} : memref<1024xi32, #tpu.memory_space<vmem>>, vector<16xi32>,
      tpu.vector_store %arg9[%swap3A_584], %gather3A_583 {strides = array<i32>} : memref<1024xi32, #tpu.memory_space<vmem>>, vector<16xi32>,
      %add3A_586 = arith.constant 464 : i32
      %add3A_587 = vector.broadcast %add3A_586 : i32 to vector<16xi32>
      %add3A_588 = arith.addi %add3A_587, %iota3A : vector<16xi32>
      %mul3A_589 = arith.constant 2 : i32
      %mul3A_590 = vector.broadcast %mul3A_589 : i32 to vector<16xi32>
      %mul3A_591 = arith.muli %add3A_588, %mul3A_590 : vector<16xi32>
      %gather3A_592 = tpu.vector_load_idx %arg8[%mul3A_591] : memref<1024xi32, #tpu.memory_space<vmem>>[vector<16xi32>], vector<16xi32>,
      %swap3A_593 = arith.constant 464 : index
      %swap3A_594 = tpu.vector_load %arg9[%swap3A_593] {strides = array<i32>} : memref<1024xi32, #tpu.memory_space<vmem>>, vector<16xi32>,
      tpu.vector_store %arg9[%swap3A_593], %gather3A_592 {strides = array<i32>} : memref<1024xi32, #tpu.memory_space<vmem>>, vector<16xi32>,
      %add3A_595 = arith.constant 1 : i32
      %add3A_596 = vector.broadcast %add3A_595 : i32 to vector<16xi32>
      %add3A_597 = arith.addi %mul3A_591, %add3A_596 : vector<16xi32>
      %gather3A_598 = tpu.vector_load_idx %arg8[%add3A_597] : memref<1024xi32, #tpu.memory_space<vmem>>[vector<16xi32>], vector<16xi32>,
      %swap3A_599 = arith.constant 976 : index
      %swap3A_600 = tpu.vector_load %arg9[%swap3A_599] {strides = array<i32>} : memref<1024xi32, #tpu.memory_space<vmem>>, vector<16xi32>,
      tpu.vector_store %arg9[%swap3A_599], %gather3A_598 {strides = array<i32>} : memref<1024xi32, #tpu.memory_space<vmem>>, vector<16xi32>,
      %add3A_601 = arith.constant 480 : i32
      %add3A_602 = vector.broadcast %add3A_601 : i32 to vector<16xi32>
      %add3A_603 = arith.addi %add3A_602, %iota3A : vector<16xi32>
      %mul3A_604 = arith.constant 2 : i32
      %mul3A_605 = vector.broadcast %mul3A_604 : i32 to vector<16xi32>
      %mul3A_606 = arith.muli %add3A_603, %mul3A_605 : vector<16xi32>
      %gather3A_607 = tpu.vector_load_idx %arg8[%mul3A_606] : memref<1024xi32, #tpu.memory_space<vmem>>[vector<16xi32>], vector<16xi32>,
      %swap3A_608 = arith.constant 480 : index
      %swap3A_609 = tpu.vector_load %arg9[%swap3A_608] {strides = array<i32>} : memref<1024xi32, #tpu.memory_space<vmem>>, vector<16xi32>,
      tpu.vector_store %arg9[%swap3A_608], %gather3A_607 {strides = array<i32>} : memref<1024xi32, #tpu.memory_space<vmem>>, vector<16xi32>,
      %add3A_610 = arith.constant 1 : i32
      %add3A_611 = vector.broadcast %add3A_610 : i32 to vector<16xi32>
      %add3A_612 = arith.addi %mul3A_606, %add3A_611 : vector<16xi32>
      %gather3A_613 = tpu.vector_load_idx %arg8[%add3A_612] : memref<1024xi32, #tpu.memory_space<vmem>>[vector<16xi32>], vector<16xi32>,
      %swap3A_614 = arith.constant 992 : index
      %swap3A_615 = tpu.vector_load %arg9[%swap3A_614] {strides = array<i32>} : memref<1024xi32, #tpu.memory_space<vmem>>, vector<16xi32>,
      tpu.vector_store %arg9[%swap3A_614], %gather3A_613 {strides = array<i32>} : memref<1024xi32, #tpu.memory_space<vmem>>, vector<16xi32>,
      %add3A_616 = arith.constant 496 : i32
      %add3A_617 = vector.broadcast %add3A_616 : i32 to vector<16xi32>
      %add3A_618 = arith.addi %add3A_617, %iota3A : vector<16xi32>
      %mul3A_619 = arith.constant 2 : i32
      %mul3A_620 = vector.broadcast %mul3A_619 : i32 to vector<16xi32>
      %mul3A_621 = arith.muli %add3A_618, %mul3A_620 : vector<16xi32>
      %gather3A_622 = tpu.vector_load_idx %arg8[%mul3A_621] : memref<1024xi32, #tpu.memory_space<vmem>>[vector<16xi32>], vector<16xi32>,
      %swap3A_623 = arith.constant 496 : index
      %swap3A_624 = tpu.vector_load %arg9[%swap3A_623] {strides = array<i32>} : memref<1024xi32, #tpu.memory_space<vmem>>, vector<16xi32>,
      tpu.vector_store %arg9[%swap3A_623], %gather3A_622 {strides = array<i32>} : memref<1024xi32, #tpu.memory_space<vmem>>, vector<16xi32>,
      %add3A_625 = arith.constant 1 : i32
      %add3A_626 = vector.broadcast %add3A_625 : i32 to vector<16xi32>
      %add3A_627 = arith.addi %mul3A_621, %add3A_626 : vector<16xi32>
      %gather3A_628 = tpu.vector_load_idx %arg8[%add3A_627] : memref<1024xi32, #tpu.memory_space<vmem>>[vector<16xi32>], vector<16xi32>,
      %swap3A_629 = arith.constant 1008 : index
      %swap3A_630 = tpu.vector_load %arg9[%swap3A_629] {strides = array<i32>} : memref<1024xi32, #tpu.memory_space<vmem>>, vector<16xi32>,
      tpu.vector_store %arg9[%swap3A_629], %gather3A_628 {strides = array<i32>} : memref<1024xi32, #tpu.memory_space<vmem>>, vector<16xi32>,
      %mul3A_631 = arith.constant 512 : i32
      %mul3A_632 = arith.muli %add3A, %mul3A_631 : i32
      "tpu.region"() ({
        %run_scoped3A = tpu.sem_alloc : memref<!tpu.dma_semaphore, #tpu.memory_space<semaphore_mem>>
        %dma_start3A = arith.constant 0 : i32
        %dma_start3A_639 = tpu.memref_slice %arg5[%mul3A_632, %dma_start3A] : memref<8192x128xf32, #tpu.memory_space<hbm>> -> memref<512x128xf32, #tpu.memory_space<hbm>>
        %dma_start3A_640 = arith.constant 0 : i32
        %dma_start3A_641 = tpu.memref_slice %arg5[%mul3A_632, %dma_start3A_640] : memref<8192x128xf32, #tpu.memory_space<hbm>> -> memref<512x128xf32, #tpu.memory_space<hbm>>
        tpu.enqueue_dma source(%arg13 : memref<512x128xf32, #tpu.memory_space<vmem>>) target(%dma_start3A_641 : memref<512x128xf32, #tpu.memory_space<hbm>>) target_semaphore(%run_scoped3A : memref<!tpu.dma_semaphore, #tpu.memory_space<semaphore_mem>>)
        %dma_wait3A = arith.constant 0 : i32
        %dma_wait3A_642 = tpu.memref_slice %arg5[%mul3A_632, %dma_wait3A] : memref<8192x128xf32, #tpu.memory_space<hbm>> -> memref<512x128xf32, #tpu.memory_space<hbm>>
        %dma_wait3A_643 = arith.constant 0 : i32
        %dma_wait3A_644 = tpu.memref_slice %arg5[%mul3A_632, %dma_wait3A_643] : memref<8192x128xf32, #tpu.memory_space<hbm>> -> memref<512x128xf32, #tpu.memory_space<hbm>>
        tpu.wait_dma2 semaphore(%run_scoped3A : memref<!tpu.dma_semaphore, #tpu.memory_space<semaphore_mem>>) src(%arg13 : memref<512x128xf32, #tpu.memory_space<vmem>>) dst(%dma_wait3A_644 : memref<512x128xf32, #tpu.memory_space<hbm>>)
        tpu.yield
      }) : () -> ()
      %mul3A_633 = arith.constant 512 : i32
      %mul3A_634 = arith.muli %add3A, %mul3A_633 : i32
      "tpu.region"() ({
        %run_scoped3A = tpu.sem_alloc : memref<!tpu.dma_semaphore, #tpu.memory_space<semaphore_mem>>
        %dma_start3A = arith.constant 0 : i32
        %dma_start3A_639 = tpu.memref_slice %arg9[%dma_start3A] : memref<1024xi32, #tpu.memory_space<vmem>> -> memref<512xi32, #tpu.memory_space<vmem>>
        %dma_start3A_640 = tpu.memref_slice %arg6[%mul3A_634] : memref<16384xi32, #tpu.memory_space<hbm>> -> memref<512xi32, #tpu.memory_space<hbm>>
        %dma_start3A_641 = tpu.memref_slice %arg6[%mul3A_634] : memref<16384xi32, #tpu.memory_space<hbm>> -> memref<512xi32, #tpu.memory_space<hbm>>
        %dma_start3A_642 = arith.constant 0 : i32
        %dma_start3A_643 = tpu.memref_slice %arg9[%dma_start3A_642] : memref<1024xi32, #tpu.memory_space<vmem>> -> memref<512xi32, #tpu.memory_space<vmem>>
        tpu.enqueue_dma source(%dma_start3A_643 : memref<512xi32, #tpu.memory_space<vmem>>) target(%dma_start3A_641 : memref<512xi32, #tpu.memory_space<hbm>>) target_semaphore(%run_scoped3A : memref<!tpu.dma_semaphore, #tpu.memory_space<semaphore_mem>>)
        %dma_wait3A = arith.constant 0 : i32
        %dma_wait3A_644 = tpu.memref_slice %arg9[%dma_wait3A] : memref<1024xi32, #tpu.memory_space<vmem>> -> memref<512xi32, #tpu.memory_space<vmem>>
        %dma_wait3A_645 = tpu.memref_slice %arg6[%mul3A_634] : memref<16384xi32, #tpu.memory_space<hbm>> -> memref<512xi32, #tpu.memory_space<hbm>>
        %dma_wait3A_646 = tpu.memref_slice %arg6[%mul3A_634] : memref<16384xi32, #tpu.memory_space<hbm>> -> memref<512xi32, #tpu.memory_space<hbm>>
        %dma_wait3A_647 = arith.constant 0 : i32
        %dma_wait3A_648 = tpu.memref_slice %arg9[%dma_wait3A_647] : memref<1024xi32, #tpu.memory_space<vmem>> -> memref<512xi32, #tpu.memory_space<vmem>>
        tpu.wait_dma2 semaphore(%run_scoped3A : memref<!tpu.dma_semaphore, #tpu.memory_space<semaphore_mem>>) src(%dma_wait3A_648 : memref<512xi32, #tpu.memory_space<vmem>>) dst(%dma_wait3A_646 : memref<512xi32, #tpu.memory_space<hbm>>)
        tpu.yield
      }) : () -> ()
      %mul3A_635 = arith.constant 512 : i32
      %mul3A_636 = arith.muli %add3A, %mul3A_635 : i32
      %add3A_637 = arith.constant 8192 : i32
      %add3A_638 = arith.addi %add3A_637, %mul3A_636 : i32
      "tpu.region"() ({
        %run_scoped3A = tpu.sem_alloc : memref<!tpu.dma_semaphore, #tpu.memory_space<semaphore_mem>>
        %dma_start3A = arith.constant 512 : i32
        %dma_start3A_639 = tpu.memref_slice %arg9[%dma_start3A] : memref<1024xi32, #tpu.memory_space<vmem>> -> memref<512xi32, #tpu.memory_space<vmem>>
        %dma_start3A_640 = tpu.memref_slice %arg6[%add3A_638] : memref<16384xi32, #tpu.memory_space<hbm>> -> memref<512xi32, #tpu.memory_space<hbm>>
        %dma_start3A_641 = tpu.memref_slice %arg6[%add3A_638] : memref<16384xi32, #tpu.memory_space<hbm>> -> memref<512xi32, #tpu.memory_space<hbm>>
        %dma_start3A_642 = arith.constant 512 : i32
        %dma_start3A_643 = tpu.memref_slice %arg9[%dma_start3A_642] : memref<1024xi32, #tpu.memory_space<vmem>> -> memref<512xi32, #tpu.memory_space<vmem>>
        tpu.enqueue_dma source(%dma_start3A_643 : memref<512xi32, #tpu.memory_space<vmem>>) target(%dma_start3A_641 : memref<512xi32, #tpu.memory_space<hbm>>) target_semaphore(%run_scoped3A : memref<!tpu.dma_semaphore, #tpu.memory_space<semaphore_mem>>)
        %dma_wait3A = arith.constant 512 : i32
        %dma_wait3A_644 = tpu.memref_slice %arg9[%dma_wait3A] : memref<1024xi32, #tpu.memory_space<vmem>> -> memref<512xi32, #tpu.memory_space<vmem>>
        %dma_wait3A_645 = tpu.memref_slice %arg6[%add3A_638] : memref<16384xi32, #tpu.memory_space<hbm>> -> memref<512xi32, #tpu.memory_space<hbm>>
        %dma_wait3A_646 = tpu.memref_slice %arg6[%add3A_638] : memref<16384xi32, #tpu.memory_space<hbm>> -> memref<512xi32, #tpu.memory_space<hbm>>
        %dma_wait3A_647 = arith.constant 512 : i32
        %dma_wait3A_648 = tpu.memref_slice %arg9[%dma_wait3A_647] : memref<1024xi32, #tpu.memory_space<vmem>> -> memref<512xi32, #tpu.memory_space<vmem>>
        tpu.wait_dma2 semaphore(%run_scoped3A : memref<!tpu.dma_semaphore, #tpu.memory_space<semaphore_mem>>) src(%dma_wait3A_648 : memref<512xi32, #tpu.memory_space<vmem>>) dst(%dma_wait3A_646 : memref<512xi32, #tpu.memory_space<hbm>>)
        tpu.yield
      }) : () -> ()
    } else {
    }
    return
  }
}

module attributes {stable_mosaic.version = 14 : i64} {
  func.func @_mlp_body(%arg0: memref<8192x128xf32, #tpu.memory_space<vmem>>, %arg1: memref<16384xi32, #tpu.memory_space<vmem>>, %arg2: memref<16384xi32, #tpu.memory_space<vmem>>, %arg3: memref<64x64xf32, #tpu.memory_space<vmem>>, %arg4: memref<64xf32, #tpu.memory_space<vmem>>, %arg5: memref<64x64xf32, #tpu.memory_space<vmem>>, %arg6: memref<64xf32, #tpu.memory_space<vmem>>, %arg7: memref<64x64xf32, #tpu.memory_space<vmem>>, %arg8: memref<64xf32, #tpu.memory_space<vmem>>, %arg9: memref<1x64xf32, #tpu.memory_space<vmem>>, %arg10: memref<1xf32, #tpu.memory_space<vmem>>, %arg11: memref<16384xf32, #tpu.memory_space<vmem>>, %arg12: memref<16384xi8, #tpu.memory_space<vmem>>) attributes {dimension_semantics = [], scalar_prefetch = 0 : i64, scratch_operands = 0 : i64, tpu.core_type = #tpu.core_type<tc>} {
    %get3A = arith.constant 0 : index
    %get3A_0 = arith.constant 0 : index
    %get3A_1 = vector.load %arg0[%get3A, %get3A_0] : memref<8192x128xf32, #tpu.memory_space<vmem>>, vector<8192x128xf32>
    %get3A_2 = arith.constant 0 : index
    %get3A_3 = vector.load %arg1[%get3A_2] : memref<16384xi32, #tpu.memory_space<vmem>>, vector<16384xi32>
    %get3A_4 = arith.constant 0 : index
    %get3A_5 = vector.load %arg2[%get3A_4] : memref<16384xi32, #tpu.memory_space<vmem>>, vector<16384xi32>
    %get3A_6 = arith.constant 0 : index
    %get3A_7 = arith.constant 0 : index
    %get3A_8 = vector.load %arg9[%get3A_6, %get3A_7] : memref<1x64xf32, #tpu.memory_space<vmem>>, vector<1x64xf32>
    %squeeze3A = vector.shape_cast %get3A_8 : vector<1x64xf32> to vector<64xf32>
    %get3A_9 = arith.constant 0 : index
    %get3A_10 = vector.load %arg10[%get3A_9] : memref<1xf32, #tpu.memory_space<vmem>>, vector<1xf32>
    %get3A_11 = vector.extract %get3A_10[0] : f32 from vector<1xf32>
    %slice3A = vector.extract_strided_slice %get3A_1 {offsets = [0, 0], sizes = [8192, 64], strides = [1, 1]} : vector<8192x128xf32> to vector<8192x64xf32>
    %slice3A_12 = vector.extract_strided_slice %get3A_1 {offsets = [0, 64], sizes = [8192, 64], strides = [1, 1]} : vector<8192x128xf32> to vector<8192x64xf32>
    %get3A_13 = arith.constant 0 : index
    %get3A_14 = arith.constant 0 : index
    %get3A_15 = vector.load %arg3[%get3A_13, %get3A_14] : memref<64x64xf32, #tpu.memory_space<vmem>>, vector<64x64xf32>
    %dot_general3A = arith.constant dense<0.000000e+00> : vector<8192x64xf32>
    %dot_general3A_16 = tpu.matmul %slice3A, %get3A_15, %dot_general3A {dimension_numbers = #tpu.dot_dimension_numbers<[1], [1], [0], [0], [0, 0, 1, 0], [], []>, transpose_lhs_hint = false} : vector<8192x64xf32>, vector<64x64xf32>, vector<8192x64xf32> -> vector<8192x64xf32>
    %get3A_17 = arith.constant 0 : index
    %get3A_18 = vector.load %arg4[%get3A_17] : memref<64xf32, #tpu.memory_space<vmem>>, vector<64xf32>
    %broadcast_in_dim3A = vector.shape_cast %get3A_18 : vector<64xf32> to vector<1x64xf32>
    %add3A = vector.broadcast %broadcast_in_dim3A : vector<1x64xf32> to vector<8192x64xf32>
    %add3A_19 = arith.addf %dot_general3A_16, %add3A : vector<8192x64xf32>
    %logistic3A = arith.negf %add3A_19 : vector<8192x64xf32>
    %logistic3A_20 = math.exp %logistic3A : vector<8192x64xf32>
    %logistic3A_21 = arith.constant 1.000000e+00 : f32
    %logistic3A_22 = vector.broadcast %logistic3A_21 : f32 to vector<8192x64xf32>
    %logistic3A_23 = arith.addf %logistic3A_22, %logistic3A_20 : vector<8192x64xf32>
    %logistic3A_24 = arith.divf %logistic3A_22, %logistic3A_23 : vector<8192x64xf32>
    %mul3A = arith.mulf %add3A_19, %logistic3A_24 : vector<8192x64xf32>
    %get3A_25 = arith.constant 0 : index
    %get3A_26 = arith.constant 0 : index
    %get3A_27 = vector.load %arg5[%get3A_25, %get3A_26] : memref<64x64xf32, #tpu.memory_space<vmem>>, vector<64x64xf32>
    %dot_general3A_28 = arith.constant dense<0.000000e+00> : vector<8192x64xf32>
    %dot_general3A_29 = tpu.matmul %mul3A, %get3A_27, %dot_general3A_28 {dimension_numbers = #tpu.dot_dimension_numbers<[1], [1], [0], [0], [0, 0, 1, 0], [], []>, transpose_lhs_hint = false} : vector<8192x64xf32>, vector<64x64xf32>, vector<8192x64xf32> -> vector<8192x64xf32>
    %get3A_30 = arith.constant 0 : index
    %get3A_31 = vector.load %arg6[%get3A_30] : memref<64xf32, #tpu.memory_space<vmem>>, vector<64xf32>
    %broadcast_in_dim3A_32 = vector.shape_cast %get3A_31 : vector<64xf32> to vector<1x64xf32>
    %add3A_33 = vector.broadcast %broadcast_in_dim3A_32 : vector<1x64xf32> to vector<8192x64xf32>
    %add3A_34 = arith.addf %dot_general3A_29, %add3A_33 : vector<8192x64xf32>
    %logistic3A_35 = arith.negf %add3A_34 : vector<8192x64xf32>
    %logistic3A_36 = math.exp %logistic3A_35 : vector<8192x64xf32>
    %logistic3A_37 = arith.constant 1.000000e+00 : f32
    %logistic3A_38 = vector.broadcast %logistic3A_37 : f32 to vector<8192x64xf32>
    %logistic3A_39 = arith.addf %logistic3A_38, %logistic3A_36 : vector<8192x64xf32>
    %logistic3A_40 = arith.divf %logistic3A_38, %logistic3A_39 : vector<8192x64xf32>
    %mul3A_41 = arith.mulf %add3A_34, %logistic3A_40 : vector<8192x64xf32>
    %get3A_42 = arith.constant 0 : index
    %get3A_43 = arith.constant 0 : index
    %get3A_44 = vector.load %arg7[%get3A_42, %get3A_43] : memref<64x64xf32, #tpu.memory_space<vmem>>, vector<64x64xf32>
    %dot_general3A_45 = arith.constant dense<0.000000e+00> : vector<8192x64xf32>
    %dot_general3A_46 = tpu.matmul %mul3A_41, %get3A_44, %dot_general3A_45 {dimension_numbers = #tpu.dot_dimension_numbers<[1], [1], [0], [0], [0, 0, 1, 0], [], []>, transpose_lhs_hint = false} : vector<8192x64xf32>, vector<64x64xf32>, vector<8192x64xf32> -> vector<8192x64xf32>
    %get3A_47 = arith.constant 0 : index
    %get3A_48 = vector.load %arg8[%get3A_47] : memref<64xf32, #tpu.memory_space<vmem>>, vector<64xf32>
    %broadcast_in_dim3A_49 = vector.shape_cast %get3A_48 : vector<64xf32> to vector<1x64xf32>
    %add3A_50 = vector.broadcast %broadcast_in_dim3A_49 : vector<1x64xf32> to vector<8192x64xf32>
    %add3A_51 = arith.addf %dot_general3A_46, %add3A_50 : vector<8192x64xf32>
    %logistic3A_52 = arith.negf %add3A_51 : vector<8192x64xf32>
    %logistic3A_53 = math.exp %logistic3A_52 : vector<8192x64xf32>
    %logistic3A_54 = arith.constant 1.000000e+00 : f32
    %logistic3A_55 = vector.broadcast %logistic3A_54 : f32 to vector<8192x64xf32>
    %logistic3A_56 = arith.addf %logistic3A_55, %logistic3A_53 : vector<8192x64xf32>
    %logistic3A_57 = arith.divf %logistic3A_55, %logistic3A_56 : vector<8192x64xf32>
    %mul3A_58 = arith.mulf %add3A_51, %logistic3A_57 : vector<8192x64xf32>
    %broadcast_in_dim3A_59 = vector.shape_cast %squeeze3A : vector<64xf32> to vector<1x64xf32>
    %mul3A_60 = vector.broadcast %broadcast_in_dim3A_59 : vector<1x64xf32> to vector<8192x64xf32>
    %mul3A_61 = arith.mulf %mul3A_58, %mul3A_60 : vector<8192x64xf32>
    %reduce_sum3A = arith.constant dense<0.000000e+00> : vector<8192xf32>
    %reduce_sum3A_62 = vector.multi_reduction <add>, %mul3A_61, %reduce_sum3A [1] : vector<8192x64xf32> to vector<8192xf32>
    %add3A_63 = vector.broadcast %get3A_11 : f32 to vector<8192xf32>
    %add3A_64 = arith.addf %reduce_sum3A_62, %add3A_63 : vector<8192xf32>
    %get3A_65 = arith.constant 0 : index
    %get3A_66 = arith.constant 0 : index
    %get3A_67 = vector.load %arg3[%get3A_65, %get3A_66] : memref<64x64xf32, #tpu.memory_space<vmem>>, vector<64x64xf32>
    %dot_general3A_68 = arith.constant dense<0.000000e+00> : vector<8192x64xf32>
    %dot_general3A_69 = tpu.matmul %slice3A_12, %get3A_67, %dot_general3A_68 {dimension_numbers = #tpu.dot_dimension_numbers<[1], [1], [0], [0], [0, 0, 1, 0], [], []>, transpose_lhs_hint = false} : vector<8192x64xf32>, vector<64x64xf32>, vector<8192x64xf32> -> vector<8192x64xf32>
    %get3A_70 = arith.constant 0 : index
    %get3A_71 = vector.load %arg4[%get3A_70] : memref<64xf32, #tpu.memory_space<vmem>>, vector<64xf32>
    %broadcast_in_dim3A_72 = vector.shape_cast %get3A_71 : vector<64xf32> to vector<1x64xf32>
    %add3A_73 = vector.broadcast %broadcast_in_dim3A_72 : vector<1x64xf32> to vector<8192x64xf32>
    %add3A_74 = arith.addf %dot_general3A_69, %add3A_73 : vector<8192x64xf32>
    %logistic3A_75 = arith.negf %add3A_74 : vector<8192x64xf32>
    %logistic3A_76 = math.exp %logistic3A_75 : vector<8192x64xf32>
    %logistic3A_77 = arith.constant 1.000000e+00 : f32
    %logistic3A_78 = vector.broadcast %logistic3A_77 : f32 to vector<8192x64xf32>
    %logistic3A_79 = arith.addf %logistic3A_78, %logistic3A_76 : vector<8192x64xf32>
    %logistic3A_80 = arith.divf %logistic3A_78, %logistic3A_79 : vector<8192x64xf32>
    %mul3A_81 = arith.mulf %add3A_74, %logistic3A_80 : vector<8192x64xf32>
    %get3A_82 = arith.constant 0 : index
    %get3A_83 = arith.constant 0 : index
    %get3A_84 = vector.load %arg5[%get3A_82, %get3A_83] : memref<64x64xf32, #tpu.memory_space<vmem>>, vector<64x64xf32>
    %dot_general3A_85 = arith.constant dense<0.000000e+00> : vector<8192x64xf32>
    %dot_general3A_86 = tpu.matmul %mul3A_81, %get3A_84, %dot_general3A_85 {dimension_numbers = #tpu.dot_dimension_numbers<[1], [1], [0], [0], [0, 0, 1, 0], [], []>, transpose_lhs_hint = false} : vector<8192x64xf32>, vector<64x64xf32>, vector<8192x64xf32> -> vector<8192x64xf32>
    %get3A_87 = arith.constant 0 : index
    %get3A_88 = vector.load %arg6[%get3A_87] : memref<64xf32, #tpu.memory_space<vmem>>, vector<64xf32>
    %broadcast_in_dim3A_89 = vector.shape_cast %get3A_88 : vector<64xf32> to vector<1x64xf32>
    %add3A_90 = vector.broadcast %broadcast_in_dim3A_89 : vector<1x64xf32> to vector<8192x64xf32>
    %add3A_91 = arith.addf %dot_general3A_86, %add3A_90 : vector<8192x64xf32>
    %logistic3A_92 = arith.negf %add3A_91 : vector<8192x64xf32>
    %logistic3A_93 = math.exp %logistic3A_92 : vector<8192x64xf32>
    %logistic3A_94 = arith.constant 1.000000e+00 : f32
    %logistic3A_95 = vector.broadcast %logistic3A_94 : f32 to vector<8192x64xf32>
    %logistic3A_96 = arith.addf %logistic3A_95, %logistic3A_93 : vector<8192x64xf32>
    %logistic3A_97 = arith.divf %logistic3A_95, %logistic3A_96 : vector<8192x64xf32>
    %mul3A_98 = arith.mulf %add3A_91, %logistic3A_97 : vector<8192x64xf32>
    %get3A_99 = arith.constant 0 : index
    %get3A_100 = arith.constant 0 : index
    %get3A_101 = vector.load %arg7[%get3A_99, %get3A_100] : memref<64x64xf32, #tpu.memory_space<vmem>>, vector<64x64xf32>
    %dot_general3A_102 = arith.constant dense<0.000000e+00> : vector<8192x64xf32>
    %dot_general3A_103 = tpu.matmul %mul3A_98, %get3A_101, %dot_general3A_102 {dimension_numbers = #tpu.dot_dimension_numbers<[1], [1], [0], [0], [0, 0, 1, 0], [], []>, transpose_lhs_hint = false} : vector<8192x64xf32>, vector<64x64xf32>, vector<8192x64xf32> -> vector<8192x64xf32>
    %get3A_104 = arith.constant 0 : index
    %get3A_105 = vector.load %arg8[%get3A_104] : memref<64xf32, #tpu.memory_space<vmem>>, vector<64xf32>
    %broadcast_in_dim3A_106 = vector.shape_cast %get3A_105 : vector<64xf32> to vector<1x64xf32>
    %add3A_107 = vector.broadcast %broadcast_in_dim3A_106 : vector<1x64xf32> to vector<8192x64xf32>
    %add3A_108 = arith.addf %dot_general3A_103, %add3A_107 : vector<8192x64xf32>
    %logistic3A_109 = arith.negf %add3A_108 : vector<8192x64xf32>
    %logistic3A_110 = math.exp %logistic3A_109 : vector<8192x64xf32>
    %logistic3A_111 = arith.constant 1.000000e+00 : f32
    %logistic3A_112 = vector.broadcast %logistic3A_111 : f32 to vector<8192x64xf32>
    %logistic3A_113 = arith.addf %logistic3A_112, %logistic3A_110 : vector<8192x64xf32>
    %logistic3A_114 = arith.divf %logistic3A_112, %logistic3A_113 : vector<8192x64xf32>
    %mul3A_115 = arith.mulf %add3A_108, %logistic3A_114 : vector<8192x64xf32>
    %broadcast_in_dim3A_116 = vector.shape_cast %squeeze3A : vector<64xf32> to vector<1x64xf32>
    %mul3A_117 = vector.broadcast %broadcast_in_dim3A_116 : vector<1x64xf32> to vector<8192x64xf32>
    %mul3A_118 = arith.mulf %mul3A_115, %mul3A_117 : vector<8192x64xf32>
    %reduce_sum3A_119 = arith.constant dense<0.000000e+00> : vector<8192xf32>
    %reduce_sum3A_120 = vector.multi_reduction <add>, %mul3A_118, %reduce_sum3A_119 [1] : vector<8192x64xf32> to vector<8192xf32>
    %add3A_121 = vector.broadcast %get3A_11 : f32 to vector<8192xf32>
    %add3A_122 = arith.addf %reduce_sum3A_120, %add3A_121 : vector<8192xf32>
    %concatenate3A = tpu.concatenate %add3A_64, %add3A_122 in 0 : vector<8192xf32>, vector<8192xf32> -> vector<16384xf32>
    %ge3A = arith.constant 0 : i32
    %ge3A_123 = vector.broadcast %ge3A : i32 to vector<16384xi32>
    %ge3A_124 = arith.cmpi sge, %get3A_3, %ge3A_123 : vector<16384xi32>
    %jit3A = arith.constant -1.000000e+09 : f32
    %broadcast_in_dim3A_125 = vector.broadcast %jit3A : f32 to vector<16384xf32>
    %select_n3A = arith.select %ge3A_124, %concatenate3A, %broadcast_in_dim3A_125 : vector<16384xi1>, vector<16384xf32>
    %eq3A = arith.constant 0 : i32
    %eq3A_126 = vector.broadcast %eq3A : i32 to vector<16384xi32>
    %eq3A_127 = arith.cmpi eq, %get3A_5, %eq3A_126 : vector<16384xi32>
    %jit3A_128 = arith.constant 0xFF800000 : f32
    %broadcast_in_dim3A_129 = vector.broadcast %jit3A_128 : f32 to vector<16384xf32>
    %select_n3A_130 = arith.select %eq3A_127, %broadcast_in_dim3A_129, %select_n3A : vector<16384xi1>, vector<16384xf32>
    %swap3A = arith.constant 0 : index
    %swap3A_131 = vector.load %arg11[%swap3A] : memref<16384xf32, #tpu.memory_space<vmem>>, vector<16384xf32>
    tpu.vector_store %arg11[%swap3A], %select_n3A_130 {strides = array<i32>} : memref<16384xf32, #tpu.memory_space<vmem>>, vector<16384xf32>,
    %eq3A_132 = arith.constant 0 : i32
    %eq3A_133 = vector.broadcast %eq3A_132 : i32 to vector<16384xi32>
    %eq3A_134 = arith.cmpi eq, %get3A_5, %eq3A_133 : vector<16384xi32>
    %convert_element_type3A = arith.extui %eq3A_134 : vector<16384xi1> to vector<16384xi8>
    %swap3A_135 = arith.constant 0 : index
    %swap3A_136 = vector.load %arg12[%swap3A_135] : memref<16384xi8, #tpu.memory_space<vmem>>, vector<16384xi8>
    tpu.vector_store %arg12[%swap3A_135], %convert_element_type3A {strides = array<i32>} : memref<16384xi8, #tpu.memory_space<vmem>>, vector<16384xi8>,
    return
  }
}

</mosaic_0001>

<sc_bundles>
// kernel: kernel.4.cloned.1.call-start
scs
__scs_entry_jumppad:
0x0: {  	(pc) =	sbr.rel $0x88, $3  }
0x1: {  	(tag) =	ssettag $0x0;
	lr =	simm.s32 $0x1  }
0x2: {  	[smem:$0x3F95] =	sst lr;
	_ =	strace $0xD0000000  }
0x3: {  	_ = 	snop  }
0x4: {  	_ = 	snop  }
0x5: {  	_ = 	snop  }
0x6: {  	_ = 	snop  }
0x7: {  	_ = 	snop  }
__scs_overlays_trampoline_lowered:
0x8: {  	[smem:$0x3FA4] =	sst s0  }
0x9: {  	[smem:$0x3FA5] =	sst s1  }
0xa: {  	[smem:$0x3FA6] =	sst s2  }
0xb: {  	[smem:$0x3FA7] =	sst s3  }
0xc: {  	[smem:$0x3FA8] =	sst s4  }
0xd: {  	[smem:$0x3FA9] =	sst s5  }
0xe: {  	[smem:$0x3FAA] =	sst s6  }
0xf: {  	[smem:$0x3FAB] =	sst s7  }
0x10: {  	[smem:$0x3FAC] =	sst s8  }
0x11: {  	[smem:$0x3FAD] =	sst s9;
	s0 =	simm.s32 @!p0 $0x0  }
0x12: {  	s1 =	sld [smem:$0x3F93];
	s0 =	simm.s32 @p0 $0x1  }
0x13: {  	[smem:$0x3FAE] =	sst s0;
	s0 =	simm.s32 @!p1 $0x0  }
0x14: {  	s2 =	sld [smem:$0x3F92];
	s0 =	simm.s32 @p1 $0x1  }
0x15: {  	[smem:$0x3FAF] =	sst s0;
	s0 =	simm.s32 @!p2 $0x0  }
0x16: {  	s3 =	sld [smem:$0x3FDB];
	s0 =	simm.s32 @p2 $0x1  }
0x17: {  	s4 =	simm.s32 $0x1BF5;
	[smem:$0x3FB1] =	sst s0  }
0x18: {  	s0 =	sld [smem:$0x3F94];
	_ =	swait.ge [sflag:s4], $0x0  }
0x19: {  	s7 =	sld [smem:$0x3F95]  }
0x1a: {  	s8 =	sadd.s32 $0xFFFFE003, lr  }
0x1b: {  	s9 =	sadd.s32 $0xFFFFFEF7, lr;
	s5 =	simm.s32 $0xFFFFFFFF;
	p2 =	slt.u32 s8, $0xFFFFF086  }
0x1c: {  	p1 =	slt.u32 s9, $0xF7A;
	s5 =	simm.s32 @!p2 $0x0  }
0x1d: {  	s5 =	simm.s32 @p1 $0x1;
	p0 =	seq.s32 s7, s2  }
0x1e: {  	s7 =	smul.u32 @!p0 $0xF7A, s2;
	p2 =	seq.s32 @!p0 s5, $0x0  }
0x1f: {  	s9 =	smul.u32 $0xF7A, s1;
	s8 =	simm.s32 @!p0 $0x1BF5;
	p2 =	por !p2, p0  }
0x20: {  	[sflag:s8] =	ssyncset.s32 @!p0 $0xFFFFF086;
	s6 =	sadd.s32 @!p0 s3, s7;
	s7 =	simm.s32 @!p0 $0x108  }
0x21: {  	s3 =	sadd.s32 s3, s9;
	s6 =	sadd.s32 @!p0 $0x88, s6;
	s7 =	simm.s32 @p2 $0x1082  }
0x22: {  	[simem:s7], [sflag:s8] =	dma.local @!p0 [hbm:s6], $0xF7A  }
0x23: {  	s9 =	sor.u32 $0xD0000000, s2;
	s6 =	simm.s32 $0x108;
	_ =	swait.ge @!p0 [sflag:s8], $0x0  }
0x24: {  	s3 =	sadd.s32 $0x88, s3;
	s6 =	simm.s32 @!p1 $0x1082;
	[sflag:s4] =	ssyncset.s32 $0xFFFFF086  }
0x25: {  	[simem:s6], [sflag:s4] =	dma.local [hbm:s3], $0xF7A  }
0x26: {  	[smem:$0x3F95] =	sst s1;
	(tag) =	ssettag s2;
	_ =	strace s9  }
0x27: {  	s1 =	sld [smem:$0x3FA5]  }
0x28: {  	s2 =	sld [smem:$0x3FA6]  }
0x29: {  	s4 =	sld [smem:$0x3FA8]  }
0x2a: {  	p0 =	seq.s32 s5, $0x0;
	s5 =	sld [smem:$0x3FA9]  }
0x2b: {  	s6 =	sld [smem:$0x3FAA]  }
0x2c: {  	s7 =	sld [smem:$0x3FAB]  }
0x2d: {  	s3 =	simm.s32 $0x108;
	s8 =	sld [smem:$0x3FAC]  }
0x2e: {  	s3 =	simm.s32 @!p0 $0x1082;
	s9 =	sld [smem:$0x3FAD]  }
0x2f: {  	lr =	sadd.s32 s0, s3;
	s0 =	sld [smem:$0x3FA4]  }
0x30: {  	s3 =	sld [smem:$0x3FA7]  }
0x31: {  	[smem:$0x3FB0] =	sst s10  }
0x32: {  	s10 =	sld [smem:$0x3FAE];
	_ =	sdelay $0x3  }
0x33: {  	p0 =	seq.s32 s10, $0x1;
	s10 =	sld [smem:$0x3FB0];
	_ =	sdelay $0x3  }
0x34: {  	[smem:$0x3FB0] =	sst s10  }
0x35: {  	s10 =	sld [smem:$0x3FAF];
	_ =	sdelay $0x3  }
0x36: {  	p1 =	seq.s32 s10, $0x1;
	s10 =	sld [smem:$0x3FB0];
	_ =	sdelay $0x3  }
0x37: {  	[smem:$0x3FB0] =	sst s10  }
0x38: {  	s10 =	sld [smem:$0x3FB1]  }
0x39: {  	_ = 	snop;
	(pc) =	sbr.ind lr, $3  }
0x3a: {  	_ = 	snop  }
0x3b: {  	_ = 	snop  }
0x3c: {  	p2 =	seq.s32 s10, $0x1;
	s10 =	sld [smem:$0x3FB0]  }
0x3d: {  	_ =	shalt  }
0x3e: {  	_ =	shalt  }
0x3f: {  	_ =	shalt  }
0x40: {  	_ =	shalt  }
0x41: {  	_ =	shalt  }
0x42: {  	_ =	shalt  }
0x43: {  	_ =	shalt  }
0x44: {  	_ =	shalt  }
0x45: {  	_ =	shalt  }
0x46: {  	_ =	shalt  }
0x47: {  	_ =	shalt  }
0x48: {  	_ =	shalt  }
0x49: {  	_ =	shalt  }
0x4a: {  	_ =	shalt  }
0x4b: {  	_ =	shalt  }
0x4c: {  	_ =	shalt  }
0x4d: {  	_ =	shalt  }
0x4e: {  	_ =	shalt  }
0x4f: {  	_ =	shalt  }
0x50: {  	_ =	shalt  }
0x51: {  	_ =	shalt  }
0x52: {  	_ =	shalt  }
0x53: {  	_ =	shalt  }
0x54: {  	_ =	shalt  }
0x55: {  	_ =	shalt  }
0x56: {  	_ =	shalt  }
0x57: {  	_ =	shalt  }
0x58: {  	_ =	shalt  }
0x59: {  	_ =	shalt  }
0x5a: {  	_ =	shalt  }
0x5b: {  	_ =	shalt  }
0x5c: {  	_ =	shalt  }
0x5d: {  	_ =	shalt  }
0x5e: {  	_ =	shalt  }
0x5f: {  	_ =	shalt  }
0x60: {  	_ =	shalt  }
0x61: {  	_ =	shalt  }
0x62: {  	_ =	shalt  }
0x63: {  	_ =	shalt  }
0x64: {  	_ =	shalt  }
0x65: {  	_ =	shalt  }
0x66: {  	_ =	shalt  }
0x67: {  	_ =	shalt  }
0x68: {  	_ =	shalt  }
0x69: {  	_ =	shalt  }
0x6a: {  	_ =	shalt  }
0x6b: {  	_ =	shalt  }
0x6c: {  	_ =	shalt  }
0x6d: {  	_ =	shalt  }
0x6e: {  	_ =	shalt  }
0x6f: {  	_ =	shalt  }
0x70: {  	_ =	shalt  }
0x71: {  	_ =	shalt  }
0x72: {  	_ =	shalt  }
0x73: {  	_ =	shalt  }
0x74: {  	_ =	shalt  }
0x75: {  	_ =	shalt  }
0x76: {  	_ =	shalt  }
0x77: {  	_ =	shalt  }
0x78: {  	_ =	shalt  }
0x79: {  	_ =	shalt  }
0x7a: {  	_ =	shalt  }
0x7b: {  	_ =	shalt  }
0x7c: {  	_ =	shalt  }
0x7d: {  	_ =	shalt  }
0x7e: {  	_ =	shalt  }
0x7f: {  	_ =	shalt  }
0x80: {  	_ =	shalt  }
0x81: {  	_ =	shalt  }
0x82: {  	_ =	shalt  }
0x83: {  	_ =	shalt  }
0x84: {  	_ =	shalt  }
0x85: {  	_ =	shalt  }
0x86: {  	_ =	shalt  }
0x87: {  	_ =	shalt  }
.Lfunc_end0:
.L_simem_size_0:
called_computation_lowered:
.L_overlay_start_0:
0x88: {  	s2 =	sld [smem:$0x3FD9]  }
0x89: {  	s3 =	sld [smem:$0x3FFE];
	_ =	sdelay $0x1  }
0x8a: {  	s1 =	srdreg.scid  }
0x8b: {  	s0 =	sand.u32 $0x1, s1  }
0x8c: {  	s14 =	sshll.u32 s0, $0xA;
	s2 =	sadd.s32 s3, s2  }
0x8d: {  	s2 =	sadd.s32 s2, s14  }
0x8e: {  	[smem:$0x3FBC] =	sst s2  }
0x8f: {  	_ = 	snop  }
0x90: {  	s2 =	sld [smem:$0x3FD0]  }
0x91: {  	s15 =	sld [smem:$0x3FC9]  }
0x92: {  	s4 =	sld [smem:$0x3FC8]  }
0x93: {  	s6 =	simm.s32 $0xA;
	s7 =	simm.s32 $0x10;
	s5 =	sld [smem:$0x3FC7]  }
0x94: {  	[smem:s7], [sflag:s6] =	dma.local [hbm:s2], $0x1  }
0x95: {  	_ =	swait.eq [sflag:s6], $0x1  }
0x96: {  	[sflag:s6] =	ssyncset.done $0x0  }
0x97: {  	[sflag:s6] =	ssyncadd.s32 $0xFFFFFFFF  }
0x98: {  	s16 =	sld [smem:$0x10];
	(tm) =	ssettm $0x1  }
0x99: {  	s17 =	sld [smem:$0x3FFB];
	_ =	sdelay $0x3  }
0x9a: {  	_ =	strace s17  }
0x9b: {  	s6 =	sld [smem:$0x3FFC];
	_ =	sdelay $0x3  }
0x9c: {  	_ =	strace s6  }
0x9d: {  	s6 =	sld [smem:$0x3FFD];
	_ =	sdelay $0x3  }
0x9e: {  	_ =	strace s6  }
0x9f: {  	_ =	strace $0x8FFFFFFF  }
0xa0: {  	s18 =	sld [smem:$0x3FDB];
	_ =	sdelay $0x1  }
0xa1: {  	s19 =	simm.s32 $_scs_section_size  }
0xa2: {  	s8 =	simm.s32 $_size__tile_overlayer_lowered;
	s9 =	simm.s32 $_tile_overlayer_lowered  }
0xa3: {  	s22 =	simm.s32 $0x1BFF;
	s21 =	sshll.u32 s9, $0x1;
	s6 =	sadd.s32 s19, s18  }
0xa4: {  	s10 =	simm.s32 $0x0;
	s20 =	sshll.u32 s8, $0x1;
	s8 =	sadd.s32 s21, s6  }
0xa5: {  	[timem:s10], [sflag:s22] =	dma.local [hbm:s8], s20  }
0xa6: {  	_ =	swait.ge [sflag:s22], s20  }
0xa7: {  	s7 =	ssub.s32 $0x0, s20;
	[sflag:s22] =	ssyncset.done $0x0  }
0xa8: {  	[sflag:s22] =	ssyncadd.s32 s7;
	_ =	sdelay $0x1  }
0xa9: {  	s23 =	simm.s32 $0x1B8B  }
0xaa: {  	_ =	swait.ge [sflag:s23], $0x1  }
0xab: {  	[sflag:s23] =	ssyncset.done $0x0  }
0xac: {  	s25 =	simm.s32 $0x1B8E;
	s24 =	sld [smem:$0x3FFE];
	[sflag:s23] =	ssyncadd.s32 $0xFFFFFFFF  }
0xad: {  	s26 =	simm.s32 $execute0_lowered;
	[smem:$0x3FD2] =	sst s25  }
0xae: {  	s8 =	sshll.u32 s26, $0x1;
	_ =	strace $0x80000046;
	[dreg:$0x1] =	wrdreg $0xFFFFFFFF  }
0xaf: {  	s28 =	simm.s32 $_size_execute0_lowered;
	s6 =	sadd.s32 s6, s8;
	[dreg:$0x0] =	wrdreg $0x0  }
0xb0: {  	s8 =	sshll.u32 s28, $0x1;
	[dreg:$0x2] =	wrdreg s6  }
0xb1: {  	[dreg:$0x3] =	wrdreg s8  }
0xb2: {  	[dreg:$0x4] =	wrdreg $0xC0  }
0xb3: {  	_ =	task [dreg:s10], $0x5FFFF  }
0xb4: {  	[dreg:$0x1] =	wrdreg $0xFFFFFFFF  }
0xb5: {  	[dreg:$0x0] =	wrdreg $0x60  }
0xb6: {  	[dreg:$0x2] =	wrdreg s4  }
0xb7: {  	[dreg:$0x3] =	wrdreg s5  }
0xb8: {  	[dreg:$0x4] =	wrdreg s15  }
0xb9: {  	[dreg:$0x5] =	wrdreg s24  }
0xba: {  	[dreg:$0x6] =	wrdreg s16  }
0xbb: {  	[dreg:$0x7] =	wrdreg $0x163800  }
0xbc: {  	[dreg:$0x8] =	wrdreg $0x1E3800  }
0xbd: {  	[dreg:$0x9] =	wrdreg $0x1E5800  }
0xbe: {  	[dreg:$0xa] =	wrdreg $0x1E9880  }
0xbf: {  	[dreg:$0xb] =	wrdreg $0x9  }
0xc0: {  	_ =	task.clear_ibuf [dreg:s10], $0xCFFFF;
	_ =	strace $0x90000046  }
0xc1: {  	s29 =	simm.s32 $0x9;
	_ =	strace $0x80000048  }
0xc2: {  	_ =	swait.ge [sflag:s29], $0x1  }
0xc3: {  	[sflag:s29] =	ssyncadd.s32 $0xFFFFFFFF  }
0xc4: {  	_ =	strace $0x90000048  }
0xc5: {  	_ =	sfence  }
0xc6: {  	s30 =	sld [smem:$0x0];
	_ =	sdelay $0x2  }
0xc7: {  	s31 =	sshll.u32 s1, $0xD;
	s1 =	sshrl.u32 s1, $0x2  }
0xc8: {  	s3 =	sand.u32 $0x4000, s31;
	s1 =	sadd.s32 s1, s30  }
0xc9: {  	s0 =	sor.u32 s3, s0;
	s1 =	sshll.u32 s1, $0x11  }
0xca: {  	s0 =	sor.u32 s1, s0  }
0xcb: {  	s0 =	sadd.s32 $0x8F2B, s0  }
0xcc: {  	[sflag:s0] =	ssyncadd.remote.s32 $0x1  }
0xcd: {  	_ =	sfence.sel $0xFFFF  }
0xce: {  	[dreg:$0x0] =	wrdreg $0xFFFFFFFF;
	(pc) =	sbr.abs _section_cstart, $3  }
0xcf: {  	[dreg:$0x1] =	wrdreg $0xFFFFFFFF  }
0xd0: {  	_ =	task.clear_ibuf [dreg:s10], $0x2FFFF;
	_ =	strace $0x9FFFFFFF  }
0xd1: {  	(tm) =	ssettm $0x7FFFFFFF  }
tec
execute0_lowered:
.L_overlay_start_1:
0x0: {  	(tag) =	ssettag $0x1  }
0x1: {  	s13 =	rddreg [dreg:$0x0]  }
0x2: {  	s0 =	rddreg [dreg:$0x2]  }
0x3: {  	s5 =	rddreg [dreg:$0x3]  }
0x4: {  	s1 =	rddreg [dreg:$0x4]  }
0x5: {  	s14 =	rddreg [dreg:$0x5]  }
0x6: {  	s15 =	rddreg [dreg:$0x6]  }
0x7: {  	s16 =	rddreg [dreg:$0x7]  }
0x8: {  	s2 =	rddreg [dreg:$0x8]  }
0x9: {  	s23 =	srdreg.scid;
	s3 =	stileid.u32;
	s28 =	simm.s32 $0x0  }
0xa: {  	[dreg:$0xb] =	wrdreg s0;
	s6 =	sand.u32 $0x1, s23;
	s17 =	sshrl.u32 s3, $0x1  }
0xb: {  	s0 =	sand.u32 $0x1, s3;
	s3 =	simm.s32 $0x0;
	s4 =	sshll.u32 s6, $0x3  }
0xc: {  	[smem:$0x7FF] =	sst s3;
	s8 =	smul.u32 $0x7D00, s0;
	s6 =	ssub.s32 $0x2, s6  }
0xd: {  	v0 =	vlaneseq.u32;
	s23 =	smul.u32 $0x2040, s17;
	p0 =	seq.s32 s0, $0x0;
	s18 =	sor.u32 s17, s4  }
0xe: {  	v1 =	vmul.u32 $0x80, v0;
	s4 =	smul.u32 $0x3E80, s0;
	_ =	strace $0x80000047;
	s24 =	sshrl.u32 s6, $0x1  }
0xf: {  	v4 =	vmul.u32 $0x2, v0;
	s12 =	smul.u32 $0xFA00, s18;
	s7 =	sshll.u32 s18, $0xD;
	s21 =	ssub.s32 s6, s24  }
0x10: {  	v3 =	vimm.s32 $0xFFFFFFFF;
	v5 =	vor.u32 $0x800, v1;
	s24 =	sshll.u32 s17, $0xA;
	s19 =	sadd.s32 s7, s5;
	s5 =	sadd.s32 $0xC80, s4  }
0x11: {  	v6 =	vor.u32 $0x1000, v1;
	v7 =	vor.u32 $0x1800, v1;
	v8 =	vor.u32 $0x1, v4;
	s7 =	sadd.s32 $0x1900, s4;
	s15 =	sadd.s32 s24, s15;
	s21 =	smax.u32 s21, $0x1  }
0x12: {  	v9 =	vor.u32 $0x20, v4;
	v10 =	vor.u32 $0x21, v4;
	v11 =	vor.u32 $0x40, v4;
	s24 =	simm.s32 $0x1900;
	s8 =	sadd.s32 s8, s12;
	s9 =	sshll.u32 s5, $0x1  }
0x13: {  	v12 =	vor.u32 $0x41, v4;
	v13 =	vor.u32 $0x60, v4;
	v14 =	vor.u32 $0x61, v4;
	s10 =	sshll.u32 s7, $0x1;
	s25 =	sshrl.u32 s8, $0x3;
	s26 =	sadd.s32 s12, s9  }
0x14: {  	v15 =	vor.u32 $0x80, v4;
	v16 =	vor.u32 $0x81, v4;
	v17 =	vor.u32 $0xA0, v4;
	s9 =	sadd.s32 $0x2580, s4;
	s11 =	sadd.s32 s12, s10;
	s10 =	sadd.s32 $0x3200, s4  }
0x15: {  	v18 =	vor.u32 $0xA1, v4;
	v19 =	vor.u32 $0xC0, v4;
	v20 =	vor.u32 $0xC1, v4;
	s8 =	sshll.u32 s17, $0x10;
	s6 =	sadd.s32 s13, s25;
	s29 =	sshrl.u32 s26, $0x3  }
0x16: {  	v21 =	vor.u32 $0xE0, v4;
	v22 =	vor.u32 $0xE1, v4;
	v23 =	vor.u32 $0x100, v4;
	s20 =	sshll.u32 s9, $0x1;
	s11 =	sshrl.u32 s11, $0x3;
	s22 =	sshll.u32 s10, $0x1  }
0x17: {  	v24 =	vor.u32 $0x101, v4;
	v25 =	vor.u32 $0x120, v4;
	v26 =	vor.u32 $0x121, v4;
	s14 =	sadd.s32 s8, s14;
	s25 =	sshrl.u32 s23, $0x2;
	s26 =	sshll.u32 s17, $0x4  }
0x18: {  	v27 =	vor.u32 $0x140, v4;
	v28 =	vor.u32 $0x141, v4;
	v29 =	vor.u32 $0x160, v4;
	s23 =	simm.s32 $0x1;
	[dreg:$0xe] =	wrdreg s6;
	s30 =	sadd.s32 s13, s29  }
0x19: {  	v30 =	vor.u32 $0x161, v4;
	v31 =	vor.u32 $0x180, v4;
	v32 =	vor.u32 $0x181, v4;
	s20 =	sadd.s32 s12, s20;
	s11 =	sadd.s32 s13, s11;
	s22 =	sadd.s32 s12, s22  }
0x1a: {  	v33 =	vor.u32 $0x1A0, v4;
	v34 =	vor.u32 $0x1A1, v4;
	v2 =	vmov s18;
	s6 =	smul.u32 $0x1F4000, s18;
	s18 =	sshll.u32 s18, $0x6;
	s16 =	sadd.s32 s25, s16  }
0x1b: {  	v35 =	vor.u32 $0x1C0, v4;
	v36 =	vor.u32 $0x1C1, v4;
	v37 =	vor.u32 $0x1E0, v4;
	s29 =	sadd.s32 $0x1600, s19;
	s25 =	simm.s32 $0x400;
	[dreg:$0xf] =	wrdreg s30  }
0x1c: {  	v38 =	vor.u32 $0x1E1, v4;
	v39 =	vor.u32 $0x200, v4;
	v40 =	vor.u32 $0x201, v4;
	s20 =	sshrl.u32 s20, $0x3;
	s31 =	sshrl.u32 s22, $0x3;
	[dreg:$0x11] =	wrdreg s29  }
.Ltmp0:
0x1d: {  	v41 =	vor.u32 $0x220, v4;
	v42 =	vor.u32 $0x221, v4;
	v43 =	vor.u32 $0x240, v4;
	s1 =	sadd.s32 s1, s18;
	[dreg:$0xa] =	wrdreg s6;
	(pc) =	sbr.rel .LBB2_1-.Ltmp0, $4  }
0x1e: {  	v44 =	vor.u32 $0x241, v4;
	v45 =	vor.u32 $0x260, v4;
	v46 =	vor.u32 $0x261, v4;
	s18 =	sadd.s32 s26, s2;
	s30 =	simm.s32 $0x3E800;
	[dreg:$0x10] =	wrdreg s1  }
0x1f: {  	v47 =	vor.u32 $0x280, v4;
	v48 =	vor.u32 $0x281, v4;
	v49 =	vor.u32 $0x2A0, v4;
	s12 =	sadd.s32 s13, s20;
	s1 =	sadd.s32 $0x400, s1;
	[dreg:$0xc] =	wrdreg s30  }
0x20: {  	v50 =	vor.u32 $0x2A1, v4;
	v51 =	vor.u32 $0x2C0, v4;
	v52 =	vor.u32 $0x2C1, v4;
	s13 =	sadd.s32 s13, s31;
	s31 =	simm.s32 $0x15F80;
	[dreg:$0x12] =	wrdreg s1  }
0x21: {  	v53 =	vor.u32 $0x2E0, v4;
	v54 =	vor.u32 $0x2E1, v4;
	v55 =	vor.u32 $0x300, v4;
	s22 =	simm.s32 $0x15200;
	s26 =	simm.s32 $0x3200;
	[dreg:$0xd] =	wrdreg s31  }
.LBB2_18:
0x22: {  	v56 =	vmov s31  }
0x23: {  	s0 =	simm.s32 $0x5200;
	[tilespmem:$0x15F00] =	vst v56  }
0x24: {  	[spmem:s14] =	stream.linear.scatter [tilespmem:s0], [sflag:$0x1], $0x10000, $0x38;
	[tilespmem:$0x1E990] =	vst v63  }
0x25: {  	_ =	swait.ge [sflag:s23], $0x10000  }
0x26: {  	[sflag:s23] =	ssyncset.done $0x0  }
0x27: {  	[sflag:s23] =	ssyncadd.s32 $0xFFFF0000  }
0x28: {  	[spmem:s15] =	stream.linear.scatter [tilespmem:s24], [sflag:$0x1], $0x400, $0x38;
	[tilespmem:$0x1E990] =	vst v63  }
0x29: {  	_ =	swait.ge [sflag:s23], $0x400  }
0x2a: {  	[sflag:s23] =	ssyncset.done $0x0  }
0x2b: {  	s30 =	simm.s32 $0x2980;
	[sflag:s23] =	ssyncadd.s32 $0xFFFFFC00  }
0x2c: {  	[spmem:s16] =	stream.linear.scatter [tilespmem:s30], [sflag:$0x1], $0x810, $0x38;
	[tilespmem:$0x1E990] =	vst v63  }
0x2d: {  	_ =	swait.ge [sflag:s23], $0x810  }
0x2e: {  	[sflag:s23] =	ssyncset.done $0x0  }
0x2f: {  	s31 =	simm.s32 $0x15F00;
	[sflag:s23] =	ssyncadd.s32 $0xFFFFF7F0  }
0x30: {  	[spmem:s18] =	stream.linear.scatter [tilespmem:s31], [sflag:$0x1], $0x10, $0x38;
	[tilespmem:$0x1E990] =	vst v63  }
0x31: {  	_ =	swait.ge [sflag:s23], $0x10  }
0x32: {  	[sflag:s23] =	ssyncset.done $0x0  }
0x33: {  	[sflag:s23] =	ssyncadd.s32 $0xFFFFFFF0  }
0x34: {  	[bflag:$0x0] =	sbarrier.arrive $0xFFFF  }
.LBB2_26:
0x35: {  	s28 =	sadd.s32 $0x1, s28  }
0x36: {  	p1 =	sne.s32 s28, s21  }
.Ltmp1:
0x37: {  	_ = 	snop;
	(pc) =	sbr.rel @!p1 .LBB2_27-.Ltmp1, $1  }
0x38: {  	_ =	sdelay $0x3  }
.LBB2_1:
0x39: {  	s0 =	rddreg [dreg:$0x1]  }
0x3a: {  	[tilespmem:s22], [sflag:$0x1] =	stream.linear.gather [hbm4b:s0+s3], $0x80, $0x38;
	[tilespmem:$0x1E990] =	vst v63  }
0x3b: {  	_ =	swait.ge [sflag:s23], $0x80  }
0x3c: {  	[sflag:s23] =	ssyncset.done $0x0  }
0x3d: {  	[sflag:s23] =	ssyncadd.s32 $0xFFFFFF80  }
0x3e: {  	s1 =	simm.s32 $0x0;
	s0 =	simm.s32 $0x40;
	v56 =	vld.idx.msk [tilespmem:v2+s22+$0x0], $0xffff  }
.LBB2_2:
0x3f: {  	p1 =	sne.s32 s0, $0xFC0;
	[tilespmem:s1+$0x1900] =	vst v3;
	s1 =	smov.u32 s0;
	s0 =	sadd.s32 $0x40, s0  }
.Ltmp2:
0x40: {  	(pc) =	sbr.rel @p1 .LBB2_2-.Ltmp2, $2  }
0x41: {  	_ =	sdelay $0x2  }
0x42: {  	s1 =	sshra.s32 s1, $0x2  }
0x43: {  	[tilespmem:s1+$0x1900] =	vst v3;
	s0 =	simm.s32 $0x0;
	s19 =	rddreg [dreg:$0xe]  }
0x44: {  	[tilespmem:s0], [sflag:$0x1] =	stream.linear.gather [hbm4b:s19+s0], $0x1900, $0x38;
	[tilespmem:$0x1E990] =	vst v63  }
0x45: {  	_ =	swait.ge [sflag:s23], $0x1900  }
0x46: {  	s20 =	sand.u32 $0x70, s0;
	s2 =	sand.u32 $0x1F00, s0;
	[sflag:s23] =	ssyncset.done $0x0  }
0x47: {  	s1 =	sor.u32 s20, s2;
	[sflag:s23] =	ssyncadd.s32 $0xFFFFE700  }
0x48: {  	v57 =	vld [tilespmem:s1+$0x0];
	_ =	sdelay $0x2  }
0x49: {  	v58 =	vld [tilespmem:s1+$0x80];
	_ =	sdelay $0x1  }
0x4a: {  	vm0 =	veq.s32 v57, v56  }
0x4b: {  	v63 =	vmpcnt.ones.xlane vm0;
	_ =	sdelay $0x1  }
0x4c: {  	(v2sf) =	vpush v63, $0x0  }
0x4d: {  	s30 =	sadd.s32 $0x0, s4  }
0x4e: {  	p1 =	por $0x1, $0x1;
	s29 =	simm.s32 $0x0;
	v62 =	vor.u32 s30, v0  }
0x4f: {  	s29 =	simm.s32 @!p1 $0x800;
	s2 =	simm.s32 $0x20;
	s1 =	simm.s32 $0x10;
	[tilespmem:v58+s24+$0x0] =	vst.idx.msk vm0, v62  }
0x50: {  	s30 =	sand.u32 $0x1F00, s2;
	s31 =	sand.u32 $0x70, s1;
	[tilespmem:s29+$0x2100] =	vst.msk vm0, v62  }
0x51: {  	s31 =	sor.u32 s31, s30;
	[tilespmem:s29+$0x2980] =	vst.msk vm0, v58  }
0x52: {  	s29 =	simm.s32 $0x20;
	v57 =	vld [tilespmem:s31+$0x80]  }
.LBB2_4:
0x53: {  	p1 =	sne.s32 s29, $0xC70  }
0x54: {  	v58 =	vld [tilespmem:s31+$0x0];
	_ =	sdelay $0x4  }
0x55: {  	vm0 =	veq.s32 v58, v56  }
0x56: {  	v58 =	vmpcnt.ones.xlane vm0  }
0x57: {  	s30 =	spop (v2sf)  }
0x58: {  	(v2sf) =	vpush v58, $0x0;
	s0 =	sadd.s32 s0, s30;
	s30 =	sadd.s32 s1, s4  }
0x59: {  	s1 =	smov.u32 s29;
	p2 =	slt.s32 s0, $0x800;
	v58 =	vor.u32 s30, v0;
	s30 =	smov.u32 s0  }
.Ltmp3:
0x5a: {  	s30 =	simm.s32 @!p2 $0x800;
	(pc) =	sbr.rel @p1 .LBB2_4-.Ltmp3, $4  }
0x5b: {  	s2 =	sadd.s32 $0x20, s2;
	[tilespmem:v57+s24+$0x0] =	vst.idx.msk vm0, v58  }
0x5c: {  	s31 =	sand.u32 $0x70, s29;
	s19 =	sand.u32 $0x1F00, s2;
	[tilespmem:s30+$0x2100] =	vst.msk vm0, v58  }
0x5d: {  	s31 =	sor.u32 s31, s19;
	[tilespmem:s30+$0x2980] =	vst.msk vm0, v57  }
0x5e: {  	s29 =	sadd.s32 $0x10, s29;
	v57 =	vld [tilespmem:s31+$0x80]  }
0x5f: {  	v58 =	vld [tilespmem:s31+$0x0];
	_ =	sdelay $0x4  }
0x60: {  	vm0 =	veq.s32 v58, v56  }
0x61: {  	v58 =	vmpcnt.ones.xlane vm0;
	_ =	sdelay $0x1  }
0x62: {  	(v2sf) =	vpush v58, $0x0;
	_ =	sdelay $0x7  }
0x63: {  	s2 =	spop (v2sf)  }
0x64: {  	s1 =	sadd.s32 s1, s4;
	s0 =	sadd.s32 s0, s2  }
0x65: {  	v63 =	vor.u32 s1, v0;
	p1 =	slt.s32 s0, $0x800;
	s1 =	smov.u32 s0  }
0x66: {  	s1 =	simm.s32 @!p1 $0x800;
	[tilespmem:v57+s24+$0x0] =	vst.idx.msk vm0, v63  }
0x67: {  	[tilespmem:s1+$0x2100] =	vst.msk vm0, v63  }
0x68: {  	s20 =	simm.s32 $0x0;
	s6 =	rddreg [dreg:$0xf];
	[tilespmem:s1+$0x2980] =	vst.msk vm0, v57  }
0x69: {  	[tilespmem:s20], [sflag:$0x1] =	stream.linear.gather [hbm4b:s6+s20], $0x1900, $0x38;
	[tilespmem:$0x1E990] =	vst v63  }
0x6a: {  	s17 =	spop (v2sf)  }
0x6b: {  	_ =	swait.ge [sflag:s23], $0x1900  }
0x6c: {  	s19 =	sand.u32 $0x70, s20;
	s2 =	sand.u32 $0x1F00, s20;
	[sflag:s23] =	ssyncset.done $0x0  }
0x6d: {  	s2 =	sor.u32 s19, s2;
	[sflag:s23] =	ssyncadd.s32 $0xFFFFE700  }
0x6e: {  	v60 =	vld [tilespmem:s2+$0x0];
	_ =	sdelay $0x2  }
0x6f: {  	v61 =	vld [tilespmem:s2+$0x80];
	_ =	sdelay $0x1  }
0x70: {  	vm15 =	veq.s32 v60, v56  }
0x71: {  	v63 =	vmpcnt.ones.xlane vm15;
	_ =	sdelay $0x1  }
0x72: {  	(v2sf) =	vpush v63, $0x0  }
0x73: {  	s30 =	sadd.s32 $0x0, s5;
	s0 =	sadd.s32 s0, s17  }
0x74: {  	v62 =	vor.u32 s30, v0;
	p1 =	slt.s32 s0, $0x800;
	s19 =	smov.u32 s0  }
0x75: {  	s1 =	simm.s32 $0x10;
	s19 =	simm.s32 @!p1 $0x800;
	s2 =	simm.s32 $0x20;
	[tilespmem:v61+s24+$0x0] =	vst.idx.msk vm15, v62  }
0x76: {  	s29 =	sand.u32 $0x70, s1;
	s30 =	sand.u32 $0x1F00, s2;
	[tilespmem:s19+$0x2100] =	vst.msk vm15, v62  }
0x77: {  	s31 =	sor.u32 s29, s30;
	[tilespmem:s19+$0x2980] =	vst.msk vm15, v61  }
0x78: {  	s29 =	simm.s32 $0x20;
	v57 =	vld [tilespmem:s31+$0x80]  }
.LBB2_6:
0x79: {  	p1 =	sne.s32 s29, $0xC70  }
0x7a: {  	v58 =	vld [tilespmem:s31+$0x0];
	_ =	sdelay $0x4  }
0x7b: {  	vm0 =	veq.s32 v58, v56  }
0x7c: {  	v58 =	vmpcnt.ones.xlane vm0  }
0x7d: {  	s19 =	spop (v2sf)  }
0x7e: {  	(v2sf) =	vpush v58, $0x0;
	s0 =	sadd.s32 s0, s19;
	s19 =	sadd.s32 s1, s5  }
0x7f: {  	s1 =	smov.u32 s29;
	p2 =	slt.s32 s0, $0x800;
	v58 =	vor.u32 s19, v0;
	s19 =	smov.u32 s0  }
.Ltmp4:
0x80: {  	s19 =	simm.s32 @!p2 $0x800;
	(pc) =	sbr.rel @p1 .LBB2_6-.Ltmp4, $4  }
0x81: {  	s2 =	sadd.s32 $0x20, s2;
	[tilespmem:v57+s24+$0x0] =	vst.idx.msk vm0, v58  }
0x82: {  	s30 =	sand.u32 $0x70, s29;
	s31 =	sand.u32 $0x1F00, s2;
	[tilespmem:s19+$0x2100] =	vst.msk vm0, v58  }
0x83: {  	s31 =	sor.u32 s30, s31;
	[tilespmem:s19+$0x2980] =	vst.msk vm0, v57  }
0x84: {  	s29 =	sadd.s32 $0x10, s29;
	v57 =	vld [tilespmem:s31+$0x80]  }
0x85: {  	v58 =	vld [tilespmem:s31+$0x0];
	_ =	sdelay $0x4  }
0x86: {  	vm0 =	veq.s32 v58, v56  }
0x87: {  	v58 =	vmpcnt.ones.xlane vm0;
	_ =	sdelay $0x1  }
0x88: {  	(v2sf) =	vpush v58, $0x0;
	_ =	sdelay $0x7  }
0x89: {  	s2 =	spop (v2sf)  }
0x8a: {  	s1 =	sadd.s32 s1, s5;
	s0 =	sadd.s32 s0, s2  }
0x8b: {  	v63 =	vor.u32 s1, v0;
	p1 =	slt.s32 s0, $0x800;
	s1 =	smov.u32 s0  }
0x8c: {  	s1 =	simm.s32 @!p1 $0x800;
	[tilespmem:v57+s24+$0x0] =	vst.idx.msk vm0, v63  }
0x8d: {  	[tilespmem:s1+$0x2100] =	vst.msk vm0, v63  }
0x8e: {  	s20 =	simm.s32 $0x0;
	[tilespmem:s1+$0x2980] =	vst.msk vm0, v57  }
0x8f: {  	[tilespmem:s20], [sflag:$0x1] =	stream.linear.gather [hbm4b:s11+s20], $0x1900, $0x38;
	[tilespmem:$0x1E990] =	vst v63  }
0x90: {  	s17 =	spop (v2sf)  }
0x91: {  	_ =	swait.ge [sflag:s23], $0x1900  }
0x92: {  	s19 =	sand.u32 $0x70, s20;
	s2 =	sand.u32 $0x1F00, s20;
	[sflag:s23] =	ssyncset.done $0x0  }
0x93: {  	s2 =	sor.u32 s19, s2;
	[sflag:s23] =	ssyncadd.s32 $0xFFFFE700  }
0x94: {  	v60 =	vld [tilespmem:s2+$0x0];
	_ =	sdelay $0x2  }
0x95: {  	v61 =	vld [tilespmem:s2+$0x80];
	_ =	sdelay $0x1  }
0x96: {  	vm15 =	veq.s32 v60, v56  }
0x97: {  	v63 =	vmpcnt.ones.xlane vm15;
	_ =	sdelay $0x1  }
0x98: {  	(v2sf) =	vpush v63, $0x0  }
0x99: {  	s30 =	sadd.s32 $0x0, s7;
	s0 =	sadd.s32 s0, s17  }
0x9a: {  	v62 =	vor.u32 s30, v0;
	p1 =	slt.s32 s0, $0x800;
	s19 =	smov.u32 s0  }
0x9b: {  	s1 =	simm.s32 $0x10;
	s19 =	simm.s32 @!p1 $0x800;
	s2 =	simm.s32 $0x20;
	[tilespmem:v61+s24+$0x0] =	vst.idx.msk vm15, v62  }
0x9c: {  	s29 =	sand.u32 $0x70, s1;
	s30 =	sand.u32 $0x1F00, s2;
	[tilespmem:s19+$0x2100] =	vst.msk vm15, v62  }
0x9d: {  	s31 =	sor.u32 s29, s30;
	[tilespmem:s19+$0x2980] =	vst.msk vm15, v61  }
0x9e: {  	s29 =	simm.s32 $0x20;
	v57 =	vld [tilespmem:s31+$0x80]  }
.LBB2_8:
0x9f: {  	p1 =	sne.s32 s29, $0xC70  }
0xa0: {  	v58 =	vld [tilespmem:s31+$0x0];
	_ =	sdelay $0x4  }
0xa1: {  	vm0 =	veq.s32 v58, v56  }
0xa2: {  	v58 =	vmpcnt.ones.xlane vm0  }
0xa3: {  	s19 =	spop (v2sf)  }
0xa4: {  	(v2sf) =	vpush v58, $0x0;
	s0 =	sadd.s32 s0, s19;
	s19 =	sadd.s32 s1, s7  }
0xa5: {  	s1 =	smov.u32 s29;
	p2 =	slt.s32 s0, $0x800;
	v58 =	vor.u32 s19, v0;
	s19 =	smov.u32 s0  }
.Ltmp5:
0xa6: {  	s19 =	simm.s32 @!p2 $0x800;
	(pc) =	sbr.rel @p1 .LBB2_8-.Ltmp5, $4  }
0xa7: {  	s2 =	sadd.s32 $0x20, s2;
	[tilespmem:v57+s24+$0x0] =	vst.idx.msk vm0, v58  }
0xa8: {  	s30 =	sand.u32 $0x70, s29;
	s31 =	sand.u32 $0x1F00, s2;
	[tilespmem:s19+$0x2100] =	vst.msk vm0, v58  }
0xa9: {  	s31 =	sor.u32 s30, s31;
	[tilespmem:s19+$0x2980] =	vst.msk vm0, v57  }
0xaa: {  	s29 =	sadd.s32 $0x10, s29;
	v57 =	vld [tilespmem:s31+$0x80]  }
0xab: {  	v58 =	vld [tilespmem:s31+$0x0];
	_ =	sdelay $0x4  }
0xac: {  	vm0 =	veq.s32 v58, v56  }
0xad: {  	v58 =	vmpcnt.ones.xlane vm0;
	_ =	sdelay $0x1  }
0xae: {  	(v2sf) =	vpush v58, $0x0;
	_ =	sdelay $0x7  }
0xaf: {  	s2 =	spop (v2sf)  }
0xb0: {  	s1 =	sadd.s32 s1, s7;
	s0 =	sadd.s32 s0, s2  }
0xb1: {  	v63 =	vor.u32 s1, v0;
	p1 =	slt.s32 s0, $0x800;
	s1 =	smov.u32 s0  }
0xb2: {  	s1 =	simm.s32 @!p1 $0x800;
	[tilespmem:v57+s24+$0x0] =	vst.idx.msk vm0, v63  }
0xb3: {  	[tilespmem:s1+$0x2100] =	vst.msk vm0, v63  }
0xb4: {  	s20 =	simm.s32 $0x0;
	[tilespmem:s1+$0x2980] =	vst.msk vm0, v57  }
0xb5: {  	[tilespmem:s20], [sflag:$0x1] =	stream.linear.gather [hbm4b:s12+s20], $0x1900, $0x38;
	[tilespmem:$0x1E990] =	vst v63  }
0xb6: {  	s17 =	spop (v2sf)  }
0xb7: {  	_ =	swait.ge [sflag:s23], $0x1900  }
0xb8: {  	s19 =	sand.u32 $0x70, s20;
	s2 =	sand.u32 $0x1F00, s20;
	[sflag:s23] =	ssyncset.done $0x0  }
0xb9: {  	s2 =	sor.u32 s19, s2;
	[sflag:s23] =	ssyncadd.s32 $0xFFFFE700  }
0xba: {  	v60 =	vld [tilespmem:s2+$0x0];
	_ =	sdelay $0x2  }
0xbb: {  	v61 =	vld [tilespmem:s2+$0x80];
	_ =	sdelay $0x1  }
0xbc: {  	vm15 =	veq.s32 v60, v56  }
0xbd: {  	v63 =	vmpcnt.ones.xlane vm15;
	_ =	sdelay $0x1  }
0xbe: {  	(v2sf) =	vpush v63, $0x0  }
0xbf: {  	s30 =	sadd.s32 $0x0, s9;
	s0 =	sadd.s32 s0, s17  }
0xc0: {  	v62 =	vor.u32 s30, v0;
	p1 =	slt.s32 s0, $0x800;
	s19 =	smov.u32 s0  }
0xc1: {  	s1 =	simm.s32 $0x10;
	s19 =	simm.s32 @!p1 $0x800;
	s2 =	simm.s32 $0x20;
	[tilespmem:v61+s24+$0x0] =	vst.idx.msk vm15, v62  }
0xc2: {  	s29 =	sand.u32 $0x70, s1;
	s30 =	sand.u32 $0x1F00, s2;
	[tilespmem:s19+$0x2100] =	vst.msk vm15, v62  }
0xc3: {  	s31 =	sor.u32 s29, s30;
	[tilespmem:s19+$0x2980] =	vst.msk vm15, v61  }
0xc4: {  	s29 =	simm.s32 $0x20;
	v57 =	vld [tilespmem:s31+$0x80]  }
.LBB2_10:
0xc5: {  	p1 =	sne.s32 s29, $0xC70  }
0xc6: {  	v58 =	vld [tilespmem:s31+$0x0];
	_ =	sdelay $0x4  }
0xc7: {  	vm0 =	veq.s32 v58, v56  }
0xc8: {  	v58 =	vmpcnt.ones.xlane vm0  }
0xc9: {  	s19 =	spop (v2sf)  }
0xca: {  	(v2sf) =	vpush v58, $0x0;
	s0 =	sadd.s32 s0, s19;
	s19 =	sadd.s32 s1, s9  }
0xcb: {  	s1 =	smov.u32 s29;
	p2 =	slt.s32 s0, $0x800;
	v58 =	vor.u32 s19, v0;
	s19 =	smov.u32 s0  }
.Ltmp6:
0xcc: {  	s19 =	simm.s32 @!p2 $0x800;
	(pc) =	sbr.rel @p1 .LBB2_10-.Ltmp6, $4  }
0xcd: {  	s2 =	sadd.s32 $0x20, s2;
	[tilespmem:v57+s24+$0x0] =	vst.idx.msk vm0, v58  }
0xce: {  	s30 =	sand.u32 $0x70, s29;
	s31 =	sand.u32 $0x1F00, s2;
	[tilespmem:s19+$0x2100] =	vst.msk vm0, v58  }
0xcf: {  	s31 =	sor.u32 s30, s31;
	[tilespmem:s19+$0x2980] =	vst.msk vm0, v57  }
0xd0: {  	s29 =	sadd.s32 $0x10, s29;
	v57 =	vld [tilespmem:s31+$0x80]  }
0xd1: {  	v58 =	vld [tilespmem:s31+$0x0];
	_ =	sdelay $0x4  }
0xd2: {  	vm0 =	veq.s32 v58, v56  }
0xd3: {  	v58 =	vmpcnt.ones.xlane vm0;
	_ =	sdelay $0x1  }
0xd4: {  	(v2sf) =	vpush v58, $0x0;
	_ =	sdelay $0x7  }
0xd5: {  	s2 =	spop (v2sf)  }
0xd6: {  	s1 =	sadd.s32 s1, s9;
	s0 =	sadd.s32 s0, s2  }
0xd7: {  	v63 =	vor.u32 s1, v0;
	p1 =	slt.s32 s0, $0x800;
	s1 =	smov.u32 s0  }
0xd8: {  	s1 =	simm.s32 @!p1 $0x800;
	[tilespmem:v57+s24+$0x0] =	vst.idx.msk vm0, v63  }
0xd9: {  	[tilespmem:s1+$0x2100] =	vst.msk vm0, v63  }
0xda: {  	s20 =	simm.s32 $0x0;
	[tilespmem:s1+$0x2980] =	vst.msk vm0, v57  }
0xdb: {  	[tilespmem:s20], [sflag:$0x1] =	stream.linear.gather [hbm4b:s13+s20], $0x1900, $0x38;
	[tilespmem:$0x1E990] =	vst v63  }
0xdc: {  	s17 =	spop (v2sf)  }
0xdd: {  	_ =	swait.ge [sflag:s23], $0x1900  }
0xde: {  	s19 =	sand.u32 $0x70, s20;
	s2 =	sand.u32 $0x1F00, s20;
	[sflag:s23] =	ssyncset.done $0x0  }
0xdf: {  	s2 =	sor.u32 s19, s2;
	[sflag:s23] =	ssyncadd.s32 $0xFFFFE700  }
0xe0: {  	v60 =	vld [tilespmem:s2+$0x0];
	_ =	sdelay $0x2  }
0xe1: {  	v61 =	vld [tilespmem:s2+$0x80];
	_ =	sdelay $0x1  }
0xe2: {  	vm15 =	veq.s32 v60, v56  }
0xe3: {  	v63 =	vmpcnt.ones.xlane vm15;
	_ =	sdelay $0x1  }
0xe4: {  	(v2sf) =	vpush v63, $0x0  }
0xe5: {  	s30 =	sadd.s32 $0x0, s10;
	s0 =	sadd.s32 s0, s17  }
0xe6: {  	v62 =	vor.u32 s30, v0;
	p1 =	slt.s32 s0, $0x800;
	s19 =	smov.u32 s0  }
0xe7: {  	s1 =	simm.s32 $0x10;
	s19 =	simm.s32 @!p1 $0x800;
	s2 =	simm.s32 $0x20;
	[tilespmem:v61+s24+$0x0] =	vst.idx.msk vm15, v62  }
0xe8: {  	s29 =	sand.u32 $0x70, s1;
	s30 =	sand.u32 $0x1F00, s2;
	[tilespmem:s19+$0x2100] =	vst.msk vm15, v62  }
0xe9: {  	s31 =	sor.u32 s29, s30;
	[tilespmem:s19+$0x2980] =	vst.msk vm15, v61  }
0xea: {  	s29 =	simm.s32 $0x20;
	v57 =	vld [tilespmem:s31+$0x80]  }
.LBB2_12:
0xeb: {  	p1 =	sne.s32 s29, $0xC70  }
0xec: {  	v58 =	vld [tilespmem:s31+$0x0];
	_ =	sdelay $0x4  }
0xed: {  	vm0 =	veq.s32 v58, v56  }
0xee: {  	v58 =	vmpcnt.ones.xlane vm0  }
0xef: {  	s19 =	spop (v2sf)  }
0xf0: {  	(v2sf) =	vpush v58, $0x0;
	s0 =	sadd.s32 s0, s19;
	s19 =	sadd.s32 s1, s10  }
0xf1: {  	s1 =	smov.u32 s29;
	p2 =	slt.s32 s0, $0x800;
	v58 =	vor.u32 s19, v0;
	s19 =	smov.u32 s0  }
.Ltmp7:
0xf2: {  	s19 =	simm.s32 @!p2 $0x800;
	(pc) =	sbr.rel @p1 .LBB2_12-.Ltmp7, $4  }
0xf3: {  	s2 =	sadd.s32 $0x20, s2;
	[tilespmem:v57+s24+$0x0] =	vst.idx.msk vm0, v58  }
0xf4: {  	s30 =	sand.u32 $0x70, s29;
	s31 =	sand.u32 $0x1F00, s2;
	[tilespmem:s19+$0x2100] =	vst.msk vm0, v58  }
0xf5: {  	s31 =	sor.u32 s30, s31;
	[tilespmem:s19+$0x2980] =	vst.msk vm0, v57  }
0xf6: {  	s29 =	sadd.s32 $0x10, s29;
	v57 =	vld [tilespmem:s31+$0x80]  }
0xf7: {  	v58 =	vld [tilespmem:s31+$0x0];
	_ =	sdelay $0x4  }
0xf8: {  	vm0 =	veq.s32 v58, v56  }
0xf9: {  	v56 =	vmpcnt.ones.xlane vm0;
	_ =	sdelay $0x1  }
0xfa: {  	(v2sf) =	vpush v56, $0x0;
	_ =	sdelay $0xd  }
0xfb: {  	s2 =	spop (v2sf)  }
0xfc: {  	s0 =	sadd.s32 s0, s2;
	s30 =	spop (v2sf)  }
0xfd: {  	s31 =	sadd.s32 s0, s30  }
0xfe: {  	p2 =	slt.s32 s31, $0x1  }
.Ltmp8:
0xff: {  	s1 =	sadd.s32 s1, s10;
	(pc) =	sbr.rel @p2 .LBB2_17-.Ltmp8, $4  }
0x100: {  	v63 =	vor.u32 s1, v0;
	p1 =	slt.s32 s0, $0x800;
	s1 =	smov.u32 s0  }
0x101: {  	s1 =	simm.s32 @!p1 $0x800;
	[tilespmem:v57+s24+$0x0] =	vst.idx.msk vm0, v63  }
0x102: {  	[tilespmem:s1+$0x2100] =	vst.msk vm0, v63;
	p1 =	slt.s32 s31, $0x800  }
0x103: {  	[tilespmem:s1+$0x2980] =	vst.msk vm0, v57;
	s31 =	simm.s32 @!p1 $0x800  }
0x104: {  	s1 =	simm.s32 $0x2100  }
0x105: {  	v56 =	vld [tilespmem:s1+$0x0];
	_ =	sdelay $0x4  }
0x106: {  	(v2sf) =	vpush v56, $0x0;
	_ =	sdelay $0x1  }
0x107: {  	s2 =	simm.s32 $0x2980  }
0x108: {  	v60 =	vld [tilespmem:s2+$0x0];
	_ =	sdelay $0x4  }
0x109: {  	(v2sf) =	vpush v60, $0x0;
	_ =	sdelay $0x6  }
0x10a: {  	s0 =	spop (v2sf)  }
0x10b: {  	s19 =	sand.u32 $0x7F, s0  }
0x10c: {  	s29 =	sshra.s32 s0, $0x1F;
	p1 =	slt.s32 s0, $0x1;
	p2 =	sne.s32 s19, $0x0  }
0x10d: {  	s6 =	sshrl.u32 s29, $0x19;
	p1 =	por !p1, !p2  }
0x10e: {  	s29 =	simm.s32 $0x1;
	s19 =	sadd.s32 s6, s0;
	p1 =	por !p1, !p1  }
0x10f: {  	s19 =	sshra.s32 s19, $0x7;
	s29 =	simm.s32 @!p1 $0x0  }
0x110: {  	s30 =	rddreg [dreg:$0xa];
	s19 =	ssub.s32 s19, s29  }
0x111: {  	s20 =	rddreg [dreg:$0xb];
	s29 =	sshll.u32 s19, $0xA  }
0x112: {  	s17 =	rddreg [dreg:$0xc];
	s29 =	sadd.s32 s30, s29;
	s30 =	spop (v2sf)  }
0x113: {  	s19 =	sshll.u32 s19, $0x7;
	s29 =	sshrl.u32 s29, $0x3;
	s6 =	sshrl.u32 s30, $0x1F  }
0x114: {  	s0 =	ssub.s32 s0, s19;
	s8 =	sadd.s32 s20, s29;
	s6 =	sadd.s32 s6, s30  }
0x115: {  	v61 =	vadd.s32 s0, v1;
	[tilespmem:s26], [sflag:$0x1] =	stream.strided.gather [hbm4b:s8+s25], $0x2000, s17, s25, $0x38;
	[tilespmem:$0x1E990] =	vst v63  }
0x116: {  	s19 =	sand.u32 $0xFFFFFFFE, s6  }
0x117: {  	p5 =	slt.s32 s30, $0x1;
	_ =	swait.ge [sflag:s23], $0x2000;
	p6 =	sne.s32 s30, s19  }
0x118: {  	[sflag:s23] =	ssyncset.done $0x0;
	p1 =	por !p5, !p6  }
0x119: {  	s17 =	simm.s32 $0x1;
	[sflag:s23] =	ssyncadd.s32 $0xFFFFE000;
	p1 =	por !p1, !p1  }
0x11a: {  	s6 =	sshrl.u32 s6, $0x1;
	v56 =	vld.idx.msk [tilespmem:v61+s26+$0x0], $0xffff;
	s17 =	simm.s32 @!p1 $0x0  }
0x11b: {  	v57 =	vadd.s32 s0, v5;
	s20 =	sshll.u32 s30, $0x6;
	s6 =	ssub.s32 s6, s17  }
0x11c: {  	s30 =	sadd.s32 $0x80, s20;
	s6 =	sshll.u32 s6, $0x9  }
0x11d: {  	s17 =	sand.u32 $0x40, s30;
	s6 =	sshra.s32 s6, $0x2  }
0x11e: {  	s29 =	sor.u32 s17, s6  }
0x11f: {  	[tilespmem:s29+$0x5200] =	vst v56  }
0x120: {  	v56 =	vld.idx.msk [tilespmem:v57+s26+$0x0], $0xffff  }
0x121: {  	v62 =	vadd.s32 s0, v6;
	_ =	sdelay $0x3  }
0x122: {  	[tilespmem:s29+$0x5210] =	vst v56  }
0x123: {  	v56 =	vld.idx.msk [tilespmem:v62+s26+$0x0], $0xffff  }
0x124: {  	v63 =	vadd.s32 s0, v7;
	p1 =	sne.s32 s31, $0x1  }
.Ltmp9:
0x125: {  	_ = 	snop;
	(pc) =	sbr.rel @!p1 .LBB2_16-.Ltmp9, $3  }
0x126: {  	_ =	sdelay $0x1  }
0x127: {  	[tilespmem:s29+$0x5220] =	vst v56  }
0x128: {  	s0 =	sadd.s32 $0xFFFFFFFF, s31;
	v56 =	vld.idx.msk [tilespmem:v63+s26+$0x0], $0xffff  }
.LBB2_15:
0x129: {  	_ =	sdelay $0x3  }
0x12a: {  	s1 =	sadd.s32 $0x1, s1;
	[tilespmem:s29+$0x5230] =	vst v56  }
0x12b: {  	v56 =	vld [tilespmem:s1+$0x0];
	_ =	sdelay $0x4  }
0x12c: {  	(v2sf) =	vpush v56, $0x0;
	_ =	sdelay $0x1  }
0x12d: {  	s2 =	sadd.s32 $0x1, s2  }
0x12e: {  	v60 =	vld [tilespmem:s2+$0x0];
	_ =	sdelay $0x4  }
0x12f: {  	(v2sf) =	vpush v60, $0x0;
	_ =	sdelay $0x6  }
0x130: {  	s6 =	spop (v2sf)  }
0x131: {  	s19 =	sand.u32 $0x7F, s6  }
0x132: {  	s17 =	sshra.s32 s6, $0x1F;
	p2 =	slt.s32 s6, $0x1;
	p3 =	sne.s32 s19, $0x0  }
0x133: {  	s17 =	sshrl.u32 s17, $0x19;
	p2 =	por !p2, !p3  }
0x134: {  	s19 =	simm.s32 $0x1;
	s17 =	sadd.s32 s17, s6;
	p2 =	por !p2, !p2  }
0x135: {  	s17 =	sshra.s32 s17, $0x7;
	s19 =	simm.s32 @!p2 $0x0  }
0x136: {  	s17 =	ssub.s32 s17, s19  }
0x137: {  	s20 =	rddreg [dreg:$0xa];
	s29 =	sshll.u32 s17, $0xA;
	s17 =	sshll.u32 s17, $0x7  }
0x138: {  	s20 =	sadd.s32 s20, s29;
	s6 =	ssub.s32 s6, s17;
	s17 =	spop (v2sf)  }
0x139: {  	s30 =	rddreg [dreg:$0xb];
	s20 =	sshrl.u32 s20, $0x3;
	s29 =	sshrl.u32 s17, $0x1F  }
0x13a: {  	s19 =	rddreg [dreg:$0xc];
	s20 =	sadd.s32 s30, s20;
	s29 =	sadd.s32 s29, s17  }
0x13b: {  	v61 =	vadd.s32 s6, v1;
	[tilespmem:s26], [sflag:$0x1] =	stream.strided.gather [hbm4b:s20+s25], $0x2000, s19, s25, $0x38;
	[tilespmem:$0x1E990] =	vst v63  }
0x13c: {  	s20 =	sand.u32 $0xFFFFFFFE, s29  }
0x13d: {  	p5 =	slt.s32 s17, $0x1;
	_ =	swait.ge [sflag:s23], $0x2000;
	p6 =	sne.s32 s17, s20  }
0x13e: {  	[sflag:s23] =	ssyncset.done $0x0;
	p2 =	por !p5, !p6  }
0x13f: {  	s19 =	simm.s32 $0x1;
	[sflag:s23] =	ssyncadd.s32 $0xFFFFE000;
	p2 =	por !p2, !p2  }
0x140: {  	s30 =	sshrl.u32 s29, $0x1;
	v56 =	vld.idx.msk [tilespmem:v61+s26+$0x0], $0xffff;
	s19 =	simm.s32 @!p2 $0x0  }
0x141: {  	s8 =	sshll.u32 s17, $0x6;
	v57 =	vadd.s32 s6, v5;
	s17 =	ssub.s32 s30, s19  }
0x142: {  	s8 =	sadd.s32 $0x80, s8;
	s17 =	sshll.u32 s17, $0x9  }
0x143: {  	s8 =	sand.u32 $0x40, s8;
	s17 =	sshra.s32 s17, $0x2  }
0x144: {  	s29 =	sor.u32 s8, s17  }
0x145: {  	[tilespmem:s29+$0x5200] =	vst v56  }
0x146: {  	v56 =	vld.idx.msk [tilespmem:v57+s26+$0x0], $0xffff  }
0x147: {  	v62 =	vadd.s32 s6, v6;
	_ =	sdelay $0x3  }
0x148: {  	[tilespmem:s29+$0x5210] =	vst v56  }
0x149: {  	v56 =	vld.idx.msk [tilespmem:v62+s26+$0x0], $0xffff  }
0x14a: {  	p1 =	sne.s32 s0, $0x1;
	v63 =	vadd.s32 s6, v7  }
.Ltmp10:
0x14b: {  	_ = 	snop;
	(pc) =	sbr.rel @p1 .LBB2_15-.Ltmp10, $3  }
0x14c: {  	_ =	sdelay $0x1  }
0x14d: {  	[tilespmem:s29+$0x5220] =	vst v56  }
0x14e: {  	s0 =	sadd.s32 $0xFFFFFFFF, s0;
	v56 =	vld.idx.msk [tilespmem:v63+s26+$0x0], $0xffff  }
.LBB2_16:
0x14f: {  	_ =	sdelay $0x3  }
0x150: {  	[tilespmem:s29+$0x5230] =	vst v56  }
.LBB2_17:
.Ltmp11:
0x151: {  	(pc) =	sbr.rel @!p0 .LBB2_18-.Ltmp11, $1  }
0x152: {  	_ =	sdelay $0x3  }
0x153: {  	[bflag:$0x0] =	sbarrier.arrive $0xFFFF;
	s0 =	simm.s32 $0x15280  }
0x154: {  	[tilespmem:s0], [sflag:$0x1] =	stream.linear.gather [spmem:s15], $0x400, $0x38;
	[tilespmem:$0x1E990] =	vst v63  }
0x155: {  	_ =	swait.ge [sflag:s23], $0x400  }
0x156: {  	[sflag:s23] =	ssyncset.done $0x0  }
0x157: {  	s31 =	simm.s32 $0x15680;
	[sflag:s23] =	ssyncadd.s32 $0xFFFFFC00  }
0x158: {  	[tilespmem:s31], [sflag:$0x1] =	stream.linear.gather [spmem:s16], $0x810, $0x38;
	[tilespmem:$0x1E990] =	vst v63  }
0x159: {  	_ =	swait.ge [sflag:s23], $0x810  }
0x15a: {  	[sflag:s23] =	ssyncset.done $0x0  }
0x15b: {  	s30 =	simm.s32 $0x15F00;
	[sflag:s23] =	ssyncadd.s32 $0xFFFFF7F0  }
0x15c: {  	[tilespmem:s30], [sflag:$0x1] =	stream.linear.gather [spmem:s18], $0x10, $0x38;
	[tilespmem:$0x1E990] =	vst v63  }
0x15d: {  	_ =	swait.ge [sflag:s23], $0x10  }
0x15e: {  	[sflag:s23] =	ssyncset.done $0x0  }
0x15f: {  	[sflag:s23] =	ssyncadd.s32 $0xFFFFFFF0  }
0x160: {  	v56 =	vld [tilespmem:$0x15F00];
	_ =	sdelay $0x4  }
0x161: {  	(v2sf) =	vpush v56, $0x0;
	_ =	sdelay $0xe  }
0x162: {  	s0 =	spop (v2sf)  }
0x163: {  	p1 =	slt.s32 s0, $0x1  }
.Ltmp12:
0x164: {  	_ = 	snop;
	(pc) =	sbr.rel @p1 .LBB2_23-.Ltmp12, $1  }
0x165: {  	_ =	sdelay $0x3  }
0x166: {  	v56 =	vld [tilespmem:s31+$0x0];
	_ =	sdelay $0x4  }
0x167: {  	(v2sf) =	vpush v56, $0x0;
	_ =	sdelay $0xe  }
0x168: {  	s1 =	spop (v2sf)  }
0x169: {  	s2 =	sshrl.u32 s1, $0x1F  }
0x16a: {  	s2 =	sadd.s32 s2, s1  }
0x16b: {  	s6 =	sand.u32 $0xFFFFFFFE, s2  }
0x16c: {  	p1 =	slt.s32 s1, $0x1;
	p2 =	sne.s32 s1, s6  }
0x16d: {  	p1 =	por !p1, !p2  }
0x16e: {  	s6 =	simm.s32 $0x1;
	p1 =	por !p1, !p1  }
0x16f: {  	s2 =	sshra.s32 s2, $0x1;
	s6 =	simm.s32 @!p1 $0x0  }
0x170: {  	s2 =	ssub.s32 s2, s6  }
0x171: {  	s6 =	sand.u32 $0x7, s2  }
0x172: {  	s8 =	sshra.s32 s2, $0x1F;
	p5 =	slt.s32 s2, $0x1;
	p6 =	sne.s32 s6, $0x0  }
0x173: {  	s29 =	sshrl.u32 s8, $0x1D;
	p1 =	por !p5, !p6  }
0x174: {  	s8 =	simm.s32 $0x1;
	s6 =	sadd.s32 s29, s2;
	p1 =	por !p1, !p1  }
0x175: {  	s6 =	sshra.s32 s6, $0x3;
	s8 =	simm.s32 @!p1 $0x0  }
0x176: {  	s6 =	ssub.s32 s6, s8  }
0x177: {  	s17 =	sshll.u32 s6, $0xC  }
0x178: {  	s30 =	rddreg [dreg:$0xd];
	s1 =	sshll.u32 s1, $0x6;
	s17 =	sshra.s32 s17, $0x2  }
0x179: {  	s2 =	sshll.u32 s2, $0x7;
	s6 =	sshll.u32 s6, $0xA;
	s17 =	sadd.s32 s17, s14  }
0x17a: {  	[tilespmem:s30], [sflag:$0x1] =	stream.linear.gather [spmem:s17], $0x400, $0x38;
	[tilespmem:$0x1E990] =	vst v63  }
0x17b: {  	s1 =	sadd.s32 $0x80, s1;
	s6 =	ssub.s32 s2, s6;
	_ =	swait.ge [sflag:s23], $0x400  }
0x17c: {  	s1 =	sand.u32 $0x40, s1;
	s6 =	sadd.s32 $0x15F80, s6;
	[sflag:s23] =	ssyncset.done $0x0  }
0x17d: {  	s19 =	sor.u32 s1, s6;
	[sflag:s23] =	ssyncadd.s32 $0xFFFFFC00  }
0x17e: {  	v63 =	vld [tilespmem:s19+$0x0];
	_ =	sdelay $0x2  }
0x17f: {  	s2 =	sadd.s32 $0x5200, s2  }
0x180: {  	s29 =	sor.u32 $0x10, s1;
	s20 =	sor.u32 s1, s2  }
0x181: {  	s30 =	sor.u32 s29, s6;
	[tilespmem:s20+$0x0] =	vst v63  }
0x182: {  	v56 =	vld [tilespmem:s30+$0x0];
	_ =	sdelay $0x3  }
0x183: {  	s17 =	sor.u32 s29, s2;
	s19 =	sor.u32 $0x20, s1  }
0x184: {  	p1 =	slt.s32 s0, $0x800;
	s20 =	sor.u32 s19, s6;
	[tilespmem:s17+$0x0] =	vst v56  }
0x185: {  	s0 =	simm.s32 @!p1 $0x800;
	v56 =	vld [tilespmem:s20+$0x0]  }
0x186: {  	p1 =	sne.s32 s0, $0x1  }
.Ltmp13:
0x187: {  	_ = 	snop;
	(pc) =	sbr.rel @!p1 .LBB2_22-.Ltmp13, $4  }
0x188: {  	_ = 	snop  }
0x189: {  	s29 =	sor.u32 $0x30, s1;
	s30 =	sor.u32 s19, s2  }
0x18a: {  	s6 =	sor.u32 s29, s6;
	[tilespmem:s30+$0x0] =	vst v56  }
0x18b: {  	s1 =	sadd.s32 $0xFFFFFFFF, s0;
	s0 =	sor.u32 s29, s2;
	v56 =	vld [tilespmem:s6+$0x0]  }
.LBB2_21:
0x18c: {  	_ =	sdelay $0x3  }
0x18d: {  	s31 =	sadd.s32 $0x1, s31;
	[tilespmem:s0+$0x0] =	vst v56  }
0x18e: {  	v56 =	vld [tilespmem:s31+$0x0];
	_ =	sdelay $0x4  }
0x18f: {  	(v2sf) =	vpush v56, $0x0;
	_ =	sdelay $0xe  }
0x190: {  	s17 =	spop (v2sf)  }
0x191: {  	s2 =	sshrl.u32 s17, $0x1F  }
0x192: {  	s2 =	sadd.s32 s2, s17  }
0x193: {  	s8 =	sand.u32 $0xFFFFFFFE, s2  }
0x194: {  	p2 =	slt.s32 s17, $0x1;
	p3 =	sne.s32 s17, s8  }
0x195: {  	p2 =	por !p2, !p3  }
0x196: {  	s19 =	sshra.s32 s2, $0x1;
	s2 =	simm.s32 $0x1;
	p2 =	por !p2, !p2  }
0x197: {  	s2 =	simm.s32 @!p2 $0x0  }
0x198: {  	s0 =	ssub.s32 s19, s2  }
0x199: {  	s20 =	sand.u32 $0x7, s0  }
0x19a: {  	s2 =	sshra.s32 s0, $0x1F;
	p5 =	slt.s32 s0, $0x1;
	p6 =	sne.s32 s20, $0x0  }
0x19b: {  	s2 =	sshrl.u32 s2, $0x1D;
	p2 =	por !p5, !p6  }
0x19c: {  	s8 =	simm.s32 $0x1;
	s2 =	sadd.s32 s2, s0;
	p2 =	por !p2, !p2  }
0x19d: {  	s2 =	sshra.s32 s2, $0x3;
	s8 =	simm.s32 @!p2 $0x0  }
0x19e: {  	s2 =	ssub.s32 s2, s8  }
0x19f: {  	s6 =	sshll.u32 s17, $0x6;
	s17 =	sshll.u32 s2, $0xC  }
0x1a0: {  	s29 =	rddreg [dreg:$0xd];
	s17 =	sshra.s32 s17, $0x2  }
0x1a1: {  	s0 =	sshll.u32 s0, $0x7;
	s2 =	sshll.u32 s2, $0xA;
	s30 =	sadd.s32 s17, s14  }
0x1a2: {  	[tilespmem:s29], [sflag:$0x1] =	stream.linear.gather [spmem:s30], $0x400, $0x38;
	[tilespmem:$0x1E990] =	vst v63  }
0x1a3: {  	s6 =	sadd.s32 $0x80, s6;
	s2 =	ssub.s32 s0, s2;
	_ =	swait.ge [sflag:s23], $0x400  }
0x1a4: {  	s6 =	sand.u32 $0x40, s6;
	s2 =	sadd.s32 $0x15F80, s2;
	[sflag:s23] =	ssyncset.done $0x0  }
0x1a5: {  	s17 =	sor.u32 s6, s2;
	[sflag:s23] =	ssyncadd.s32 $0xFFFFFC00  }
0x1a6: {  	v63 =	vld [tilespmem:s17+$0x0];
	_ =	sdelay $0x1  }
0x1a7: {  	s20 =	sor.u32 $0x30, s6;
	s19 =	sadd.s32 $0x5200, s0  }
0x1a8: {  	s0 =	sor.u32 s20, s19  }
0x1a9: {  	s29 =	sor.u32 s6, s19;
	s17 =	sor.u32 s20, s2;
	s20 =	sor.u32 $0x10, s6  }
0x1aa: {  	s30 =	sor.u32 s20, s2;
	[tilespmem:s29+$0x0] =	vst v63  }
0x1ab: {  	v56 =	vld [tilespmem:s30+$0x0];
	_ =	sdelay $0x3  }
0x1ac: {  	s6 =	sor.u32 $0x20, s6;
	s29 =	sor.u32 s20, s19  }
0x1ad: {  	s2 =	sor.u32 s6, s2;
	[tilespmem:s29+$0x0] =	vst v56  }
0x1ae: {  	v56 =	vld [tilespmem:s2+$0x0]  }
0x1af: {  	p1 =	sne.s32 s1, $0x1  }
.Ltmp14:
0x1b0: {  	_ = 	snop;
	(pc) =	sbr.rel @p1 .LBB2_21-.Ltmp14, $4  }
0x1b1: {  	_ = 	snop  }
0x1b2: {  	s30 =	sor.u32 s6, s19  }
0x1b3: {  	[tilespmem:s30+$0x0] =	vst v56  }
0x1b4: {  	s1 =	sadd.s32 $0xFFFFFFFF, s1;
	v56 =	vld [tilespmem:s17+$0x0]  }
.LBB2_22:
0x1b5: {  	_ =	sdelay $0x3  }
0x1b6: {  	[tilespmem:s0+$0x0] =	vst v56  }
.LBB2_23:
0x1b7: {  	s0 =	simm.s32 $0x0  }
0x1b8: {  	s1 =	simm.s32 $0x40;
	v56 =	vld [tilespmem:s0+$0x15280]  }
.LBB2_24:
0x1b9: {  	p1 =	sne.s32 s1, $0xFC0;
	v57 =	vld [tilespmem:s0+$0x1900];
	_ =	sdelay $0x2  }
.Ltmp15:
0x1ba: {  	(pc) =	sbr.rel @p1 .LBB2_24-.Ltmp15, $4  }
0x1bb: {  	_ = 	snop  }
0x1bc: {  	vm0 =	vgt.s32 v57, v56  }
0x1bd: {  	s2 =	sshra.s32 s1, $0x2;
	v57 =	vsel vm0, v57, v56  }
0x1be: {  	s1 =	sadd.s32 $0x40, s1;
	v56 =	vld [tilespmem:s2+$0x15280];
	[tilespmem:s0+$0x1900] =	vst v57;
	s0 =	smov.u32 s2  }
0x1bf: {  	v57 =	vld [tilespmem:s0+$0x1900];
	_ =	sdelay $0x4  }
0x1c0: {  	vm0 =	vgt.s32 v57, v56  }
0x1c1: {  	v56 =	vsel vm0, v57, v56  }
0x1c2: {  	[tilespmem:s0+$0x1900] =	vst v56  }
0x1c3: {  	v56 =	vld.idx.msk [tilespmem:v4+s24+$0x0], $0xffff;
	_ =	sdelay $0x4  }
0x1c4: {  	[tilespmem:$0x1D00] =	vst v56  }
0x1c5: {  	v56 =	vld.idx.msk [tilespmem:v8+s24+$0x0], $0xffff;
	_ =	sdelay $0x4  }
0x1c6: {  	[tilespmem:$0x1F00] =	vst v56  }
0x1c7: {  	v56 =	vld.idx.msk [tilespmem:v9+s24+$0x0], $0xffff;
	_ =	sdelay $0x4  }
0x1c8: {  	[tilespmem:$0x1D10] =	vst v56  }
0x1c9: {  	v56 =	vld.idx.msk [tilespmem:v10+s24+$0x0], $0xffff;
	_ =	sdelay $0x4  }
0x1ca: {  	[tilespmem:$0x1F10] =	vst v56  }
0x1cb: {  	v56 =	vld.idx.msk [tilespmem:v11+s24+$0x0], $0xffff;
	_ =	sdelay $0x4  }
0x1cc: {  	[tilespmem:$0x1D20] =	vst v56  }
0x1cd: {  	v56 =	vld.idx.msk [tilespmem:v12+s24+$0x0], $0xffff;
	_ =	sdelay $0x4  }
0x1ce: {  	[tilespmem:$0x1F20] =	vst v56  }
0x1cf: {  	v56 =	vld.idx.msk [tilespmem:v13+s24+$0x0], $0xffff;
	_ =	sdelay $0x4  }
0x1d0: {  	[tilespmem:$0x1D30] =	vst v56  }
0x1d1: {  	v56 =	vld.idx.msk [tilespmem:v14+s24+$0x0], $0xffff;
	_ =	sdelay $0x4  }
0x1d2: {  	[tilespmem:$0x1F30] =	vst v56  }
0x1d3: {  	v56 =	vld.idx.msk [tilespmem:v15+s24+$0x0], $0xffff;
	_ =	sdelay $0x4  }
0x1d4: {  	[tilespmem:$0x1D40] =	vst v56  }
0x1d5: {  	v56 =	vld.idx.msk [tilespmem:v16+s24+$0x0], $0xffff;
	_ =	sdelay $0x4  }
0x1d6: {  	[tilespmem:$0x1F40] =	vst v56  }
0x1d7: {  	v56 =	vld.idx.msk [tilespmem:v17+s24+$0x0], $0xffff;
	_ =	sdelay $0x4  }
0x1d8: {  	[tilespmem:$0x1D50] =	vst v56  }
0x1d9: {  	v56 =	vld.idx.msk [tilespmem:v18+s24+$0x0], $0xffff;
	_ =	sdelay $0x4  }
0x1da: {  	[tilespmem:$0x1F50] =	vst v56  }
0x1db: {  	v56 =	vld.idx.msk [tilespmem:v19+s24+$0x0], $0xffff;
	_ =	sdelay $0x4  }
0x1dc: {  	[tilespmem:$0x1D60] =	vst v56  }
0x1dd: {  	v56 =	vld.idx.msk [tilespmem:v20+s24+$0x0], $0xffff;
	_ =	sdelay $0x4  }
0x1de: {  	[tilespmem:$0x1F60] =	vst v56  }
0x1df: {  	v56 =	vld.idx.msk [tilespmem:v21+s24+$0x0], $0xffff;
	_ =	sdelay $0x4  }
0x1e0: {  	[tilespmem:$0x1D70] =	vst v56  }
0x1e1: {  	v56 =	vld.idx.msk [tilespmem:v22+s24+$0x0], $0xffff;
	_ =	sdelay $0x4  }
0x1e2: {  	[tilespmem:$0x1F70] =	vst v56  }
0x1e3: {  	v56 =	vld.idx.msk [tilespmem:v23+s24+$0x0], $0xffff;
	_ =	sdelay $0x4  }
0x1e4: {  	[tilespmem:$0x1D80] =	vst v56  }
0x1e5: {  	v56 =	vld.idx.msk [tilespmem:v24+s24+$0x0], $0xffff;
	_ =	sdelay $0x4  }
0x1e6: {  	[tilespmem:$0x1F80] =	vst v56  }
0x1e7: {  	v56 =	vld.idx.msk [tilespmem:v25+s24+$0x0], $0xffff;
	_ =	sdelay $0x4  }
0x1e8: {  	[tilespmem:$0x1D90] =	vst v56  }
0x1e9: {  	v56 =	vld.idx.msk [tilespmem:v26+s24+$0x0], $0xffff;
	_ =	sdelay $0x4  }
0x1ea: {  	[tilespmem:$0x1F90] =	vst v56  }
0x1eb: {  	v56 =	vld.idx.msk [tilespmem:v27+s24+$0x0], $0xffff;
	_ =	sdelay $0x4  }
0x1ec: {  	[tilespmem:$0x1DA0] =	vst v56  }
0x1ed: {  	v56 =	vld.idx.msk [tilespmem:v28+s24+$0x0], $0xffff;
	_ =	sdelay $0x4  }
0x1ee: {  	[tilespmem:$0x1FA0] =	vst v56  }
0x1ef: {  	v56 =	vld.idx.msk [tilespmem:v29+s24+$0x0], $0xffff;
	_ =	sdelay $0x4  }
0x1f0: {  	[tilespmem:$0x1DB0] =	vst v56  }
0x1f1: {  	v56 =	vld.idx.msk [tilespmem:v30+s24+$0x0], $0xffff;
	_ =	sdelay $0x4  }
0x1f2: {  	[tilespmem:$0x1FB0] =	vst v56  }
0x1f3: {  	v56 =	vld.idx.msk [tilespmem:v31+s24+$0x0], $0xffff;
	_ =	sdelay $0x4  }
0x1f4: {  	[tilespmem:$0x1DC0] =	vst v56  }
0x1f5: {  	v56 =	vld.idx.msk [tilespmem:v32+s24+$0x0], $0xffff;
	_ =	sdelay $0x4  }
0x1f6: {  	[tilespmem:$0x1FC0] =	vst v56  }
0x1f7: {  	v56 =	vld.idx.msk [tilespmem:v33+s24+$0x0], $0xffff;
	_ =	sdelay $0x4  }
0x1f8: {  	[tilespmem:$0x1DD0] =	vst v56  }
0x1f9: {  	v56 =	vld.idx.msk [tilespmem:v34+s24+$0x0], $0xffff;
	_ =	sdelay $0x4  }
0x1fa: {  	[tilespmem:$0x1FD0] =	vst v56  }
0x1fb: {  	v56 =	vld.idx.msk [tilespmem:v35+s24+$0x0], $0xffff;
	_ =	sdelay $0x4  }
0x1fc: {  	[tilespmem:$0x1DE0] =	vst v56  }
0x1fd: {  	v56 =	vld.idx.msk [tilespmem:v36+s24+$0x0], $0xffff;
	_ =	sdelay $0x4  }
0x1fe: {  	[tilespmem:$0x1FE0] =	vst v56  }
0x1ff: {  	v56 =	vld.idx.msk [tilespmem:v37+s24+$0x0], $0xffff;
	_ =	sdelay $0x4  }
0x200: {  	[tilespmem:$0x1DF0] =	vst v56  }
0x201: {  	v56 =	vld.idx.msk [tilespmem:v38+s24+$0x0], $0xffff;
	_ =	sdelay $0x4  }
0x202: {  	[tilespmem:$0x1FF0] =	vst v56  }
0x203: {  	v56 =	vld.idx.msk [tilespmem:v39+s24+$0x0], $0xffff;
	_ =	sdelay $0x4  }
0x204: {  	[tilespmem:$0x1E00] =	vst v56  }
0x205: {  	v56 =	vld.idx.msk [tilespmem:v40+s24+$0x0], $0xffff;
	_ =	sdelay $0x4  }
0x206: {  	[tilespmem:$0x2000] =	vst v56  }
0x207: {  	v56 =	vld.idx.msk [tilespmem:v41+s24+$0x0], $0xffff;
	_ =	sdelay $0x4  }
0x208: {  	[tilespmem:$0x1E10] =	vst v56  }
0x209: {  	v56 =	vld.idx.msk [tilespmem:v42+s24+$0x0], $0xffff;
	_ =	sdelay $0x4  }
0x20a: {  	[tilespmem:$0x2010] =	vst v56  }
0x20b: {  	v56 =	vld.idx.msk [tilespmem:v43+s24+$0x0], $0xffff;
	_ =	sdelay $0x4  }
0x20c: {  	[tilespmem:$0x1E20] =	vst v56  }
0x20d: {  	v56 =	vld.idx.msk [tilespmem:v44+s24+$0x0], $0xffff;
	_ =	sdelay $0x4  }
0x20e: {  	[tilespmem:$0x2020] =	vst v56  }
0x20f: {  	v56 =	vld.idx.msk [tilespmem:v45+s24+$0x0], $0xffff;
	_ =	sdelay $0x4  }
0x210: {  	[tilespmem:$0x1E30] =	vst v56  }
0x211: {  	v56 =	vld.idx.msk [tilespmem:v46+s24+$0x0], $0xffff;
	_ =	sdelay $0x4  }
0x212: {  	[tilespmem:$0x2030] =	vst v56  }
0x213: {  	v56 =	vld.idx.msk [tilespmem:v47+s24+$0x0], $0xffff;
	_ =	sdelay $0x4  }
0x214: {  	[tilespmem:$0x1E40] =	vst v56  }
0x215: {  	v56 =	vld.idx.msk [tilespmem:v48+s24+$0x0], $0xffff;
	_ =	sdelay $0x4  }
0x216: {  	[tilespmem:$0x2040] =	vst v56  }
0x217: {  	v56 =	vld.idx.msk [tilespmem:v49+s24+$0x0], $0xffff;
	_ =	sdelay $0x4  }
0x218: {  	[tilespmem:$0x1E50] =	vst v56  }
0x219: {  	v56 =	vld.idx.msk [tilespmem:v50+s24+$0x0], $0xffff;
	_ =	sdelay $0x4  }
0x21a: {  	[tilespmem:$0x2050] =	vst v56  }
0x21b: {  	v56 =	vld.idx.msk [tilespmem:v51+s24+$0x0], $0xffff;
	_ =	sdelay $0x4  }
0x21c: {  	[tilespmem:$0x1E60] =	vst v56  }
0x21d: {  	v56 =	vld.idx.msk [tilespmem:v52+s24+$0x0], $0xffff;
	_ =	sdelay $0x4  }
0x21e: {  	[tilespmem:$0x2060] =	vst v56  }
0x21f: {  	v56 =	vld.idx.msk [tilespmem:v53+s24+$0x0], $0xffff;
	_ =	sdelay $0x4  }
0x220: {  	[tilespmem:$0x1E70] =	vst v56  }
0x221: {  	v56 =	vld.idx.msk [tilespmem:v54+s24+$0x0], $0xffff;
	_ =	sdelay $0x4  }
0x222: {  	[tilespmem:$0x2070] =	vst v56  }
0x223: {  	v56 =	vld.idx.msk [tilespmem:v55+s24+$0x0], $0xffff  }
0x224: {  	v61 =	vor.u32 $0x301, v4;
	_ =	sdelay $0x3  }
0x225: {  	[tilespmem:$0x1E80] =	vst v56  }
0x226: {  	v56 =	vld.idx.msk [tilespmem:v61+s24+$0x0], $0xffff  }
0x227: {  	v62 =	vor.u32 $0x320, v4;
	_ =	sdelay $0x3  }
0x228: {  	[tilespmem:$0x2080] =	vst v56  }
0x229: {  	v56 =	vld.idx.msk [tilespmem:v62+s24+$0x0], $0xffff  }
0x22a: {  	v63 =	vor.u32 $0x321, v4;
	_ =	sdelay $0x3  }
0x22b: {  	[tilespmem:$0x1E90] =	vst v56  }
0x22c: {  	v56 =	vld.idx.msk [tilespmem:v63+s24+$0x0], $0xffff  }
0x22d: {  	v60 =	vor.u32 $0x340, v4;
	_ =	sdelay $0x3  }
0x22e: {  	[tilespmem:$0x2090] =	vst v56  }
0x22f: {  	v56 =	vld.idx.msk [tilespmem:v60+s24+$0x0], $0xffff  }
0x230: {  	v61 =	vor.u32 $0x341, v4;
	_ =	sdelay $0x3  }
0x231: {  	[tilespmem:$0x1EA0] =	vst v56  }
0x232: {  	v56 =	vld.idx.msk [tilespmem:v61+s24+$0x0], $0xffff  }
0x233: {  	v62 =	vor.u32 $0x360, v4;
	_ =	sdelay $0x3  }
0x234: {  	[tilespmem:$0x20A0] =	vst v56  }
0x235: {  	v56 =	vld.idx.msk [tilespmem:v62+s24+$0x0], $0xffff  }
0x236: {  	v63 =	vor.u32 $0x361, v4;
	_ =	sdelay $0x3  }
0x237: {  	[tilespmem:$0x1EB0] =	vst v56  }
0x238: {  	v56 =	vld.idx.msk [tilespmem:v63+s24+$0x0], $0xffff  }
0x239: {  	v60 =	vor.u32 $0x380, v4;
	_ =	sdelay $0x3  }
0x23a: {  	[tilespmem:$0x20B0] =	vst v56  }
0x23b: {  	v56 =	vld.idx.msk [tilespmem:v60+s24+$0x0], $0xffff  }
0x23c: {  	v61 =	vor.u32 $0x381, v4;
	_ =	sdelay $0x3  }
0x23d: {  	[tilespmem:$0x1EC0] =	vst v56  }
0x23e: {  	v56 =	vld.idx.msk [tilespmem:v61+s24+$0x0], $0xffff  }
0x23f: {  	v62 =	vor.u32 $0x3A0, v4;
	_ =	sdelay $0x3  }
0x240: {  	[tilespmem:$0x20C0] =	vst v56  }
0x241: {  	v56 =	vld.idx.msk [tilespmem:v62+s24+$0x0], $0xffff  }
0x242: {  	v63 =	vor.u32 $0x3A1, v4;
	_ =	sdelay $0x3  }
0x243: {  	[tilespmem:$0x1ED0] =	vst v56  }
0x244: {  	v56 =	vld.idx.msk [tilespmem:v63+s24+$0x0], $0xffff  }
0x245: {  	v60 =	vor.u32 $0x3C0, v4;
	_ =	sdelay $0x3  }
0x246: {  	[tilespmem:$0x20D0] =	vst v56  }
0x247: {  	v56 =	vld.idx.msk [tilespmem:v60+s24+$0x0], $0xffff  }
0x248: {  	v61 =	vor.u32 $0x3C1, v4;
	_ =	sdelay $0x3  }
0x249: {  	[tilespmem:$0x1EE0] =	vst v56  }
0x24a: {  	v56 =	vld.idx.msk [tilespmem:v61+s24+$0x0], $0xffff  }
0x24b: {  	v62 =	vor.u32 $0x3E0, v4;
	_ =	sdelay $0x3  }
0x24c: {  	[tilespmem:$0x20E0] =	vst v56  }
0x24d: {  	v56 =	vld.idx.msk [tilespmem:v62+s24+$0x0], $0xffff  }
0x24e: {  	v63 =	vor.u32 $0x3E1, v4;
	_ =	sdelay $0x3  }
0x24f: {  	[tilespmem:$0x1EF0] =	vst v56  }
0x250: {  	v56 =	vld.idx.msk [tilespmem:v63+s24+$0x0], $0xffff;
	_ =	sdelay $0x4  }
0x251: {  	s19 =	rddreg [dreg:$0x11];
	s1 =	simm.s32 $0x5200;
	[tilespmem:$0x20F0] =	vst v56  }
0x252: {  	[hbm4b:s19+s3] =	stream.linear.scatter [tilespmem:s1], [sflag:$0x1], $0x10000, $0x38;
	[tilespmem:$0x1E990] =	vst v63  }
0x253: {  	_ =	swait.ge [sflag:s23], $0x10000  }
0x254: {  	[sflag:s23] =	ssyncset.done $0x0  }
0x255: {  	s29 =	simm.s32 $0x1D00;
	s20 =	rddreg [dreg:$0x10];
	[sflag:s23] =	ssyncadd.s32 $0xFFFF0000  }
0x256: {  	[hbm4b:s20+s3] =	stream.linear.scatter [tilespmem:s29], [sflag:$0x1], $0x200, $0x38;
	[tilespmem:$0x1E990] =	vst v63  }
0x257: {  	_ =	swait.ge [sflag:s23], $0x200  }
0x258: {  	s31 =	simm.s32 $0x1F00;
	[sflag:s23] =	ssyncset.done $0x0  }
.Ltmp16:
0x259: {  	s30 =	rddreg [dreg:$0x12];
	[sflag:s23] =	ssyncadd.s32 $0xFFFFFE00;
	(pc) =	sbr.rel .LBB2_26-.Ltmp16, $4  }
0x25a: {  	[hbm4b:s30+s3] =	stream.linear.scatter [tilespmem:s31], [sflag:$0x1], $0x200, $0x38;
	[tilespmem:$0x1E990] =	vst v63  }
0x25b: {  	_ =	swait.ge [sflag:s23], $0x200  }
0x25c: {  	[sflag:s23] =	ssyncset.done $0x0  }
0x25d: {  	[sflag:s23] =	ssyncadd.s32 $0xFFFFFE00  }
.LBB2_27:
0x25e: {  	_ =	sfence.sel $0x180000  }
0x25f: {  	[bflag:$0x0] =	sbarrier.arrive $0xFFFF  }
0x260: {  	_ =	strace $0x90000047  }
0x261: {  	s0 =	stileid.u32;
	[bflag:$0x2] =	sbarrier.arrive $0xFFFF  }
0x262: {  	p0 =	sne.s32 s0, $0x0;
	s0 =	rddreg [dreg:$0x9]  }
0x263: {  	s0 =	sadd.s32 @!p0 $0x100000, s0  }
0x264: {  	[sflag:s0] =	ssyncadd.tile.s32 @!p0 $0x1;
	_ =	shalt  }
.Lfunc_end2:
_tile_overlayer_lowered:
.L_overlay_start_2:
0x265: {  	(tag) =	ssettag $0x2  }
0x266: {  	s0 =	rddreg [dreg:$0x0];
	s2 =	stileid.u32  }
0x267: {  	s1 =	rddreg [dreg:$0x1];
	p0 =	sne.s32 s2, $0x0  }
0x268: {  	s3 =	rddreg [dreg:$0x2];
	[bflag:$0x3] =	sbarrier.arrive $0xFFFF;
	s2 =	simm.s32 @!p0 $0x1C01  }
0x269: {  	[timem:s3], [sflag:s2] =	dma.local @!p0 [hbm:s0], s1  }
0x26a: {  	s0 =	simm.s32 @!p0 $0x1  }
0x26b: {  	_ =	swait.ge @!p0 [sflag:s0], s1  }
0x26c: {  	s1 =	ssub.s32 @!p0 $0x0, s1;
	[sflag:s0] =	ssyncset.done @!p0 $0x0  }
0x26d: {  	[sflag:s0] =	ssyncadd.s32 @!p0 s1  }
0x26e: {  	[bflag:$0x3] =	sbarrier.arrive $0xFFFF  }
0x26f: {  	_ =	shalt  }

</sc_bundles>
